<compile_context>
chip_gen: v7x
topology: tpu7x:2x2x1
jax: 0.10.2.dev20260603
libtpu: 0.0.44.dev20260713+nightly
codegen_flags: <defaults>
</compile_context>

<pallas_src>
import functools

import jax
import jax.numpy as jnp
import numpy as np
from jax import lax
from jax.experimental import pallas as pl
from jax.experimental.pallas import tpu as pltpu
from jax.experimental.pallas import tpu_sc as plsc

_TEMP = np.float32(0.7)
_INV_TEMP = np.float32(1.0) / _TEMP
_NC, _NS = 2, 16
_NW = _NC * _NS
_L = 16


def _tc_manual(h, w, t_off, T_TC, D, E, RB, NBUF):
    n_blk = T_TC // RB
    assert n_blk >= NBUF and T_TC % RB == 0

    def body(h_hbm, w_ref, o_ref, bufs, sems):
        def start(b, s):
            pltpu.make_async_copy(
                h_hbm.at[pl.ds(t_off + b * RB, RB)], bufs.at[s], sems.at[s]
            ).start()

        def wait(s):
            pltpu.make_async_copy(
                h_hbm.at[pl.ds(t_off, RB)], bufs.at[s], sems.at[s]
            ).wait()

        for s in range(NBUF):
            start(s, s)
        w = w_ref[...]

        def step(b, s):
            wait(s)
            r = lax.dot_general(
                w, bufs[s],
                (((1,), (1,)), ((), ())),
                preferred_element_type=jnp.float32,
            )
            o_ref[:, pl.ds(b * RB, RB)] = r * _INV_TEMP

            @pl.when(b + NBUF < n_blk)
            def _():
                start(b + NBUF, s)

        def grp_body(g, carry):
            for s in range(NBUF):
                step(g * NBUF + s, s)
            return carry

        n_grp = n_blk // NBUF
        lax.fori_loop(0, n_grp, grp_body, 0)
        for i in range(n_grp * NBUF, n_blk):
            step(i, i % NBUF)

    return pl.pallas_call(
        body,
        in_specs=[
            pl.BlockSpec(memory_space=pl.ANY),
            pl.BlockSpec((E, D), lambda: (0, 0)),
        ],
        out_specs=pl.BlockSpec((E, T_TC), lambda: (0, 0)),
        out_shape=jax.ShapeDtypeStruct((E, T_TC), jnp.float32),
        scratch_shapes=[
            pltpu.VMEM((NBUF, RB, D), jnp.float32),
            pltpu.SemaphoreType.DMA((NBUF,)),
        ],
    )(h, w)


def _sc_gate_call(h, w, t_off, T_SC, D, E, CH, TBLK, NBUF=3):
    WT = T_SC // _NW
    n_chunks = WT // CH
    KC = D // _L
    assert WT % CH == 0 and CH % TBLK == 0 and (TBLK * E) % _L == 0

    mesh = plsc.VectorSubcoreMesh(core_axis_name="c", subcore_axis_name="s")

    _dnums = lax.GatherDimensionNumbers(
        offset_dims=(), collapsed_slice_dims=(0,), start_index_map=(0,)
    )

    def _perm(v, idx2d):
        return lax.gather(
            v, idx2d, _dnums, (1,),
            mode=lax.GatherScatterMode.PROMISE_IN_BOUNDS,
        )

    def compute_chunk(buf, w_v, out_v, c, lane, xor_idx):
        for t0 in range(0, CH, TBLK):
            def kbody(k, accs):
                hs = [buf[t0 + i, pl.ds(k * _L, _L)] for i in range(TBLK)]
                new = []
                for e in range(E):
                    wv = w_v[e, pl.ds(k * _L, _L)]
                    for i in range(TBLK):
                        new.append(accs[e * TBLK + i] + hs[i] * wv)
                return tuple(new)

            zero = jnp.zeros((_L,), jnp.float32)
            accs = lax.fori_loop(
                0, KC, kbody, tuple([zero] * (E * TBLK)), unroll=2
            )
            tots = [None] * (TBLK * E)
            for e in range(E):
                for i in range(TBLK):
                    v = accs[e * TBLK + i]
                    for sh in range(4):
                        v = v + _perm(v, xor_idx[sh])
                    tots[i * E + e] = v
            for g in range(TBLK * E // _L):
                res = tots[g * _L]
                for l in range(1, _L):
                    res = jnp.where(lane == l, tots[g * _L + l], res)
                off = (c * CH + t0) * E + g * _L
                out_v[pl.ds(off, _L)] = res * _INV_TEMP

    @functools.partial(
        pl.kernel,
        out_type=jax.ShapeDtypeStruct((T_SC * E,), jnp.float32),
        mesh=mesh,
        scratch_types=[
            pltpu.VMEM((E, D), jnp.float32),
            pltpu.VMEM((NBUF, CH, D), jnp.float32),
            pltpu.VMEM((WT * E,), jnp.float32),
            pltpu.SemaphoreType.DMA((NBUF,)),
        ],
    )
    def k(h_hbm, w_hbm, out_hbm, w_v, buf_v, out_v, sems):
        wid = lax.axis_index("s") * _NC + lax.axis_index("c")
        base = t_off + wid * WT
        lane = lax.iota(jnp.int32, _L)
        xor_idx = [(lane ^ (1 << sh)).reshape(_L, 1) for sh in range(4)]
        pltpu.sync_copy(w_hbm, w_v)

        def start(c, b):
            pltpu.async_copy(
                h_hbm.at[pl.ds(base + c * CH, CH)], buf_v.at[b], sems.at[b]
            )

        def wait(b):
            pltpu.make_async_copy(
                h_hbm.at[pl.ds(base, CH)], buf_v.at[b], sems.at[b]
            ).wait()

        for c in range(min(NBUF, n_chunks)):
            start(c, c)
        for c in range(n_chunks):
            b = c % NBUF
            wait(b)
            compute_chunk(buf_v.at[b], w_v, out_v, c, lane, xor_idx)
            if c + NBUF < n_chunks:
                start(c + NBUF, b)
        pltpu.sync_copy(out_v, out_hbm.at[pl.ds(wid * WT * E, WT * E)])

    return k(h, w)


def kernel(hidden_states, gate_weight):
    B, S, D = hidden_states.shape
    E = gate_weight.shape[0]
    T = B * S
    h = hidden_states.reshape(T, D)

    T_SC = 256
    T_TC = T - T_SC
    out_sc = _sc_gate_call(h, gate_weight, T_TC, T_SC, D, E, CH=8, TBLK=4)
    out_tc = _tc_manual(h, gate_weight, 0, T_TC, D, E, RB=256, NBUF=4)
    out = jnp.concatenate(
        [out_tc, out_sc.reshape(T_SC, E).T], axis=1
    )
    return out.T.reshape(B, S, E)

# --- scband reference (transcript-rebuilt; emitter-appended) ---
"""Pipeline reference for scband-bert-mo-egate-42691974922299 (READ-ONLY COPY).

The authoritative reference and input builder live on the scoring server;
editing this copy changes nothing except your own understanding.
"""

import jax, jax.numpy as jnp
import numpy as np

HIDDEN_SIZE = 2048
NUM_EXPERTS = 8
TEMPERATURE = 0.7


def setup_inputs(seed: int = 0) -> dict:
    key = jax.random.key(seed)
    k1, k2 = jax.random.split(key)
    hidden_states = jax.random.normal(k1, (4, 2048, HIDDEN_SIZE), dtype=jnp.float32)
    # kaiming_uniform_(a=sqrt(5)) for Linear(hidden_size -> num_experts):
    # bound = sqrt(6 / ((1 + a^2) * fan_in)) with fan_in = hidden_size, a^2 = 5
    bound = float(np.sqrt(6.0 / ((1.0 + 5.0) * HIDDEN_SIZE)))
    gate_weight = jax.random.uniform(
        k2, (NUM_EXPERTS, HIDDEN_SIZE), dtype=jnp.float32,
        minval=-bound, maxval=bound,
    )
    return {"hidden_states": hidden_states, "gate_weight": gate_weight}


def reference(hidden_states, gate_weight):
    # gate_logits = hidden_states @ W^T  (nn.Linear, bias=False)
    gate_logits = jnp.einsum("bsd,ed->bse", hidden_states, gate_weight)
    # eval mode: no router noise; temperature != 1.0 -> divide
    gate_logits = gate_logits / TEMPERATURE
    return gate_logits

if __name__ == "__main__":
    import jax
    _d = setup_inputs()
    print(jax.jit(kernel)(*tuple(_d.values())))

</pallas_src>

<mosaic_0001>
#map = affine_map<(d0, d1) -> (0, 0)>
#map1 = affine_map<(d0, d1) -> (0)>
module attributes {stable_mosaic.version = 14 : i64} {
  func.func @k(%arg0: i32, %arg1: i32, %arg2: memref<8192x2048xf32, #tpu.memory_space<hbm>>, %arg3: memref<8x2048xf32, #tpu.memory_space<hbm>>, %arg4: memref<2048xf32, #tpu.memory_space<hbm>>, %arg5: memref<8x2048xf32, #tpu.memory_space<vmem>>, %arg6: memref<3x8x2048xf32, #tpu.memory_space<vmem>>, %arg7: memref<64xf32, #tpu.memory_space<vmem>>, %arg8: memref<3x!tpu.dma_semaphore, #tpu.memory_space<semaphore_mem>>) attributes {dimension_semantics = [#tpu.dimension_semantics<core_parallel>, #tpu.dimension_semantics<subcore_parallel>], iteration_bounds = array<i64: 2, 16>, scalar_prefetch = 0 : i64, scratch_operands = 4 : i64, tpu.core_type = #tpu.core_type<sc_vector_subcore>, window_params = [{transform_indices = #map}, {transform_indices = #map}, {transform_indices = #map1}]} {
    %mul3A = arith.constant 2 : i32
    %mul3A_0 = arith.muli %arg1, %mul3A : i32
    %add3A = arith.addi %mul3A_0, %arg0 : i32
    %mul3A_1 = arith.constant 8 : i32
    %mul3A_2 = arith.muli %add3A, %mul3A_1 : i32
    %add3A_3 = arith.constant 7936 : i32
    %add3A_4 = arith.addi %add3A_3, %mul3A_2 : i32
    %iota3A = tpu.iota {dimensions = array<i32: 0>} : vector<16xi32>
    %xor3A = arith.constant 1 : i32
    %xor3A_5 = vector.broadcast %xor3A : i32 to vector<16xi32>
    %xor3A_6 = arith.xori %iota3A, %xor3A_5 : vector<16xi32>
    %reshape3A = vector.shape_cast %xor3A_6 : vector<16xi32> to vector<16x1xi32>
    %xor3A_7 = arith.constant 2 : i32
    %xor3A_8 = vector.broadcast %xor3A_7 : i32 to vector<16xi32>
    %xor3A_9 = arith.xori %iota3A, %xor3A_8 : vector<16xi32>
    %reshape3A_10 = vector.shape_cast %xor3A_9 : vector<16xi32> to vector<16x1xi32>
    %xor3A_11 = arith.constant 4 : i32
    %xor3A_12 = vector.broadcast %xor3A_11 : i32 to vector<16xi32>
    %xor3A_13 = arith.xori %iota3A, %xor3A_12 : vector<16xi32>
    %reshape3A_14 = vector.shape_cast %xor3A_13 : vector<16xi32> to vector<16x1xi32>
    %xor3A_15 = arith.constant 8 : i32
    %xor3A_16 = vector.broadcast %xor3A_15 : i32 to vector<16xi32>
    %xor3A_17 = arith.xori %iota3A, %xor3A_16 : vector<16xi32>
    %reshape3A_18 = vector.shape_cast %xor3A_17 : vector<16xi32> to vector<16x1xi32>
    "tpu.region"() ({
      %run_scoped3A = tpu.sem_alloc : memref<!tpu.dma_semaphore, #tpu.memory_space<semaphore_mem>>
      tpu.enqueue_dma source(%arg3 : memref<8x2048xf32, #tpu.memory_space<hbm>>) target(%arg5 : memref<8x2048xf32, #tpu.memory_space<vmem>>) target_semaphore(%run_scoped3A : memref<!tpu.dma_semaphore, #tpu.memory_space<semaphore_mem>>)
      tpu.wait_dma2 semaphore(%run_scoped3A : memref<!tpu.dma_semaphore, #tpu.memory_space<semaphore_mem>>) src(%arg3 : memref<8x2048xf32, #tpu.memory_space<hbm>>) dst(%arg5 : memref<8x2048xf32, #tpu.memory_space<vmem>>)
      tpu.yield
    }) : () -> ()
    %add3A_19 = arith.constant 0 : i32
    %add3A_20 = arith.addi %add3A_4, %add3A_19 : i32
    %dma_start3A = arith.constant 0 : i32
    %dma_start3A_21 = arith.constant 0 : i32
    %dma_start3A_22 = arith.constant 0 : i32
    %dma_start3A_23 = arith.constant 0 : i32
    %dma_start3A_24 = tpu.memref_slice %arg6[%dma_start3A, %dma_start3A_22, %dma_start3A_23] : memref<3x8x2048xf32, #tpu.memory_space<vmem>> -> memref<1x8x2048xf32, #tpu.memory_space<vmem>>
    %dma_start3A_25 = tpu.memref_squeeze %dma_start3A_24 : memref<1x8x2048xf32, #tpu.memory_space<vmem>> -> memref<8x2048xf32, #tpu.memory_space<vmem>>
    %dma_start3A_26 = arith.constant 0 : i32
    %dma_start3A_27 = tpu.memref_slice %arg2[%add3A_20, %dma_start3A_26] : memref<8192x2048xf32, #tpu.memory_space<hbm>> -> memref<8x2048xf32, #tpu.memory_space<hbm>>
    %dma_start3A_28 = tpu.memref_slice %arg8[%dma_start3A_21] : memref<3x!tpu.dma_semaphore, #tpu.memory_space<semaphore_mem>> -> memref<1x!tpu.dma_semaphore, #tpu.memory_space<semaphore_mem>>
    %dma_start3A_29 = tpu.memref_squeeze %dma_start3A_28 : memref<1x!tpu.dma_semaphore, #tpu.memory_space<semaphore_mem>> -> memref<!tpu.dma_semaphore, #tpu.memory_space<semaphore_mem>>
    %dma_start3A_30 = arith.constant 0 : i32
    %dma_start3A_31 = arith.constant 0 : i32
    %dma_start3A_32 = tpu.memref_slice %arg6[%dma_start3A, %dma_start3A_30, %dma_start3A_31] : memref<3x8x2048xf32, #tpu.memory_space<vmem>> -> memref<1x8x2048xf32, #tpu.memory_space<vmem>>
    %dma_start3A_33 = tpu.memref_squeeze %dma_start3A_32 : memref<1x8x2048xf32, #tpu.memory_space<vmem>> -> memref<8x2048xf32, #tpu.memory_space<vmem>>
    %dma_start3A_34 = arith.constant 0 : i32
    %dma_start3A_35 = tpu.memref_slice %arg2[%add3A_20, %dma_start3A_34] : memref<8192x2048xf32, #tpu.memory_space<hbm>> -> memref<8x2048xf32, #tpu.memory_space<hbm>>
    tpu.enqueue_dma source(%dma_start3A_35 : memref<8x2048xf32, #tpu.memory_space<hbm>>) target(%dma_start3A_33 : memref<8x2048xf32, #tpu.memory_space<vmem>>) target_semaphore(%dma_start3A_29 : memref<!tpu.dma_semaphore, #tpu.memory_space<semaphore_mem>>)
    %dma_wait3A = arith.constant 0 : i32
    %dma_wait3A_36 = arith.constant 0 : i32
    %dma_wait3A_37 = arith.constant 0 : i32
    %dma_wait3A_38 = arith.constant 0 : i32
    %dma_wait3A_39 = tpu.memref_slice %arg6[%dma_wait3A, %dma_wait3A_37, %dma_wait3A_38] : memref<3x8x2048xf32, #tpu.memory_space<vmem>> -> memref<1x8x2048xf32, #tpu.memory_space<vmem>>
    %dma_wait3A_40 = tpu.memref_squeeze %dma_wait3A_39 : memref<1x8x2048xf32, #tpu.memory_space<vmem>> -> memref<8x2048xf32, #tpu.memory_space<vmem>>
    %dma_wait3A_41 = arith.constant 0 : i32
    %dma_wait3A_42 = tpu.memref_slice %arg2[%add3A_4, %dma_wait3A_41] : memref<8192x2048xf32, #tpu.memory_space<hbm>> -> memref<8x2048xf32, #tpu.memory_space<hbm>>
    %dma_wait3A_43 = tpu.memref_slice %arg8[%dma_wait3A_36] : memref<3x!tpu.dma_semaphore, #tpu.memory_space<semaphore_mem>> -> memref<1x!tpu.dma_semaphore, #tpu.memory_space<semaphore_mem>>
    %dma_wait3A_44 = tpu.memref_squeeze %dma_wait3A_43 : memref<1x!tpu.dma_semaphore, #tpu.memory_space<semaphore_mem>> -> memref<!tpu.dma_semaphore, #tpu.memory_space<semaphore_mem>>
    %dma_wait3A_45 = arith.constant 0 : i32
    %dma_wait3A_46 = arith.constant 0 : i32
    %dma_wait3A_47 = tpu.memref_slice %arg6[%dma_wait3A, %dma_wait3A_45, %dma_wait3A_46] : memref<3x8x2048xf32, #tpu.memory_space<vmem>> -> memref<1x8x2048xf32, #tpu.memory_space<vmem>>
    %dma_wait3A_48 = tpu.memref_squeeze %dma_wait3A_47 : memref<1x8x2048xf32, #tpu.memory_space<vmem>> -> memref<8x2048xf32, #tpu.memory_space<vmem>>
    %dma_wait3A_49 = arith.constant 0 : i32
    %dma_wait3A_50 = tpu.memref_slice %arg2[%add3A_4, %dma_wait3A_49] : memref<8192x2048xf32, #tpu.memory_space<hbm>> -> memref<8x2048xf32, #tpu.memory_space<hbm>>
    tpu.wait_dma2 semaphore(%dma_wait3A_44 : memref<!tpu.dma_semaphore, #tpu.memory_space<semaphore_mem>>) src(%dma_wait3A_50 : memref<8x2048xf32, #tpu.memory_space<hbm>>) dst(%dma_wait3A_48 : memref<8x2048xf32, #tpu.memory_space<vmem>>)
    %broadcast_in_dim3A = arith.constant 0.000000e+00 : f32
    %broadcast_in_dim3A_51 = vector.broadcast %broadcast_in_dim3A : f32 to vector<16xf32>
    %scan3A = arith.constant 0 : i32
    %scan3A_52 = arith.constant 0 : i32
    %scan3A_53 = arith.constant 128 : i32
    %scan3A_54 = arith.addi %scan3A_52, %scan3A_53 : i32
    %scan3A_55 = arith.constant 2 : i32
    %scan3A_56:32 = scf.for %scan3A_1103 = %scan3A_52 to %scan3A_54 step %scan3A_55 iter_args(%scan3A_1104 = %broadcast_in_dim3A_51, %scan3A_1105 = %broadcast_in_dim3A_51, %scan3A_1106 = %broadcast_in_dim3A_51, %scan3A_1107 = %broadcast_in_dim3A_51, %scan3A_1108 = %broadcast_in_dim3A_51, %scan3A_1109 = %broadcast_in_dim3A_51, %scan3A_1110 = %broadcast_in_dim3A_51, %scan3A_1111 = %broadcast_in_dim3A_51, %scan3A_1112 = %broadcast_in_dim3A_51, %scan3A_1113 = %broadcast_in_dim3A_51, %scan3A_1114 = %broadcast_in_dim3A_51, %scan3A_1115 = %broadcast_in_dim3A_51, %scan3A_1116 = %broadcast_in_dim3A_51, %scan3A_1117 = %broadcast_in_dim3A_51, %scan3A_1118 = %broadcast_in_dim3A_51, %scan3A_1119 = %broadcast_in_dim3A_51, %scan3A_1120 = %broadcast_in_dim3A_51, %scan3A_1121 = %broadcast_in_dim3A_51, %scan3A_1122 = %broadcast_in_dim3A_51, %scan3A_1123 = %broadcast_in_dim3A_51, %scan3A_1124 = %broadcast_in_dim3A_51, %scan3A_1125 = %broadcast_in_dim3A_51, %scan3A_1126 = %broadcast_in_dim3A_51, %scan3A_1127 = %broadcast_in_dim3A_51, %scan3A_1128 = %broadcast_in_dim3A_51, %scan3A_1129 = %broadcast_in_dim3A_51, %scan3A_1130 = %broadcast_in_dim3A_51, %scan3A_1131 = %broadcast_in_dim3A_51, %scan3A_1132 = %broadcast_in_dim3A_51, %scan3A_1133 = %broadcast_in_dim3A_51, %scan3A_1134 = %broadcast_in_dim3A_51, %scan3A_1135 = %broadcast_in_dim3A_51) -> (vector<16xf32>, vector<16xf32>, vector<16xf32>, vector<16xf32>, vector<16xf32>, vector<16xf32>, vector<16xf32>, vector<16xf32>, vector<16xf32>, vector<16xf32>, vector<16xf32>, vector<16xf32>, vector<16xf32>, vector<16xf32>, vector<16xf32>, vector<16xf32>, vector<16xf32>, vector<16xf32>, vector<16xf32>, vector<16xf32>, vector<16xf32>, vector<16xf32>, vector<16xf32>, vector<16xf32>, vector<16xf32>, vector<16xf32>, vector<16xf32>, vector<16xf32>, vector<16xf32>, vector<16xf32>, vector<16xf32>, vector<16xf32>)  : i32 {
      %mul3A_1136 = arith.constant 16 : i32
      %mul3A_1137 = arith.muli %scan3A_1103, %mul3A_1136 : i32
      %get3A = arith.constant 0 : i32
      %get3A_1138 = arith.constant 0 : i32
      %get3A_1139 = arith.constant 0 : i32
      %get3A_1140 = tpu.memref_slice %arg6[%scan3A, %get3A_1138, %get3A_1139] : memref<3x8x2048xf32, #tpu.memory_space<vmem>> -> memref<1x8x2048xf32, #tpu.memory_space<vmem>>
      %get3A_1141 = tpu.memref_squeeze %get3A_1140 : memref<1x8x2048xf32, #tpu.memory_space<vmem>> -> memref<8x2048xf32, #tpu.memory_space<vmem>>
      %get3A_1142 = arith.index_cast %get3A : i32 to index
      %get3A_1143 = arith.index_cast %mul3A_1137 : i32 to index
      %get3A_1144 = tpu.vector_load %get3A_1141[%get3A_1142, %get3A_1143] {strides = array<i32>} : memref<8x2048xf32, #tpu.memory_space<vmem>>, vector<1x16xf32>,
      %get3A_1145 = vector.shape_cast %get3A_1144 : vector<1x16xf32> to vector<16xf32>
      %mul3A_1146 = arith.constant 16 : i32
      %mul3A_1147 = arith.muli %scan3A_1103, %mul3A_1146 : i32
      %get3A_1148 = arith.constant 1 : i32
      %get3A_1149 = arith.constant 0 : i32
      %get3A_1150 = arith.constant 0 : i32
      %get3A_1151 = tpu.memref_slice %arg6[%scan3A, %get3A_1149, %get3A_1150] : memref<3x8x2048xf32, #tpu.memory_space<vmem>> -> memref<1x8x2048xf32, #tpu.memory_space<vmem>>
      %get3A_1152 = tpu.memref_squeeze %get3A_1151 : memref<1x8x2048xf32, #tpu.memory_space<vmem>> -> memref<8x2048xf32, #tpu.memory_space<vmem>>
      %get3A_1153 = arith.index_cast %get3A_1148 : i32 to index
      %get3A_1154 = arith.index_cast %mul3A_1147 : i32 to index
      %get3A_1155 = tpu.vector_load %get3A_1152[%get3A_1153, %get3A_1154] {strides = array<i32>} : memref<8x2048xf32, #tpu.memory_space<vmem>>, vector<1x16xf32>,
      %get3A_1156 = vector.shape_cast %get3A_1155 : vector<1x16xf32> to vector<16xf32>
      %mul3A_1157 = arith.constant 16 : i32
      %mul3A_1158 = arith.muli %scan3A_1103, %mul3A_1157 : i32
      %get3A_1159 = arith.constant 2 : i32
      %get3A_1160 = arith.constant 0 : i32
      %get3A_1161 = arith.constant 0 : i32
      %get3A_1162 = tpu.memref_slice %arg6[%scan3A, %get3A_1160, %get3A_1161] : memref<3x8x2048xf32, #tpu.memory_space<vmem>> -> memref<1x8x2048xf32, #tpu.memory_space<vmem>>
      %get3A_1163 = tpu.memref_squeeze %get3A_1162 : memref<1x8x2048xf32, #tpu.memory_space<vmem>> -> memref<8x2048xf32, #tpu.memory_space<vmem>>
      %get3A_1164 = arith.index_cast %get3A_1159 : i32 to index
      %get3A_1165 = arith.index_cast %mul3A_1158 : i32 to index
      %get3A_1166 = tpu.vector_load %get3A_1163[%get3A_1164, %get3A_1165] {strides = array<i32>} : memref<8x2048xf32, #tpu.memory_space<vmem>>, vector<1x16xf32>,
      %get3A_1167 = vector.shape_cast %get3A_1166 : vector<1x16xf32> to vector<16xf32>
      %mul3A_1168 = arith.constant 16 : i32
      %mul3A_1169 = arith.muli %scan3A_1103, %mul3A_1168 : i32
      %get3A_1170 = arith.constant 3 : i32
      %get3A_1171 = arith.constant 0 : i32
      %get3A_1172 = arith.constant 0 : i32
      %get3A_1173 = tpu.memref_slice %arg6[%scan3A, %get3A_1171, %get3A_1172] : memref<3x8x2048xf32, #tpu.memory_space<vmem>> -> memref<1x8x2048xf32, #tpu.memory_space<vmem>>
      %get3A_1174 = tpu.memref_squeeze %get3A_1173 : memref<1x8x2048xf32, #tpu.memory_space<vmem>> -> memref<8x2048xf32, #tpu.memory_space<vmem>>
      %get3A_1175 = arith.index_cast %get3A_1170 : i32 to index
      %get3A_1176 = arith.index_cast %mul3A_1169 : i32 to index
      %get3A_1177 = tpu.vector_load %get3A_1174[%get3A_1175, %get3A_1176] {strides = array<i32>} : memref<8x2048xf32, #tpu.memory_space<vmem>>, vector<1x16xf32>,
      %get3A_1178 = vector.shape_cast %get3A_1177 : vector<1x16xf32> to vector<16xf32>
      %mul3A_1179 = arith.constant 16 : i32
      %mul3A_1180 = arith.muli %scan3A_1103, %mul3A_1179 : i32
      %get3A_1181 = arith.constant 0 : i32
      %get3A_1182 = arith.index_cast %get3A_1181 : i32 to index
      %get3A_1183 = arith.index_cast %mul3A_1180 : i32 to index
      %get3A_1184 = tpu.vector_load %arg5[%get3A_1182, %get3A_1183] {strides = array<i32>} : memref<8x2048xf32, #tpu.memory_space<vmem>>, vector<1x16xf32>,
      %get3A_1185 = vector.shape_cast %get3A_1184 : vector<1x16xf32> to vector<16xf32>
      %mul3A_1186 = arith.mulf %get3A_1145, %get3A_1185 : vector<16xf32>
      %add3A_1187 = arith.addf %scan3A_1104, %mul3A_1186 : vector<16xf32>
      %mul3A_1188 = arith.mulf %get3A_1156, %get3A_1185 : vector<16xf32>
      %add3A_1189 = arith.addf %scan3A_1105, %mul3A_1188 : vector<16xf32>
      %mul3A_1190 = arith.mulf %get3A_1167, %get3A_1185 : vector<16xf32>
      %add3A_1191 = arith.addf %scan3A_1106, %mul3A_1190 : vector<16xf32>
      %mul3A_1192 = arith.mulf %get3A_1178, %get3A_1185 : vector<16xf32>
      %add3A_1193 = arith.addf %scan3A_1107, %mul3A_1192 : vector<16xf32>
      %mul3A_1194 = arith.constant 16 : i32
      %mul3A_1195 = arith.muli %scan3A_1103, %mul3A_1194 : i32
      %get3A_1196 = arith.constant 1 : i32
      %get3A_1197 = arith.index_cast %get3A_1196 : i32 to index
      %get3A_1198 = arith.index_cast %mul3A_1195 : i32 to index
      %get3A_1199 = tpu.vector_load %arg5[%get3A_1197, %get3A_1198] {strides = array<i32>} : memref<8x2048xf32, #tpu.memory_space<vmem>>, vector<1x16xf32>,
      %get3A_1200 = vector.shape_cast %get3A_1199 : vector<1x16xf32> to vector<16xf32>
      %mul3A_1201 = arith.mulf %get3A_1145, %get3A_1200 : vector<16xf32>
      %add3A_1202 = arith.addf %scan3A_1108, %mul3A_1201 : vector<16xf32>
      %mul3A_1203 = arith.mulf %get3A_1156, %get3A_1200 : vector<16xf32>
      %add3A_1204 = arith.addf %scan3A_1109, %mul3A_1203 : vector<16xf32>
      %mul3A_1205 = arith.mulf %get3A_1167, %get3A_1200 : vector<16xf32>
      %add3A_1206 = arith.addf %scan3A_1110, %mul3A_1205 : vector<16xf32>
      %mul3A_1207 = arith.mulf %get3A_1178, %get3A_1200 : vector<16xf32>
      %add3A_1208 = arith.addf %scan3A_1111, %mul3A_1207 : vector<16xf32>
      %mul3A_1209 = arith.constant 16 : i32
      %mul3A_1210 = arith.muli %scan3A_1103, %mul3A_1209 : i32
      %get3A_1211 = arith.constant 2 : i32
      %get3A_1212 = arith.index_cast %get3A_1211 : i32 to index
      %get3A_1213 = arith.index_cast %mul3A_1210 : i32 to index
      %get3A_1214 = tpu.vector_load %arg5[%get3A_1212, %get3A_1213] {strides = array<i32>} : memref<8x2048xf32, #tpu.memory_space<vmem>>, vector<1x16xf32>,
      %get3A_1215 = vector.shape_cast %get3A_1214 : vector<1x16xf32> to vector<16xf32>
      %mul3A_1216 = arith.mulf %get3A_1145, %get3A_1215 : vector<16xf32>
      %add3A_1217 = arith.addf %scan3A_1112, %mul3A_1216 : vector<16xf32>
      %mul3A_1218 = arith.mulf %get3A_1156, %get3A_1215 : vector<16xf32>
      %add3A_1219 = arith.addf %scan3A_1113, %mul3A_1218 : vector<16xf32>
      %mul3A_1220 = arith.mulf %get3A_1167, %get3A_1215 : vector<16xf32>
      %add3A_1221 = arith.addf %scan3A_1114, %mul3A_1220 : vector<16xf32>
      %mul3A_1222 = arith.mulf %get3A_1178, %get3A_1215 : vector<16xf32>
      %add3A_1223 = arith.addf %scan3A_1115, %mul3A_1222 : vector<16xf32>
      %mul3A_1224 = arith.constant 16 : i32
      %mul3A_1225 = arith.muli %scan3A_1103, %mul3A_1224 : i32
      %get3A_1226 = arith.constant 3 : i32
      %get3A_1227 = arith.index_cast %get3A_1226 : i32 to index
      %get3A_1228 = arith.index_cast %mul3A_1225 : i32 to index
      %get3A_1229 = tpu.vector_load %arg5[%get3A_1227, %get3A_1228] {strides = array<i32>} : memref<8x2048xf32, #tpu.memory_space<vmem>>, vector<1x16xf32>,
      %get3A_1230 = vector.shape_cast %get3A_1229 : vector<1x16xf32> to vector<16xf32>
      %mul3A_1231 = arith.mulf %get3A_1145, %get3A_1230 : vector<16xf32>
      %add3A_1232 = arith.addf %scan3A_1116, %mul3A_1231 : vector<16xf32>
      %mul3A_1233 = arith.mulf %get3A_1156, %get3A_1230 : vector<16xf32>
      %add3A_1234 = arith.addf %scan3A_1117, %mul3A_1233 : vector<16xf32>
      %mul3A_1235 = arith.mulf %get3A_1167, %get3A_1230 : vector<16xf32>
      %add3A_1236 = arith.addf %scan3A_1118, %mul3A_1235 : vector<16xf32>
      %mul3A_1237 = arith.mulf %get3A_1178, %get3A_1230 : vector<16xf32>
      %add3A_1238 = arith.addf %scan3A_1119, %mul3A_1237 : vector<16xf32>
      %mul3A_1239 = arith.constant 16 : i32
      %mul3A_1240 = arith.muli %scan3A_1103, %mul3A_1239 : i32
      %get3A_1241 = arith.constant 4 : i32
      %get3A_1242 = arith.index_cast %get3A_1241 : i32 to index
      %get3A_1243 = arith.index_cast %mul3A_1240 : i32 to index
      %get3A_1244 = tpu.vector_load %arg5[%get3A_1242, %get3A_1243] {strides = array<i32>} : memref<8x2048xf32, #tpu.memory_space<vmem>>, vector<1x16xf32>,
      %get3A_1245 = vector.shape_cast %get3A_1244 : vector<1x16xf32> to vector<16xf32>
      %mul3A_1246 = arith.mulf %get3A_1145, %get3A_1245 : vector<16xf32>
      %add3A_1247 = arith.addf %scan3A_1120, %mul3A_1246 : vector<16xf32>
      %mul3A_1248 = arith.mulf %get3A_1156, %get3A_1245 : vector<16xf32>
      %add3A_1249 = arith.addf %scan3A_1121, %mul3A_1248 : vector<16xf32>
      %mul3A_1250 = arith.mulf %get3A_1167, %get3A_1245 : vector<16xf32>
      %add3A_1251 = arith.addf %scan3A_1122, %mul3A_1250 : vector<16xf32>
      %mul3A_1252 = arith.mulf %get3A_1178, %get3A_1245 : vector<16xf32>
      %add3A_1253 = arith.addf %scan3A_1123, %mul3A_1252 : vector<16xf32>
      %mul3A_1254 = arith.constant 16 : i32
      %mul3A_1255 = arith.muli %scan3A_1103, %mul3A_1254 : i32
      %get3A_1256 = arith.constant 5 : i32
      %get3A_1257 = arith.index_cast %get3A_1256 : i32 to index
      %get3A_1258 = arith.index_cast %mul3A_1255 : i32 to index
      %get3A_1259 = tpu.vector_load %arg5[%get3A_1257, %get3A_1258] {strides = array<i32>} : memref<8x2048xf32, #tpu.memory_space<vmem>>, vector<1x16xf32>,
      %get3A_1260 = vector.shape_cast %get3A_1259 : vector<1x16xf32> to vector<16xf32>
      %mul3A_1261 = arith.mulf %get3A_1145, %get3A_1260 : vector<16xf32>
      %add3A_1262 = arith.addf %scan3A_1124, %mul3A_1261 : vector<16xf32>
      %mul3A_1263 = arith.mulf %get3A_1156, %get3A_1260 : vector<16xf32>
      %add3A_1264 = arith.addf %scan3A_1125, %mul3A_1263 : vector<16xf32>
      %mul3A_1265 = arith.mulf %get3A_1167, %get3A_1260 : vector<16xf32>
      %add3A_1266 = arith.addf %scan3A_1126, %mul3A_1265 : vector<16xf32>
      %mul3A_1267 = arith.mulf %get3A_1178, %get3A_1260 : vector<16xf32>
      %add3A_1268 = arith.addf %scan3A_1127, %mul3A_1267 : vector<16xf32>
      %mul3A_1269 = arith.constant 16 : i32
      %mul3A_1270 = arith.muli %scan3A_1103, %mul3A_1269 : i32
      %get3A_1271 = arith.constant 6 : i32
      %get3A_1272 = arith.index_cast %get3A_1271 : i32 to index
      %get3A_1273 = arith.index_cast %mul3A_1270 : i32 to index
      %get3A_1274 = tpu.vector_load %arg5[%get3A_1272, %get3A_1273] {strides = array<i32>} : memref<8x2048xf32, #tpu.memory_space<vmem>>, vector<1x16xf32>,
      %get3A_1275 = vector.shape_cast %get3A_1274 : vector<1x16xf32> to vector<16xf32>
      %mul3A_1276 = arith.mulf %get3A_1145, %get3A_1275 : vector<16xf32>
      %add3A_1277 = arith.addf %scan3A_1128, %mul3A_1276 : vector<16xf32>
      %mul3A_1278 = arith.mulf %get3A_1156, %get3A_1275 : vector<16xf32>
      %add3A_1279 = arith.addf %scan3A_1129, %mul3A_1278 : vector<16xf32>
      %mul3A_1280 = arith.mulf %get3A_1167, %get3A_1275 : vector<16xf32>
      %add3A_1281 = arith.addf %scan3A_1130, %mul3A_1280 : vector<16xf32>
      %mul3A_1282 = arith.mulf %get3A_1178, %get3A_1275 : vector<16xf32>
      %add3A_1283 = arith.addf %scan3A_1131, %mul3A_1282 : vector<16xf32>
      %mul3A_1284 = arith.constant 16 : i32
      %mul3A_1285 = arith.muli %scan3A_1103, %mul3A_1284 : i32
      %get3A_1286 = arith.constant 7 : i32
      %get3A_1287 = arith.index_cast %get3A_1286 : i32 to index
      %get3A_1288 = arith.index_cast %mul3A_1285 : i32 to index
      %get3A_1289 = tpu.vector_load %arg5[%get3A_1287, %get3A_1288] {strides = array<i32>} : memref<8x2048xf32, #tpu.memory_space<vmem>>, vector<1x16xf32>,
      %get3A_1290 = vector.shape_cast %get3A_1289 : vector<1x16xf32> to vector<16xf32>
      %mul3A_1291 = arith.mulf %get3A_1145, %get3A_1290 : vector<16xf32>
      %add3A_1292 = arith.addf %scan3A_1132, %mul3A_1291 : vector<16xf32>
      %mul3A_1293 = arith.mulf %get3A_1156, %get3A_1290 : vector<16xf32>
      %add3A_1294 = arith.addf %scan3A_1133, %mul3A_1293 : vector<16xf32>
      %mul3A_1295 = arith.mulf %get3A_1167, %get3A_1290 : vector<16xf32>
      %add3A_1296 = arith.addf %scan3A_1134, %mul3A_1295 : vector<16xf32>
      %mul3A_1297 = arith.mulf %get3A_1178, %get3A_1290 : vector<16xf32>
      %add3A_1298 = arith.addf %scan3A_1135, %mul3A_1297 : vector<16xf32>
      %scan3A_1299 = arith.constant 1 : i32
      %scan3A_1300 = arith.addi %scan3A_1103, %scan3A_1299 : i32
      %mul3A_1301 = arith.constant 16 : i32
      %mul3A_1302 = arith.muli %scan3A_1300, %mul3A_1301 : i32
      %get3A_1303 = arith.constant 0 : i32
      %get3A_1304 = arith.constant 0 : i32
      %get3A_1305 = arith.constant 0 : i32
      %get3A_1306 = tpu.memref_slice %arg6[%scan3A, %get3A_1304, %get3A_1305] : memref<3x8x2048xf32, #tpu.memory_space<vmem>> -> memref<1x8x2048xf32, #tpu.memory_space<vmem>>
      %get3A_1307 = tpu.memref_squeeze %get3A_1306 : memref<1x8x2048xf32, #tpu.memory_space<vmem>> -> memref<8x2048xf32, #tpu.memory_space<vmem>>
      %get3A_1308 = arith.index_cast %get3A_1303 : i32 to index
      %get3A_1309 = arith.index_cast %mul3A_1302 : i32 to index
      %get3A_1310 = tpu.vector_load %get3A_1307[%get3A_1308, %get3A_1309] {strides = array<i32>} : memref<8x2048xf32, #tpu.memory_space<vmem>>, vector<1x16xf32>,
      %get3A_1311 = vector.shape_cast %get3A_1310 : vector<1x16xf32> to vector<16xf32>
      %mul3A_1312 = arith.constant 16 : i32
      %mul3A_1313 = arith.muli %scan3A_1300, %mul3A_1312 : i32
      %get3A_1314 = arith.constant 1 : i32
      %get3A_1315 = arith.constant 0 : i32
      %get3A_1316 = arith.constant 0 : i32
      %get3A_1317 = tpu.memref_slice %arg6[%scan3A, %get3A_1315, %get3A_1316] : memref<3x8x2048xf32, #tpu.memory_space<vmem>> -> memref<1x8x2048xf32, #tpu.memory_space<vmem>>
      %get3A_1318 = tpu.memref_squeeze %get3A_1317 : memref<1x8x2048xf32, #tpu.memory_space<vmem>> -> memref<8x2048xf32, #tpu.memory_space<vmem>>
      %get3A_1319 = arith.index_cast %get3A_1314 : i32 to index
      %get3A_1320 = arith.index_cast %mul3A_1313 : i32 to index
      %get3A_1321 = tpu.vector_load %get3A_1318[%get3A_1319, %get3A_1320] {strides = array<i32>} : memref<8x2048xf32, #tpu.memory_space<vmem>>, vector<1x16xf32>,
      %get3A_1322 = vector.shape_cast %get3A_1321 : vector<1x16xf32> to vector<16xf32>
      %mul3A_1323 = arith.constant 16 : i32
      %mul3A_1324 = arith.muli %scan3A_1300, %mul3A_1323 : i32
      %get3A_1325 = arith.constant 2 : i32
      %get3A_1326 = arith.constant 0 : i32
      %get3A_1327 = arith.constant 0 : i32
      %get3A_1328 = tpu.memref_slice %arg6[%scan3A, %get3A_1326, %get3A_1327] : memref<3x8x2048xf32, #tpu.memory_space<vmem>> -> memref<1x8x2048xf32, #tpu.memory_space<vmem>>
      %get3A_1329 = tpu.memref_squeeze %get3A_1328 : memref<1x8x2048xf32, #tpu.memory_space<vmem>> -> memref<8x2048xf32, #tpu.memory_space<vmem>>
      %get3A_1330 = arith.index_cast %get3A_1325 : i32 to index
      %get3A_1331 = arith.index_cast %mul3A_1324 : i32 to index
      %get3A_1332 = tpu.vector_load %get3A_1329[%get3A_1330, %get3A_1331] {strides = array<i32>} : memref<8x2048xf32, #tpu.memory_space<vmem>>, vector<1x16xf32>,
      %get3A_1333 = vector.shape_cast %get3A_1332 : vector<1x16xf32> to vector<16xf32>
      %mul3A_1334 = arith.constant 16 : i32
      %mul3A_1335 = arith.muli %scan3A_1300, %mul3A_1334 : i32
      %get3A_1336 = arith.constant 3 : i32
      %get3A_1337 = arith.constant 0 : i32
      %get3A_1338 = arith.constant 0 : i32
      %get3A_1339 = tpu.memref_slice %arg6[%scan3A, %get3A_1337, %get3A_1338] : memref<3x8x2048xf32, #tpu.memory_space<vmem>> -> memref<1x8x2048xf32, #tpu.memory_space<vmem>>
      %get3A_1340 = tpu.memref_squeeze %get3A_1339 : memref<1x8x2048xf32, #tpu.memory_space<vmem>> -> memref<8x2048xf32, #tpu.memory_space<vmem>>
      %get3A_1341 = arith.index_cast %get3A_1336 : i32 to index
      %get3A_1342 = arith.index_cast %mul3A_1335 : i32 to index
      %get3A_1343 = tpu.vector_load %get3A_1340[%get3A_1341, %get3A_1342] {strides = array<i32>} : memref<8x2048xf32, #tpu.memory_space<vmem>>, vector<1x16xf32>,
      %get3A_1344 = vector.shape_cast %get3A_1343 : vector<1x16xf32> to vector<16xf32>
      %mul3A_1345 = arith.constant 16 : i32
      %mul3A_1346 = arith.muli %scan3A_1300, %mul3A_1345 : i32
      %get3A_1347 = arith.constant 0 : i32
      %get3A_1348 = arith.index_cast %get3A_1347 : i32 to index
      %get3A_1349 = arith.index_cast %mul3A_1346 : i32 to index
      %get3A_1350 = tpu.vector_load %arg5[%get3A_1348, %get3A_1349] {strides = array<i32>} : memref<8x2048xf32, #tpu.memory_space<vmem>>, vector<1x16xf32>,
      %get3A_1351 = vector.shape_cast %get3A_1350 : vector<1x16xf32> to vector<16xf32>
      %mul3A_1352 = arith.mulf %get3A_1311, %get3A_1351 : vector<16xf32>
      %add3A_1353 = arith.addf %add3A_1187, %mul3A_1352 : vector<16xf32>
      %mul3A_1354 = arith.mulf %get3A_1322, %get3A_1351 : vector<16xf32>
      %add3A_1355 = arith.addf %add3A_1189, %mul3A_1354 : vector<16xf32>
      %mul3A_1356 = arith.mulf %get3A_1333, %get3A_1351 : vector<16xf32>
      %add3A_1357 = arith.addf %add3A_1191, %mul3A_1356 : vector<16xf32>
      %mul3A_1358 = arith.mulf %get3A_1344, %get3A_1351 : vector<16xf32>
      %add3A_1359 = arith.addf %add3A_1193, %mul3A_1358 : vector<16xf32>
      %mul3A_1360 = arith.constant 16 : i32
      %mul3A_1361 = arith.muli %scan3A_1300, %mul3A_1360 : i32
      %get3A_1362 = arith.constant 1 : i32
      %get3A_1363 = arith.index_cast %get3A_1362 : i32 to index
      %get3A_1364 = arith.index_cast %mul3A_1361 : i32 to index
      %get3A_1365 = tpu.vector_load %arg5[%get3A_1363, %get3A_1364] {strides = array<i32>} : memref<8x2048xf32, #tpu.memory_space<vmem>>, vector<1x16xf32>,
      %get3A_1366 = vector.shape_cast %get3A_1365 : vector<1x16xf32> to vector<16xf32>
      %mul3A_1367 = arith.mulf %get3A_1311, %get3A_1366 : vector<16xf32>
      %add3A_1368 = arith.addf %add3A_1202, %mul3A_1367 : vector<16xf32>
      %mul3A_1369 = arith.mulf %get3A_1322, %get3A_1366 : vector<16xf32>
      %add3A_1370 = arith.addf %add3A_1204, %mul3A_1369 : vector<16xf32>
      %mul3A_1371 = arith.mulf %get3A_1333, %get3A_1366 : vector<16xf32>
      %add3A_1372 = arith.addf %add3A_1206, %mul3A_1371 : vector<16xf32>
      %mul3A_1373 = arith.mulf %get3A_1344, %get3A_1366 : vector<16xf32>
      %add3A_1374 = arith.addf %add3A_1208, %mul3A_1373 : vector<16xf32>
      %mul3A_1375 = arith.constant 16 : i32
      %mul3A_1376 = arith.muli %scan3A_1300, %mul3A_1375 : i32
      %get3A_1377 = arith.constant 2 : i32
      %get3A_1378 = arith.index_cast %get3A_1377 : i32 to index
      %get3A_1379 = arith.index_cast %mul3A_1376 : i32 to index
      %get3A_1380 = tpu.vector_load %arg5[%get3A_1378, %get3A_1379] {strides = array<i32>} : memref<8x2048xf32, #tpu.memory_space<vmem>>, vector<1x16xf32>,
      %get3A_1381 = vector.shape_cast %get3A_1380 : vector<1x16xf32> to vector<16xf32>
      %mul3A_1382 = arith.mulf %get3A_1311, %get3A_1381 : vector<16xf32>
      %add3A_1383 = arith.addf %add3A_1217, %mul3A_1382 : vector<16xf32>
      %mul3A_1384 = arith.mulf %get3A_1322, %get3A_1381 : vector<16xf32>
      %add3A_1385 = arith.addf %add3A_1219, %mul3A_1384 : vector<16xf32>
      %mul3A_1386 = arith.mulf %get3A_1333, %get3A_1381 : vector<16xf32>
      %add3A_1387 = arith.addf %add3A_1221, %mul3A_1386 : vector<16xf32>
      %mul3A_1388 = arith.mulf %get3A_1344, %get3A_1381 : vector<16xf32>
      %add3A_1389 = arith.addf %add3A_1223, %mul3A_1388 : vector<16xf32>
      %mul3A_1390 = arith.constant 16 : i32
      %mul3A_1391 = arith.muli %scan3A_1300, %mul3A_1390 : i32
      %get3A_1392 = arith.constant 3 : i32
      %get3A_1393 = arith.index_cast %get3A_1392 : i32 to index
      %get3A_1394 = arith.index_cast %mul3A_1391 : i32 to index
      %get3A_1395 = tpu.vector_load %arg5[%get3A_1393, %get3A_1394] {strides = array<i32>} : memref<8x2048xf32, #tpu.memory_space<vmem>>, vector<1x16xf32>,
      %get3A_1396 = vector.shape_cast %get3A_1395 : vector<1x16xf32> to vector<16xf32>
      %mul3A_1397 = arith.mulf %get3A_1311, %get3A_1396 : vector<16xf32>
      %add3A_1398 = arith.addf %add3A_1232, %mul3A_1397 : vector<16xf32>
      %mul3A_1399 = arith.mulf %get3A_1322, %get3A_1396 : vector<16xf32>
      %add3A_1400 = arith.addf %add3A_1234, %mul3A_1399 : vector<16xf32>
      %mul3A_1401 = arith.mulf %get3A_1333, %get3A_1396 : vector<16xf32>
      %add3A_1402 = arith.addf %add3A_1236, %mul3A_1401 : vector<16xf32>
      %mul3A_1403 = arith.mulf %get3A_1344, %get3A_1396 : vector<16xf32>
      %add3A_1404 = arith.addf %add3A_1238, %mul3A_1403 : vector<16xf32>
      %mul3A_1405 = arith.constant 16 : i32
      %mul3A_1406 = arith.muli %scan3A_1300, %mul3A_1405 : i32
      %get3A_1407 = arith.constant 4 : i32
      %get3A_1408 = arith.index_cast %get3A_1407 : i32 to index
      %get3A_1409 = arith.index_cast %mul3A_1406 : i32 to index
      %get3A_1410 = tpu.vector_load %arg5[%get3A_1408, %get3A_1409] {strides = array<i32>} : memref<8x2048xf32, #tpu.memory_space<vmem>>, vector<1x16xf32>,
      %get3A_1411 = vector.shape_cast %get3A_1410 : vector<1x16xf32> to vector<16xf32>
      %mul3A_1412 = arith.mulf %get3A_1311, %get3A_1411 : vector<16xf32>
      %add3A_1413 = arith.addf %add3A_1247, %mul3A_1412 : vector<16xf32>
      %mul3A_1414 = arith.mulf %get3A_1322, %get3A_1411 : vector<16xf32>
      %add3A_1415 = arith.addf %add3A_1249, %mul3A_1414 : vector<16xf32>
      %mul3A_1416 = arith.mulf %get3A_1333, %get3A_1411 : vector<16xf32>
      %add3A_1417 = arith.addf %add3A_1251, %mul3A_1416 : vector<16xf32>
      %mul3A_1418 = arith.mulf %get3A_1344, %get3A_1411 : vector<16xf32>
      %add3A_1419 = arith.addf %add3A_1253, %mul3A_1418 : vector<16xf32>
      %mul3A_1420 = arith.constant 16 : i32
      %mul3A_1421 = arith.muli %scan3A_1300, %mul3A_1420 : i32
      %get3A_1422 = arith.constant 5 : i32
      %get3A_1423 = arith.index_cast %get3A_1422 : i32 to index
      %get3A_1424 = arith.index_cast %mul3A_1421 : i32 to index
      %get3A_1425 = tpu.vector_load %arg5[%get3A_1423, %get3A_1424] {strides = array<i32>} : memref<8x2048xf32, #tpu.memory_space<vmem>>, vector<1x16xf32>,
      %get3A_1426 = vector.shape_cast %get3A_1425 : vector<1x16xf32> to vector<16xf32>
      %mul3A_1427 = arith.mulf %get3A_1311, %get3A_1426 : vector<16xf32>
      %add3A_1428 = arith.addf %add3A_1262, %mul3A_1427 : vector<16xf32>
      %mul3A_1429 = arith.mulf %get3A_1322, %get3A_1426 : vector<16xf32>
      %add3A_1430 = arith.addf %add3A_1264, %mul3A_1429 : vector<16xf32>
      %mul3A_1431 = arith.mulf %get3A_1333, %get3A_1426 : vector<16xf32>
      %add3A_1432 = arith.addf %add3A_1266, %mul3A_1431 : vector<16xf32>
      %mul3A_1433 = arith.mulf %get3A_1344, %get3A_1426 : vector<16xf32>
      %add3A_1434 = arith.addf %add3A_1268, %mul3A_1433 : vector<16xf32>
      %mul3A_1435 = arith.constant 16 : i32
      %mul3A_1436 = arith.muli %scan3A_1300, %mul3A_1435 : i32
      %get3A_1437 = arith.constant 6 : i32
      %get3A_1438 = arith.index_cast %get3A_1437 : i32 to index
      %get3A_1439 = arith.index_cast %mul3A_1436 : i32 to index
      %get3A_1440 = tpu.vector_load %arg5[%get3A_1438, %get3A_1439] {strides = array<i32>} : memref<8x2048xf32, #tpu.memory_space<vmem>>, vector<1x16xf32>,
      %get3A_1441 = vector.shape_cast %get3A_1440 : vector<1x16xf32> to vector<16xf32>
      %mul3A_1442 = arith.mulf %get3A_1311, %get3A_1441 : vector<16xf32>
      %add3A_1443 = arith.addf %add3A_1277, %mul3A_1442 : vector<16xf32>
      %mul3A_1444 = arith.mulf %get3A_1322, %get3A_1441 : vector<16xf32>
      %add3A_1445 = arith.addf %add3A_1279, %mul3A_1444 : vector<16xf32>
      %mul3A_1446 = arith.mulf %get3A_1333, %get3A_1441 : vector<16xf32>
      %add3A_1447 = arith.addf %add3A_1281, %mul3A_1446 : vector<16xf32>
      %mul3A_1448 = arith.mulf %get3A_1344, %get3A_1441 : vector<16xf32>
      %add3A_1449 = arith.addf %add3A_1283, %mul3A_1448 : vector<16xf32>
      %mul3A_1450 = arith.constant 16 : i32
      %mul3A_1451 = arith.muli %scan3A_1300, %mul3A_1450 : i32
      %get3A_1452 = arith.constant 7 : i32
      %get3A_1453 = arith.index_cast %get3A_1452 : i32 to index
      %get3A_1454 = arith.index_cast %mul3A_1451 : i32 to index
      %get3A_1455 = tpu.vector_load %arg5[%get3A_1453, %get3A_1454] {strides = array<i32>} : memref<8x2048xf32, #tpu.memory_space<vmem>>, vector<1x16xf32>,
      %get3A_1456 = vector.shape_cast %get3A_1455 : vector<1x16xf32> to vector<16xf32>
      %mul3A_1457 = arith.mulf %get3A_1311, %get3A_1456 : vector<16xf32>
      %add3A_1458 = arith.addf %add3A_1292, %mul3A_1457 : vector<16xf32>
      %mul3A_1459 = arith.mulf %get3A_1322, %get3A_1456 : vector<16xf32>
      %add3A_1460 = arith.addf %add3A_1294, %mul3A_1459 : vector<16xf32>
      %mul3A_1461 = arith.mulf %get3A_1333, %get3A_1456 : vector<16xf32>
      %add3A_1462 = arith.addf %add3A_1296, %mul3A_1461 : vector<16xf32>
      %mul3A_1463 = arith.mulf %get3A_1344, %get3A_1456 : vector<16xf32>
      %add3A_1464 = arith.addf %add3A_1298, %mul3A_1463 : vector<16xf32>
      scf.yield %add3A_1353, %add3A_1355, %add3A_1357, %add3A_1359, %add3A_1368, %add3A_1370, %add3A_1372, %add3A_1374, %add3A_1383, %add3A_1385, %add3A_1387, %add3A_1389, %add3A_1398, %add3A_1400, %add3A_1402, %add3A_1404, %add3A_1413, %add3A_1415, %add3A_1417, %add3A_1419, %add3A_1428, %add3A_1430, %add3A_1432, %add3A_1434, %add3A_1443, %add3A_1445, %add3A_1447, %add3A_1449, %add3A_1458, %add3A_1460, %add3A_1462, %add3A_1464 : vector<16xf32>, vector<16xf32>, vector<16xf32>, vector<16xf32>, vector<16xf32>, vector<16xf32>, vector<16xf32>, vector<16xf32>, vector<16xf32>, vector<16xf32>, vector<16xf32>, vector<16xf32>, vector<16xf32>, vector<16xf32>, vector<16xf32>, vector<16xf32>, vector<16xf32>, vector<16xf32>, vector<16xf32>, vector<16xf32>, vector<16xf32>, vector<16xf32>, vector<16xf32>, vector<16xf32>, vector<16xf32>, vector<16xf32>, vector<16xf32>, vector<16xf32>, vector<16xf32>, vector<16xf32>, vector<16xf32>, vector<16xf32>
    }
    %scan3A_57 = arith.constant 128 : i32
    %gather3A = vector.shape_cast %reshape3A : vector<16x1xi32> to vector<16xi32>
    %gather3A_58 = tpu.dynamic_gather %scan3A_56#0[%gather3A] in [0] : vector<16xf32>, vector<16xi32> -> vector<16xf32>
    %add3A_59 = arith.addf %scan3A_56#0, %gather3A_58 : vector<16xf32>
    %gather3A_60 = vector.shape_cast %reshape3A_10 : vector<16x1xi32> to vector<16xi32>
    %gather3A_61 = tpu.dynamic_gather %add3A_59[%gather3A_60] in [0] : vector<16xf32>, vector<16xi32> -> vector<16xf32>
    %add3A_62 = arith.addf %add3A_59, %gather3A_61 : vector<16xf32>
    %gather3A_63 = vector.shape_cast %reshape3A_14 : vector<16x1xi32> to vector<16xi32>
    %gather3A_64 = tpu.dynamic_gather %add3A_62[%gather3A_63] in [0] : vector<16xf32>, vector<16xi32> -> vector<16xf32>
    %add3A_65 = arith.addf %add3A_62, %gather3A_64 : vector<16xf32>
    %gather3A_66 = vector.shape_cast %reshape3A_18 : vector<16x1xi32> to vector<16xi32>
    %gather3A_67 = tpu.dynamic_gather %add3A_65[%gather3A_66] in [0] : vector<16xf32>, vector<16xi32> -> vector<16xf32>
    %add3A_68 = arith.addf %add3A_65, %gather3A_67 : vector<16xf32>
    %gather3A_69 = vector.shape_cast %reshape3A : vector<16x1xi32> to vector<16xi32>
    %gather3A_70 = tpu.dynamic_gather %scan3A_56#1[%gather3A_69] in [0] : vector<16xf32>, vector<16xi32> -> vector<16xf32>
    %add3A_71 = arith.addf %scan3A_56#1, %gather3A_70 : vector<16xf32>
    %gather3A_72 = vector.shape_cast %reshape3A_10 : vector<16x1xi32> to vector<16xi32>
    %gather3A_73 = tpu.dynamic_gather %add3A_71[%gather3A_72] in [0] : vector<16xf32>, vector<16xi32> -> vector<16xf32>
    %add3A_74 = arith.addf %add3A_71, %gather3A_73 : vector<16xf32>
    %gather3A_75 = vector.shape_cast %reshape3A_14 : vector<16x1xi32> to vector<16xi32>
    %gather3A_76 = tpu.dynamic_gather %add3A_74[%gather3A_75] in [0] : vector<16xf32>, vector<16xi32> -> vector<16xf32>
    %add3A_77 = arith.addf %add3A_74, %gather3A_76 : vector<16xf32>
    %gather3A_78 = vector.shape_cast %reshape3A_18 : vector<16x1xi32> to vector<16xi32>
    %gather3A_79 = tpu.dynamic_gather %add3A_77[%gather3A_78] in [0] : vector<16xf32>, vector<16xi32> -> vector<16xf32>
    %add3A_80 = arith.addf %add3A_77, %gather3A_79 : vector<16xf32>
    %gather3A_81 = vector.shape_cast %reshape3A : vector<16x1xi32> to vector<16xi32>
    %gather3A_82 = tpu.dynamic_gather %scan3A_56#2[%gather3A_81] in [0] : vector<16xf32>, vector<16xi32> -> vector<16xf32>
    %add3A_83 = arith.addf %scan3A_56#2, %gather3A_82 : vector<16xf32>
    %gather3A_84 = vector.shape_cast %reshape3A_10 : vector<16x1xi32> to vector<16xi32>
    %gather3A_85 = tpu.dynamic_gather %add3A_83[%gather3A_84] in [0] : vector<16xf32>, vector<16xi32> -> vector<16xf32>
    %add3A_86 = arith.addf %add3A_83, %gather3A_85 : vector<16xf32>
    %gather3A_87 = vector.shape_cast %reshape3A_14 : vector<16x1xi32> to vector<16xi32>
    %gather3A_88 = tpu.dynamic_gather %add3A_86[%gather3A_87] in [0] : vector<16xf32>, vector<16xi32> -> vector<16xf32>
    %add3A_89 = arith.addf %add3A_86, %gather3A_88 : vector<16xf32>
    %gather3A_90 = vector.shape_cast %reshape3A_18 : vector<16x1xi32> to vector<16xi32>
    %gather3A_91 = tpu.dynamic_gather %add3A_89[%gather3A_90] in [0] : vector<16xf32>, vector<16xi32> -> vector<16xf32>
    %add3A_92 = arith.addf %add3A_89, %gather3A_91 : vector<16xf32>
    %gather3A_93 = vector.shape_cast %reshape3A : vector<16x1xi32> to vector<16xi32>
    %gather3A_94 = tpu.dynamic_gather %scan3A_56#3[%gather3A_93] in [0] : vector<16xf32>, vector<16xi32> -> vector<16xf32>
    %add3A_95 = arith.addf %scan3A_56#3, %gather3A_94 : vector<16xf32>
    %gather3A_96 = vector.shape_cast %reshape3A_10 : vector<16x1xi32> to vector<16xi32>
    %gather3A_97 = tpu.dynamic_gather %add3A_95[%gather3A_96] in [0] : vector<16xf32>, vector<16xi32> -> vector<16xf32>
    %add3A_98 = arith.addf %add3A_95, %gather3A_97 : vector<16xf32>
    %gather3A_99 = vector.shape_cast %reshape3A_14 : vector<16x1xi32> to vector<16xi32>
    %gather3A_100 = tpu.dynamic_gather %add3A_98[%gather3A_99] in [0] : vector<16xf32>, vector<16xi32> -> vector<16xf32>
    %add3A_101 = arith.addf %add3A_98, %gather3A_100 : vector<16xf32>
    %gather3A_102 = vector.shape_cast %reshape3A_18 : vector<16x1xi32> to vector<16xi32>
    %gather3A_103 = tpu.dynamic_gather %add3A_101[%gather3A_102] in [0] : vector<16xf32>, vector<16xi32> -> vector<16xf32>
    %add3A_104 = arith.addf %add3A_101, %gather3A_103 : vector<16xf32>
    %gather3A_105 = vector.shape_cast %reshape3A : vector<16x1xi32> to vector<16xi32>
    %gather3A_106 = tpu.dynamic_gather %scan3A_56#4[%gather3A_105] in [0] : vector<16xf32>, vector<16xi32> -> vector<16xf32>
    %add3A_107 = arith.addf %scan3A_56#4, %gather3A_106 : vector<16xf32>
    %gather3A_108 = vector.shape_cast %reshape3A_10 : vector<16x1xi32> to vector<16xi32>
    %gather3A_109 = tpu.dynamic_gather %add3A_107[%gather3A_108] in [0] : vector<16xf32>, vector<16xi32> -> vector<16xf32>
    %add3A_110 = arith.addf %add3A_107, %gather3A_109 : vector<16xf32>
    %gather3A_111 = vector.shape_cast %reshape3A_14 : vector<16x1xi32> to vector<16xi32>
    %gather3A_112 = tpu.dynamic_gather %add3A_110[%gather3A_111] in [0] : vector<16xf32>, vector<16xi32> -> vector<16xf32>
    %add3A_113 = arith.addf %add3A_110, %gather3A_112 : vector<16xf32>
    %gather3A_114 = vector.shape_cast %reshape3A_18 : vector<16x1xi32> to vector<16xi32>
    %gather3A_115 = tpu.dynamic_gather %add3A_113[%gather3A_114] in [0] : vector<16xf32>, vector<16xi32> -> vector<16xf32>
    %add3A_116 = arith.addf %add3A_113, %gather3A_115 : vector<16xf32>
    %gather3A_117 = vector.shape_cast %reshape3A : vector<16x1xi32> to vector<16xi32>
    %gather3A_118 = tpu.dynamic_gather %scan3A_56#5[%gather3A_117] in [0] : vector<16xf32>, vector<16xi32> -> vector<16xf32>
    %add3A_119 = arith.addf %scan3A_56#5, %gather3A_118 : vector<16xf32>
    %gather3A_120 = vector.shape_cast %reshape3A_10 : vector<16x1xi32> to vector<16xi32>
    %gather3A_121 = tpu.dynamic_gather %add3A_119[%gather3A_120] in [0] : vector<16xf32>, vector<16xi32> -> vector<16xf32>
    %add3A_122 = arith.addf %add3A_119, %gather3A_121 : vector<16xf32>
    %gather3A_123 = vector.shape_cast %reshape3A_14 : vector<16x1xi32> to vector<16xi32>
    %gather3A_124 = tpu.dynamic_gather %add3A_122[%gather3A_123] in [0] : vector<16xf32>, vector<16xi32> -> vector<16xf32>
    %add3A_125 = arith.addf %add3A_122, %gather3A_124 : vector<16xf32>
    %gather3A_126 = vector.shape_cast %reshape3A_18 : vector<16x1xi32> to vector<16xi32>
    %gather3A_127 = tpu.dynamic_gather %add3A_125[%gather3A_126] in [0] : vector<16xf32>, vector<16xi32> -> vector<16xf32>
    %add3A_128 = arith.addf %add3A_125, %gather3A_127 : vector<16xf32>
    %gather3A_129 = vector.shape_cast %reshape3A : vector<16x1xi32> to vector<16xi32>
    %gather3A_130 = tpu.dynamic_gather %scan3A_56#6[%gather3A_129] in [0] : vector<16xf32>, vector<16xi32> -> vector<16xf32>
    %add3A_131 = arith.addf %scan3A_56#6, %gather3A_130 : vector<16xf32>
    %gather3A_132 = vector.shape_cast %reshape3A_10 : vector<16x1xi32> to vector<16xi32>
    %gather3A_133 = tpu.dynamic_gather %add3A_131[%gather3A_132] in [0] : vector<16xf32>, vector<16xi32> -> vector<16xf32>
    %add3A_134 = arith.addf %add3A_131, %gather3A_133 : vector<16xf32>
    %gather3A_135 = vector.shape_cast %reshape3A_14 : vector<16x1xi32> to vector<16xi32>
    %gather3A_136 = tpu.dynamic_gather %add3A_134[%gather3A_135] in [0] : vector<16xf32>, vector<16xi32> -> vector<16xf32>
    %add3A_137 = arith.addf %add3A_134, %gather3A_136 : vector<16xf32>
    %gather3A_138 = vector.shape_cast %reshape3A_18 : vector<16x1xi32> to vector<16xi32>
    %gather3A_139 = tpu.dynamic_gather %add3A_137[%gather3A_138] in [0] : vector<16xf32>, vector<16xi32> -> vector<16xf32>
    %add3A_140 = arith.addf %add3A_137, %gather3A_139 : vector<16xf32>
    %gather3A_141 = vector.shape_cast %reshape3A : vector<16x1xi32> to vector<16xi32>
    %gather3A_142 = tpu.dynamic_gather %scan3A_56#7[%gather3A_141] in [0] : vector<16xf32>, vector<16xi32> -> vector<16xf32>
    %add3A_143 = arith.addf %scan3A_56#7, %gather3A_142 : vector<16xf32>
    %gather3A_144 = vector.shape_cast %reshape3A_10 : vector<16x1xi32> to vector<16xi32>
    %gather3A_145 = tpu.dynamic_gather %add3A_143[%gather3A_144] in [0] : vector<16xf32>, vector<16xi32> -> vector<16xf32>
    %add3A_146 = arith.addf %add3A_143, %gather3A_145 : vector<16xf32>
    %gather3A_147 = vector.shape_cast %reshape3A_14 : vector<16x1xi32> to vector<16xi32>
    %gather3A_148 = tpu.dynamic_gather %add3A_146[%gather3A_147] in [0] : vector<16xf32>, vector<16xi32> -> vector<16xf32>
    %add3A_149 = arith.addf %add3A_146, %gather3A_148 : vector<16xf32>
    %gather3A_150 = vector.shape_cast %reshape3A_18 : vector<16x1xi32> to vector<16xi32>
    %gather3A_151 = tpu.dynamic_gather %add3A_149[%gather3A_150] in [0] : vector<16xf32>, vector<16xi32> -> vector<16xf32>
    %add3A_152 = arith.addf %add3A_149, %gather3A_151 : vector<16xf32>
    %gather3A_153 = vector.shape_cast %reshape3A : vector<16x1xi32> to vector<16xi32>
    %gather3A_154 = tpu.dynamic_gather %scan3A_56#8[%gather3A_153] in [0] : vector<16xf32>, vector<16xi32> -> vector<16xf32>
    %add3A_155 = arith.addf %scan3A_56#8, %gather3A_154 : vector<16xf32>
    %gather3A_156 = vector.shape_cast %reshape3A_10 : vector<16x1xi32> to vector<16xi32>
    %gather3A_157 = tpu.dynamic_gather %add3A_155[%gather3A_156] in [0] : vector<16xf32>, vector<16xi32> -> vector<16xf32>
    %add3A_158 = arith.addf %add3A_155, %gather3A_157 : vector<16xf32>
    %gather3A_159 = vector.shape_cast %reshape3A_14 : vector<16x1xi32> to vector<16xi32>
    %gather3A_160 = tpu.dynamic_gather %add3A_158[%gather3A_159] in [0] : vector<16xf32>, vector<16xi32> -> vector<16xf32>
    %add3A_161 = arith.addf %add3A_158, %gather3A_160 : vector<16xf32>
    %gather3A_162 = vector.shape_cast %reshape3A_18 : vector<16x1xi32> to vector<16xi32>
    %gather3A_163 = tpu.dynamic_gather %add3A_161[%gather3A_162] in [0] : vector<16xf32>, vector<16xi32> -> vector<16xf32>
    %add3A_164 = arith.addf %add3A_161, %gather3A_163 : vector<16xf32>
    %gather3A_165 = vector.shape_cast %reshape3A : vector<16x1xi32> to vector<16xi32>
    %gather3A_166 = tpu.dynamic_gather %scan3A_56#9[%gather3A_165] in [0] : vector<16xf32>, vector<16xi32> -> vector<16xf32>
    %add3A_167 = arith.addf %scan3A_56#9, %gather3A_166 : vector<16xf32>
    %gather3A_168 = vector.shape_cast %reshape3A_10 : vector<16x1xi32> to vector<16xi32>
    %gather3A_169 = tpu.dynamic_gather %add3A_167[%gather3A_168] in [0] : vector<16xf32>, vector<16xi32> -> vector<16xf32>
    %add3A_170 = arith.addf %add3A_167, %gather3A_169 : vector<16xf32>
    %gather3A_171 = vector.shape_cast %reshape3A_14 : vector<16x1xi32> to vector<16xi32>
    %gather3A_172 = tpu.dynamic_gather %add3A_170[%gather3A_171] in [0] : vector<16xf32>, vector<16xi32> -> vector<16xf32>
    %add3A_173 = arith.addf %add3A_170, %gather3A_172 : vector<16xf32>
    %gather3A_174 = vector.shape_cast %reshape3A_18 : vector<16x1xi32> to vector<16xi32>
    %gather3A_175 = tpu.dynamic_gather %add3A_173[%gather3A_174] in [0] : vector<16xf32>, vector<16xi32> -> vector<16xf32>
    %add3A_176 = arith.addf %add3A_173, %gather3A_175 : vector<16xf32>
    %gather3A_177 = vector.shape_cast %reshape3A : vector<16x1xi32> to vector<16xi32>
    %gather3A_178 = tpu.dynamic_gather %scan3A_56#10[%gather3A_177] in [0] : vector<16xf32>, vector<16xi32> -> vector<16xf32>
    %add3A_179 = arith.addf %scan3A_56#10, %gather3A_178 : vector<16xf32>
    %gather3A_180 = vector.shape_cast %reshape3A_10 : vector<16x1xi32> to vector<16xi32>
    %gather3A_181 = tpu.dynamic_gather %add3A_179[%gather3A_180] in [0] : vector<16xf32>, vector<16xi32> -> vector<16xf32>
    %add3A_182 = arith.addf %add3A_179, %gather3A_181 : vector<16xf32>
    %gather3A_183 = vector.shape_cast %reshape3A_14 : vector<16x1xi32> to vector<16xi32>
    %gather3A_184 = tpu.dynamic_gather %add3A_182[%gather3A_183] in [0] : vector<16xf32>, vector<16xi32> -> vector<16xf32>
    %add3A_185 = arith.addf %add3A_182, %gather3A_184 : vector<16xf32>
    %gather3A_186 = vector.shape_cast %reshape3A_18 : vector<16x1xi32> to vector<16xi32>
    %gather3A_187 = tpu.dynamic_gather %add3A_185[%gather3A_186] in [0] : vector<16xf32>, vector<16xi32> -> vector<16xf32>
    %add3A_188 = arith.addf %add3A_185, %gather3A_187 : vector<16xf32>
    %gather3A_189 = vector.shape_cast %reshape3A : vector<16x1xi32> to vector<16xi32>
    %gather3A_190 = tpu.dynamic_gather %scan3A_56#11[%gather3A_189] in [0] : vector<16xf32>, vector<16xi32> -> vector<16xf32>
    %add3A_191 = arith.addf %scan3A_56#11, %gather3A_190 : vector<16xf32>
    %gather3A_192 = vector.shape_cast %reshape3A_10 : vector<16x1xi32> to vector<16xi32>
    %gather3A_193 = tpu.dynamic_gather %add3A_191[%gather3A_192] in [0] : vector<16xf32>, vector<16xi32> -> vector<16xf32>
    %add3A_194 = arith.addf %add3A_191, %gather3A_193 : vector<16xf32>
    %gather3A_195 = vector.shape_cast %reshape3A_14 : vector<16x1xi32> to vector<16xi32>
    %gather3A_196 = tpu.dynamic_gather %add3A_194[%gather3A_195] in [0] : vector<16xf32>, vector<16xi32> -> vector<16xf32>
    %add3A_197 = arith.addf %add3A_194, %gather3A_196 : vector<16xf32>
    %gather3A_198 = vector.shape_cast %reshape3A_18 : vector<16x1xi32> to vector<16xi32>
    %gather3A_199 = tpu.dynamic_gather %add3A_197[%gather3A_198] in [0] : vector<16xf32>, vector<16xi32> -> vector<16xf32>
    %add3A_200 = arith.addf %add3A_197, %gather3A_199 : vector<16xf32>
    %gather3A_201 = vector.shape_cast %reshape3A : vector<16x1xi32> to vector<16xi32>
    %gather3A_202 = tpu.dynamic_gather %scan3A_56#12[%gather3A_201] in [0] : vector<16xf32>, vector<16xi32> -> vector<16xf32>
    %add3A_203 = arith.addf %scan3A_56#12, %gather3A_202 : vector<16xf32>
    %gather3A_204 = vector.shape_cast %reshape3A_10 : vector<16x1xi32> to vector<16xi32>
    %gather3A_205 = tpu.dynamic_gather %add3A_203[%gather3A_204] in [0] : vector<16xf32>, vector<16xi32> -> vector<16xf32>
    %add3A_206 = arith.addf %add3A_203, %gather3A_205 : vector<16xf32>
    %gather3A_207 = vector.shape_cast %reshape3A_14 : vector<16x1xi32> to vector<16xi32>
    %gather3A_208 = tpu.dynamic_gather %add3A_206[%gather3A_207] in [0] : vector<16xf32>, vector<16xi32> -> vector<16xf32>
    %add3A_209 = arith.addf %add3A_206, %gather3A_208 : vector<16xf32>
    %gather3A_210 = vector.shape_cast %reshape3A_18 : vector<16x1xi32> to vector<16xi32>
    %gather3A_211 = tpu.dynamic_gather %add3A_209[%gather3A_210] in [0] : vector<16xf32>, vector<16xi32> -> vector<16xf32>
    %add3A_212 = arith.addf %add3A_209, %gather3A_211 : vector<16xf32>
    %gather3A_213 = vector.shape_cast %reshape3A : vector<16x1xi32> to vector<16xi32>
    %gather3A_214 = tpu.dynamic_gather %scan3A_56#13[%gather3A_213] in [0] : vector<16xf32>, vector<16xi32> -> vector<16xf32>
    %add3A_215 = arith.addf %scan3A_56#13, %gather3A_214 : vector<16xf32>
    %gather3A_216 = vector.shape_cast %reshape3A_10 : vector<16x1xi32> to vector<16xi32>
    %gather3A_217 = tpu.dynamic_gather %add3A_215[%gather3A_216] in [0] : vector<16xf32>, vector<16xi32> -> vector<16xf32>
    %add3A_218 = arith.addf %add3A_215, %gather3A_217 : vector<16xf32>
    %gather3A_219 = vector.shape_cast %reshape3A_14 : vector<16x1xi32> to vector<16xi32>
    %gather3A_220 = tpu.dynamic_gather %add3A_218[%gather3A_219] in [0] : vector<16xf32>, vector<16xi32> -> vector<16xf32>
    %add3A_221 = arith.addf %add3A_218, %gather3A_220 : vector<16xf32>
    %gather3A_222 = vector.shape_cast %reshape3A_18 : vector<16x1xi32> to vector<16xi32>
    %gather3A_223 = tpu.dynamic_gather %add3A_221[%gather3A_222] in [0] : vector<16xf32>, vector<16xi32> -> vector<16xf32>
    %add3A_224 = arith.addf %add3A_221, %gather3A_223 : vector<16xf32>
    %gather3A_225 = vector.shape_cast %reshape3A : vector<16x1xi32> to vector<16xi32>
    %gather3A_226 = tpu.dynamic_gather %scan3A_56#14[%gather3A_225] in [0] : vector<16xf32>, vector<16xi32> -> vector<16xf32>
    %add3A_227 = arith.addf %scan3A_56#14, %gather3A_226 : vector<16xf32>
    %gather3A_228 = vector.shape_cast %reshape3A_10 : vector<16x1xi32> to vector<16xi32>
    %gather3A_229 = tpu.dynamic_gather %add3A_227[%gather3A_228] in [0] : vector<16xf32>, vector<16xi32> -> vector<16xf32>
    %add3A_230 = arith.addf %add3A_227, %gather3A_229 : vector<16xf32>
    %gather3A_231 = vector.shape_cast %reshape3A_14 : vector<16x1xi32> to vector<16xi32>
    %gather3A_232 = tpu.dynamic_gather %add3A_230[%gather3A_231] in [0] : vector<16xf32>, vector<16xi32> -> vector<16xf32>
    %add3A_233 = arith.addf %add3A_230, %gather3A_232 : vector<16xf32>
    %gather3A_234 = vector.shape_cast %reshape3A_18 : vector<16x1xi32> to vector<16xi32>
    %gather3A_235 = tpu.dynamic_gather %add3A_233[%gather3A_234] in [0] : vector<16xf32>, vector<16xi32> -> vector<16xf32>
    %add3A_236 = arith.addf %add3A_233, %gather3A_235 : vector<16xf32>
    %gather3A_237 = vector.shape_cast %reshape3A : vector<16x1xi32> to vector<16xi32>
    %gather3A_238 = tpu.dynamic_gather %scan3A_56#15[%gather3A_237] in [0] : vector<16xf32>, vector<16xi32> -> vector<16xf32>
    %add3A_239 = arith.addf %scan3A_56#15, %gather3A_238 : vector<16xf32>
    %gather3A_240 = vector.shape_cast %reshape3A_10 : vector<16x1xi32> to vector<16xi32>
    %gather3A_241 = tpu.dynamic_gather %add3A_239[%gather3A_240] in [0] : vector<16xf32>, vector<16xi32> -> vector<16xf32>
    %add3A_242 = arith.addf %add3A_239, %gather3A_241 : vector<16xf32>
    %gather3A_243 = vector.shape_cast %reshape3A_14 : vector<16x1xi32> to vector<16xi32>
    %gather3A_244 = tpu.dynamic_gather %add3A_242[%gather3A_243] in [0] : vector<16xf32>, vector<16xi32> -> vector<16xf32>
    %add3A_245 = arith.addf %add3A_242, %gather3A_244 : vector<16xf32>
    %gather3A_246 = vector.shape_cast %reshape3A_18 : vector<16x1xi32> to vector<16xi32>
    %gather3A_247 = tpu.dynamic_gather %add3A_245[%gather3A_246] in [0] : vector<16xf32>, vector<16xi32> -> vector<16xf32>
    %add3A_248 = arith.addf %add3A_245, %gather3A_247 : vector<16xf32>
    %gather3A_249 = vector.shape_cast %reshape3A : vector<16x1xi32> to vector<16xi32>
    %gather3A_250 = tpu.dynamic_gather %scan3A_56#16[%gather3A_249] in [0] : vector<16xf32>, vector<16xi32> -> vector<16xf32>
    %add3A_251 = arith.addf %scan3A_56#16, %gather3A_250 : vector<16xf32>
    %gather3A_252 = vector.shape_cast %reshape3A_10 : vector<16x1xi32> to vector<16xi32>
    %gather3A_253 = tpu.dynamic_gather %add3A_251[%gather3A_252] in [0] : vector<16xf32>, vector<16xi32> -> vector<16xf32>
    %add3A_254 = arith.addf %add3A_251, %gather3A_253 : vector<16xf32>
    %gather3A_255 = vector.shape_cast %reshape3A_14 : vector<16x1xi32> to vector<16xi32>
    %gather3A_256 = tpu.dynamic_gather %add3A_254[%gather3A_255] in [0] : vector<16xf32>, vector<16xi32> -> vector<16xf32>
    %add3A_257 = arith.addf %add3A_254, %gather3A_256 : vector<16xf32>
    %gather3A_258 = vector.shape_cast %reshape3A_18 : vector<16x1xi32> to vector<16xi32>
    %gather3A_259 = tpu.dynamic_gather %add3A_257[%gather3A_258] in [0] : vector<16xf32>, vector<16xi32> -> vector<16xf32>
    %add3A_260 = arith.addf %add3A_257, %gather3A_259 : vector<16xf32>
    %gather3A_261 = vector.shape_cast %reshape3A : vector<16x1xi32> to vector<16xi32>
    %gather3A_262 = tpu.dynamic_gather %scan3A_56#17[%gather3A_261] in [0] : vector<16xf32>, vector<16xi32> -> vector<16xf32>
    %add3A_263 = arith.addf %scan3A_56#17, %gather3A_262 : vector<16xf32>
    %gather3A_264 = vector.shape_cast %reshape3A_10 : vector<16x1xi32> to vector<16xi32>
    %gather3A_265 = tpu.dynamic_gather %add3A_263[%gather3A_264] in [0] : vector<16xf32>, vector<16xi32> -> vector<16xf32>
    %add3A_266 = arith.addf %add3A_263, %gather3A_265 : vector<16xf32>
    %gather3A_267 = vector.shape_cast %reshape3A_14 : vector<16x1xi32> to vector<16xi32>
    %gather3A_268 = tpu.dynamic_gather %add3A_266[%gather3A_267] in [0] : vector<16xf32>, vector<16xi32> -> vector<16xf32>
    %add3A_269 = arith.addf %add3A_266, %gather3A_268 : vector<16xf32>
    %gather3A_270 = vector.shape_cast %reshape3A_18 : vector<16x1xi32> to vector<16xi32>
    %gather3A_271 = tpu.dynamic_gather %add3A_269[%gather3A_270] in [0] : vector<16xf32>, vector<16xi32> -> vector<16xf32>
    %add3A_272 = arith.addf %add3A_269, %gather3A_271 : vector<16xf32>
    %gather3A_273 = vector.shape_cast %reshape3A : vector<16x1xi32> to vector<16xi32>
    %gather3A_274 = tpu.dynamic_gather %scan3A_56#18[%gather3A_273] in [0] : vector<16xf32>, vector<16xi32> -> vector<16xf32>
    %add3A_275 = arith.addf %scan3A_56#18, %gather3A_274 : vector<16xf32>
    %gather3A_276 = vector.shape_cast %reshape3A_10 : vector<16x1xi32> to vector<16xi32>
    %gather3A_277 = tpu.dynamic_gather %add3A_275[%gather3A_276] in [0] : vector<16xf32>, vector<16xi32> -> vector<16xf32>
    %add3A_278 = arith.addf %add3A_275, %gather3A_277 : vector<16xf32>
    %gather3A_279 = vector.shape_cast %reshape3A_14 : vector<16x1xi32> to vector<16xi32>
    %gather3A_280 = tpu.dynamic_gather %add3A_278[%gather3A_279] in [0] : vector<16xf32>, vector<16xi32> -> vector<16xf32>
    %add3A_281 = arith.addf %add3A_278, %gather3A_280 : vector<16xf32>
    %gather3A_282 = vector.shape_cast %reshape3A_18 : vector<16x1xi32> to vector<16xi32>
    %gather3A_283 = tpu.dynamic_gather %add3A_281[%gather3A_282] in [0] : vector<16xf32>, vector<16xi32> -> vector<16xf32>
    %add3A_284 = arith.addf %add3A_281, %gather3A_283 : vector<16xf32>
    %gather3A_285 = vector.shape_cast %reshape3A : vector<16x1xi32> to vector<16xi32>
    %gather3A_286 = tpu.dynamic_gather %scan3A_56#19[%gather3A_285] in [0] : vector<16xf32>, vector<16xi32> -> vector<16xf32>
    %add3A_287 = arith.addf %scan3A_56#19, %gather3A_286 : vector<16xf32>
    %gather3A_288 = vector.shape_cast %reshape3A_10 : vector<16x1xi32> to vector<16xi32>
    %gather3A_289 = tpu.dynamic_gather %add3A_287[%gather3A_288] in [0] : vector<16xf32>, vector<16xi32> -> vector<16xf32>
    %add3A_290 = arith.addf %add3A_287, %gather3A_289 : vector<16xf32>
    %gather3A_291 = vector.shape_cast %reshape3A_14 : vector<16x1xi32> to vector<16xi32>
    %gather3A_292 = tpu.dynamic_gather %add3A_290[%gather3A_291] in [0] : vector<16xf32>, vector<16xi32> -> vector<16xf32>
    %add3A_293 = arith.addf %add3A_290, %gather3A_292 : vector<16xf32>
    %gather3A_294 = vector.shape_cast %reshape3A_18 : vector<16x1xi32> to vector<16xi32>
    %gather3A_295 = tpu.dynamic_gather %add3A_293[%gather3A_294] in [0] : vector<16xf32>, vector<16xi32> -> vector<16xf32>
    %add3A_296 = arith.addf %add3A_293, %gather3A_295 : vector<16xf32>
    %gather3A_297 = vector.shape_cast %reshape3A : vector<16x1xi32> to vector<16xi32>
    %gather3A_298 = tpu.dynamic_gather %scan3A_56#20[%gather3A_297] in [0] : vector<16xf32>, vector<16xi32> -> vector<16xf32>
    %add3A_299 = arith.addf %scan3A_56#20, %gather3A_298 : vector<16xf32>
    %gather3A_300 = vector.shape_cast %reshape3A_10 : vector<16x1xi32> to vector<16xi32>
    %gather3A_301 = tpu.dynamic_gather %add3A_299[%gather3A_300] in [0] : vector<16xf32>, vector<16xi32> -> vector<16xf32>
    %add3A_302 = arith.addf %add3A_299, %gather3A_301 : vector<16xf32>
    %gather3A_303 = vector.shape_cast %reshape3A_14 : vector<16x1xi32> to vector<16xi32>
    %gather3A_304 = tpu.dynamic_gather %add3A_302[%gather3A_303] in [0] : vector<16xf32>, vector<16xi32> -> vector<16xf32>
    %add3A_305 = arith.addf %add3A_302, %gather3A_304 : vector<16xf32>
    %gather3A_306 = vector.shape_cast %reshape3A_18 : vector<16x1xi32> to vector<16xi32>
    %gather3A_307 = tpu.dynamic_gather %add3A_305[%gather3A_306] in [0] : vector<16xf32>, vector<16xi32> -> vector<16xf32>
    %add3A_308 = arith.addf %add3A_305, %gather3A_307 : vector<16xf32>
    %gather3A_309 = vector.shape_cast %reshape3A : vector<16x1xi32> to vector<16xi32>
    %gather3A_310 = tpu.dynamic_gather %scan3A_56#21[%gather3A_309] in [0] : vector<16xf32>, vector<16xi32> -> vector<16xf32>
    %add3A_311 = arith.addf %scan3A_56#21, %gather3A_310 : vector<16xf32>
    %gather3A_312 = vector.shape_cast %reshape3A_10 : vector<16x1xi32> to vector<16xi32>
    %gather3A_313 = tpu.dynamic_gather %add3A_311[%gather3A_312] in [0] : vector<16xf32>, vector<16xi32> -> vector<16xf32>
    %add3A_314 = arith.addf %add3A_311, %gather3A_313 : vector<16xf32>
    %gather3A_315 = vector.shape_cast %reshape3A_14 : vector<16x1xi32> to vector<16xi32>
    %gather3A_316 = tpu.dynamic_gather %add3A_314[%gather3A_315] in [0] : vector<16xf32>, vector<16xi32> -> vector<16xf32>
    %add3A_317 = arith.addf %add3A_314, %gather3A_316 : vector<16xf32>
    %gather3A_318 = vector.shape_cast %reshape3A_18 : vector<16x1xi32> to vector<16xi32>
    %gather3A_319 = tpu.dynamic_gather %add3A_317[%gather3A_318] in [0] : vector<16xf32>, vector<16xi32> -> vector<16xf32>
    %add3A_320 = arith.addf %add3A_317, %gather3A_319 : vector<16xf32>
    %gather3A_321 = vector.shape_cast %reshape3A : vector<16x1xi32> to vector<16xi32>
    %gather3A_322 = tpu.dynamic_gather %scan3A_56#22[%gather3A_321] in [0] : vector<16xf32>, vector<16xi32> -> vector<16xf32>
    %add3A_323 = arith.addf %scan3A_56#22, %gather3A_322 : vector<16xf32>
    %gather3A_324 = vector.shape_cast %reshape3A_10 : vector<16x1xi32> to vector<16xi32>
    %gather3A_325 = tpu.dynamic_gather %add3A_323[%gather3A_324] in [0] : vector<16xf32>, vector<16xi32> -> vector<16xf32>
    %add3A_326 = arith.addf %add3A_323, %gather3A_325 : vector<16xf32>
    %gather3A_327 = vector.shape_cast %reshape3A_14 : vector<16x1xi32> to vector<16xi32>
    %gather3A_328 = tpu.dynamic_gather %add3A_326[%gather3A_327] in [0] : vector<16xf32>, vector<16xi32> -> vector<16xf32>
    %add3A_329 = arith.addf %add3A_326, %gather3A_328 : vector<16xf32>
    %gather3A_330 = vector.shape_cast %reshape3A_18 : vector<16x1xi32> to vector<16xi32>
    %gather3A_331 = tpu.dynamic_gather %add3A_329[%gather3A_330] in [0] : vector<16xf32>, vector<16xi32> -> vector<16xf32>
    %add3A_332 = arith.addf %add3A_329, %gather3A_331 : vector<16xf32>
    %gather3A_333 = vector.shape_cast %reshape3A : vector<16x1xi32> to vector<16xi32>
    %gather3A_334 = tpu.dynamic_gather %scan3A_56#23[%gather3A_333] in [0] : vector<16xf32>, vector<16xi32> -> vector<16xf32>
    %add3A_335 = arith.addf %scan3A_56#23, %gather3A_334 : vector<16xf32>
    %gather3A_336 = vector.shape_cast %reshape3A_10 : vector<16x1xi32> to vector<16xi32>
    %gather3A_337 = tpu.dynamic_gather %add3A_335[%gather3A_336] in [0] : vector<16xf32>, vector<16xi32> -> vector<16xf32>
    %add3A_338 = arith.addf %add3A_335, %gather3A_337 : vector<16xf32>
    %gather3A_339 = vector.shape_cast %reshape3A_14 : vector<16x1xi32> to vector<16xi32>
    %gather3A_340 = tpu.dynamic_gather %add3A_338[%gather3A_339] in [0] : vector<16xf32>, vector<16xi32> -> vector<16xf32>
    %add3A_341 = arith.addf %add3A_338, %gather3A_340 : vector<16xf32>
    %gather3A_342 = vector.shape_cast %reshape3A_18 : vector<16x1xi32> to vector<16xi32>
    %gather3A_343 = tpu.dynamic_gather %add3A_341[%gather3A_342] in [0] : vector<16xf32>, vector<16xi32> -> vector<16xf32>
    %add3A_344 = arith.addf %add3A_341, %gather3A_343 : vector<16xf32>
    %gather3A_345 = vector.shape_cast %reshape3A : vector<16x1xi32> to vector<16xi32>
    %gather3A_346 = tpu.dynamic_gather %scan3A_56#24[%gather3A_345] in [0] : vector<16xf32>, vector<16xi32> -> vector<16xf32>
    %add3A_347 = arith.addf %scan3A_56#24, %gather3A_346 : vector<16xf32>
    %gather3A_348 = vector.shape_cast %reshape3A_10 : vector<16x1xi32> to vector<16xi32>
    %gather3A_349 = tpu.dynamic_gather %add3A_347[%gather3A_348] in [0] : vector<16xf32>, vector<16xi32> -> vector<16xf32>
    %add3A_350 = arith.addf %add3A_347, %gather3A_349 : vector<16xf32>
    %gather3A_351 = vector.shape_cast %reshape3A_14 : vector<16x1xi32> to vector<16xi32>
    %gather3A_352 = tpu.dynamic_gather %add3A_350[%gather3A_351] in [0] : vector<16xf32>, vector<16xi32> -> vector<16xf32>
    %add3A_353 = arith.addf %add3A_350, %gather3A_352 : vector<16xf32>
    %gather3A_354 = vector.shape_cast %reshape3A_18 : vector<16x1xi32> to vector<16xi32>
    %gather3A_355 = tpu.dynamic_gather %add3A_353[%gather3A_354] in [0] : vector<16xf32>, vector<16xi32> -> vector<16xf32>
    %add3A_356 = arith.addf %add3A_353, %gather3A_355 : vector<16xf32>
    %gather3A_357 = vector.shape_cast %reshape3A : vector<16x1xi32> to vector<16xi32>
    %gather3A_358 = tpu.dynamic_gather %scan3A_56#25[%gather3A_357] in [0] : vector<16xf32>, vector<16xi32> -> vector<16xf32>
    %add3A_359 = arith.addf %scan3A_56#25, %gather3A_358 : vector<16xf32>
    %gather3A_360 = vector.shape_cast %reshape3A_10 : vector<16x1xi32> to vector<16xi32>
    %gather3A_361 = tpu.dynamic_gather %add3A_359[%gather3A_360] in [0] : vector<16xf32>, vector<16xi32> -> vector<16xf32>
    %add3A_362 = arith.addf %add3A_359, %gather3A_361 : vector<16xf32>
    %gather3A_363 = vector.shape_cast %reshape3A_14 : vector<16x1xi32> to vector<16xi32>
    %gather3A_364 = tpu.dynamic_gather %add3A_362[%gather3A_363] in [0] : vector<16xf32>, vector<16xi32> -> vector<16xf32>
    %add3A_365 = arith.addf %add3A_362, %gather3A_364 : vector<16xf32>
    %gather3A_366 = vector.shape_cast %reshape3A_18 : vector<16x1xi32> to vector<16xi32>
    %gather3A_367 = tpu.dynamic_gather %add3A_365[%gather3A_366] in [0] : vector<16xf32>, vector<16xi32> -> vector<16xf32>
    %add3A_368 = arith.addf %add3A_365, %gather3A_367 : vector<16xf32>
    %gather3A_369 = vector.shape_cast %reshape3A : vector<16x1xi32> to vector<16xi32>
    %gather3A_370 = tpu.dynamic_gather %scan3A_56#26[%gather3A_369] in [0] : vector<16xf32>, vector<16xi32> -> vector<16xf32>
    %add3A_371 = arith.addf %scan3A_56#26, %gather3A_370 : vector<16xf32>
    %gather3A_372 = vector.shape_cast %reshape3A_10 : vector<16x1xi32> to vector<16xi32>
    %gather3A_373 = tpu.dynamic_gather %add3A_371[%gather3A_372] in [0] : vector<16xf32>, vector<16xi32> -> vector<16xf32>
    %add3A_374 = arith.addf %add3A_371, %gather3A_373 : vector<16xf32>
    %gather3A_375 = vector.shape_cast %reshape3A_14 : vector<16x1xi32> to vector<16xi32>
    %gather3A_376 = tpu.dynamic_gather %add3A_374[%gather3A_375] in [0] : vector<16xf32>, vector<16xi32> -> vector<16xf32>
    %add3A_377 = arith.addf %add3A_374, %gather3A_376 : vector<16xf32>
    %gather3A_378 = vector.shape_cast %reshape3A_18 : vector<16x1xi32> to vector<16xi32>
    %gather3A_379 = tpu.dynamic_gather %add3A_377[%gather3A_378] in [0] : vector<16xf32>, vector<16xi32> -> vector<16xf32>
    %add3A_380 = arith.addf %add3A_377, %gather3A_379 : vector<16xf32>
    %gather3A_381 = vector.shape_cast %reshape3A : vector<16x1xi32> to vector<16xi32>
    %gather3A_382 = tpu.dynamic_gather %scan3A_56#27[%gather3A_381] in [0] : vector<16xf32>, vector<16xi32> -> vector<16xf32>
    %add3A_383 = arith.addf %scan3A_56#27, %gather3A_382 : vector<16xf32>
    %gather3A_384 = vector.shape_cast %reshape3A_10 : vector<16x1xi32> to vector<16xi32>
    %gather3A_385 = tpu.dynamic_gather %add3A_383[%gather3A_384] in [0] : vector<16xf32>, vector<16xi32> -> vector<16xf32>
    %add3A_386 = arith.addf %add3A_383, %gather3A_385 : vector<16xf32>
    %gather3A_387 = vector.shape_cast %reshape3A_14 : vector<16x1xi32> to vector<16xi32>
    %gather3A_388 = tpu.dynamic_gather %add3A_386[%gather3A_387] in [0] : vector<16xf32>, vector<16xi32> -> vector<16xf32>
    %add3A_389 = arith.addf %add3A_386, %gather3A_388 : vector<16xf32>
    %gather3A_390 = vector.shape_cast %reshape3A_18 : vector<16x1xi32> to vector<16xi32>
    %gather3A_391 = tpu.dynamic_gather %add3A_389[%gather3A_390] in [0] : vector<16xf32>, vector<16xi32> -> vector<16xf32>
    %add3A_392 = arith.addf %add3A_389, %gather3A_391 : vector<16xf32>
    %gather3A_393 = vector.shape_cast %reshape3A : vector<16x1xi32> to vector<16xi32>
    %gather3A_394 = tpu.dynamic_gather %scan3A_56#28[%gather3A_393] in [0] : vector<16xf32>, vector<16xi32> -> vector<16xf32>
    %add3A_395 = arith.addf %scan3A_56#28, %gather3A_394 : vector<16xf32>
    %gather3A_396 = vector.shape_cast %reshape3A_10 : vector<16x1xi32> to vector<16xi32>
    %gather3A_397 = tpu.dynamic_gather %add3A_395[%gather3A_396] in [0] : vector<16xf32>, vector<16xi32> -> vector<16xf32>
    %add3A_398 = arith.addf %add3A_395, %gather3A_397 : vector<16xf32>
    %gather3A_399 = vector.shape_cast %reshape3A_14 : vector<16x1xi32> to vector<16xi32>
    %gather3A_400 = tpu.dynamic_gather %add3A_398[%gather3A_399] in [0] : vector<16xf32>, vector<16xi32> -> vector<16xf32>
    %add3A_401 = arith.addf %add3A_398, %gather3A_400 : vector<16xf32>
    %gather3A_402 = vector.shape_cast %reshape3A_18 : vector<16x1xi32> to vector<16xi32>
    %gather3A_403 = tpu.dynamic_gather %add3A_401[%gather3A_402] in [0] : vector<16xf32>, vector<16xi32> -> vector<16xf32>
    %add3A_404 = arith.addf %add3A_401, %gather3A_403 : vector<16xf32>
    %gather3A_405 = vector.shape_cast %reshape3A : vector<16x1xi32> to vector<16xi32>
    %gather3A_406 = tpu.dynamic_gather %scan3A_56#29[%gather3A_405] in [0] : vector<16xf32>, vector<16xi32> -> vector<16xf32>
    %add3A_407 = arith.addf %scan3A_56#29, %gather3A_406 : vector<16xf32>
    %gather3A_408 = vector.shape_cast %reshape3A_10 : vector<16x1xi32> to vector<16xi32>
    %gather3A_409 = tpu.dynamic_gather %add3A_407[%gather3A_408] in [0] : vector<16xf32>, vector<16xi32> -> vector<16xf32>
    %add3A_410 = arith.addf %add3A_407, %gather3A_409 : vector<16xf32>
    %gather3A_411 = vector.shape_cast %reshape3A_14 : vector<16x1xi32> to vector<16xi32>
    %gather3A_412 = tpu.dynamic_gather %add3A_410[%gather3A_411] in [0] : vector<16xf32>, vector<16xi32> -> vector<16xf32>
    %add3A_413 = arith.addf %add3A_410, %gather3A_412 : vector<16xf32>
    %gather3A_414 = vector.shape_cast %reshape3A_18 : vector<16x1xi32> to vector<16xi32>
    %gather3A_415 = tpu.dynamic_gather %add3A_413[%gather3A_414] in [0] : vector<16xf32>, vector<16xi32> -> vector<16xf32>
    %add3A_416 = arith.addf %add3A_413, %gather3A_415 : vector<16xf32>
    %gather3A_417 = vector.shape_cast %reshape3A : vector<16x1xi32> to vector<16xi32>
    %gather3A_418 = tpu.dynamic_gather %scan3A_56#30[%gather3A_417] in [0] : vector<16xf32>, vector<16xi32> -> vector<16xf32>
    %add3A_419 = arith.addf %scan3A_56#30, %gather3A_418 : vector<16xf32>
    %gather3A_420 = vector.shape_cast %reshape3A_10 : vector<16x1xi32> to vector<16xi32>
    %gather3A_421 = tpu.dynamic_gather %add3A_419[%gather3A_420] in [0] : vector<16xf32>, vector<16xi32> -> vector<16xf32>
    %add3A_422 = arith.addf %add3A_419, %gather3A_421 : vector<16xf32>
    %gather3A_423 = vector.shape_cast %reshape3A_14 : vector<16x1xi32> to vector<16xi32>
    %gather3A_424 = tpu.dynamic_gather %add3A_422[%gather3A_423] in [0] : vector<16xf32>, vector<16xi32> -> vector<16xf32>
    %add3A_425 = arith.addf %add3A_422, %gather3A_424 : vector<16xf32>
    %gather3A_426 = vector.shape_cast %reshape3A_18 : vector<16x1xi32> to vector<16xi32>
    %gather3A_427 = tpu.dynamic_gather %add3A_425[%gather3A_426] in [0] : vector<16xf32>, vector<16xi32> -> vector<16xf32>
    %add3A_428 = arith.addf %add3A_425, %gather3A_427 : vector<16xf32>
    %gather3A_429 = vector.shape_cast %reshape3A : vector<16x1xi32> to vector<16xi32>
    %gather3A_430 = tpu.dynamic_gather %scan3A_56#31[%gather3A_429] in [0] : vector<16xf32>, vector<16xi32> -> vector<16xf32>
    %add3A_431 = arith.addf %scan3A_56#31, %gather3A_430 : vector<16xf32>
    %gather3A_432 = vector.shape_cast %reshape3A_10 : vector<16x1xi32> to vector<16xi32>
    %gather3A_433 = tpu.dynamic_gather %add3A_431[%gather3A_432] in [0] : vector<16xf32>, vector<16xi32> -> vector<16xf32>
    %add3A_434 = arith.addf %add3A_431, %gather3A_433 : vector<16xf32>
    %gather3A_435 = vector.shape_cast %reshape3A_14 : vector<16x1xi32> to vector<16xi32>
    %gather3A_436 = tpu.dynamic_gather %add3A_434[%gather3A_435] in [0] : vector<16xf32>, vector<16xi32> -> vector<16xf32>
    %add3A_437 = arith.addf %add3A_434, %gather3A_436 : vector<16xf32>
    %gather3A_438 = vector.shape_cast %reshape3A_18 : vector<16x1xi32> to vector<16xi32>
    %gather3A_439 = tpu.dynamic_gather %add3A_437[%gather3A_438] in [0] : vector<16xf32>, vector<16xi32> -> vector<16xf32>
    %add3A_440 = arith.addf %add3A_437, %gather3A_439 : vector<16xf32>
    %eq3A = arith.constant 1 : i32
    %eq3A_441 = vector.broadcast %eq3A : i32 to vector<16xi32>
    %eq3A_442 = arith.cmpi eq, %iota3A, %eq3A_441 : vector<16xi32>
    %select_n3A = arith.select %eq3A_442, %add3A_116, %add3A_68 : vector<16xi1>, vector<16xf32>
    %eq3A_443 = arith.constant 2 : i32
    %eq3A_444 = vector.broadcast %eq3A_443 : i32 to vector<16xi32>
    %eq3A_445 = arith.cmpi eq, %iota3A, %eq3A_444 : vector<16xi32>
    %select_n3A_446 = arith.select %eq3A_445, %add3A_164, %select_n3A : vector<16xi1>, vector<16xf32>
    %eq3A_447 = arith.constant 3 : i32
    %eq3A_448 = vector.broadcast %eq3A_447 : i32 to vector<16xi32>
    %eq3A_449 = arith.cmpi eq, %iota3A, %eq3A_448 : vector<16xi32>
    %select_n3A_450 = arith.select %eq3A_449, %add3A_212, %select_n3A_446 : vector<16xi1>, vector<16xf32>
    %eq3A_451 = arith.constant 4 : i32
    %eq3A_452 = vector.broadcast %eq3A_451 : i32 to vector<16xi32>
    %eq3A_453 = arith.cmpi eq, %iota3A, %eq3A_452 : vector<16xi32>
    %select_n3A_454 = arith.select %eq3A_453, %add3A_260, %select_n3A_450 : vector<16xi1>, vector<16xf32>
    %eq3A_455 = arith.constant 5 : i32
    %eq3A_456 = vector.broadcast %eq3A_455 : i32 to vector<16xi32>
    %eq3A_457 = arith.cmpi eq, %iota3A, %eq3A_456 : vector<16xi32>
    %select_n3A_458 = arith.select %eq3A_457, %add3A_308, %select_n3A_454 : vector<16xi1>, vector<16xf32>
    %eq3A_459 = arith.constant 6 : i32
    %eq3A_460 = vector.broadcast %eq3A_459 : i32 to vector<16xi32>
    %eq3A_461 = arith.cmpi eq, %iota3A, %eq3A_460 : vector<16xi32>
    %select_n3A_462 = arith.select %eq3A_461, %add3A_356, %select_n3A_458 : vector<16xi1>, vector<16xf32>
    %eq3A_463 = arith.constant 7 : i32
    %eq3A_464 = vector.broadcast %eq3A_463 : i32 to vector<16xi32>
    %eq3A_465 = arith.cmpi eq, %iota3A, %eq3A_464 : vector<16xi32>
    %select_n3A_466 = arith.select %eq3A_465, %add3A_404, %select_n3A_462 : vector<16xi1>, vector<16xf32>
    %eq3A_467 = arith.constant 8 : i32
    %eq3A_468 = vector.broadcast %eq3A_467 : i32 to vector<16xi32>
    %eq3A_469 = arith.cmpi eq, %iota3A, %eq3A_468 : vector<16xi32>
    %select_n3A_470 = arith.select %eq3A_469, %add3A_80, %select_n3A_466 : vector<16xi1>, vector<16xf32>
    %eq3A_471 = arith.constant 9 : i32
    %eq3A_472 = vector.broadcast %eq3A_471 : i32 to vector<16xi32>
    %eq3A_473 = arith.cmpi eq, %iota3A, %eq3A_472 : vector<16xi32>
    %select_n3A_474 = arith.select %eq3A_473, %add3A_128, %select_n3A_470 : vector<16xi1>, vector<16xf32>
    %eq3A_475 = arith.constant 10 : i32
    %eq3A_476 = vector.broadcast %eq3A_475 : i32 to vector<16xi32>
    %eq3A_477 = arith.cmpi eq, %iota3A, %eq3A_476 : vector<16xi32>
    %select_n3A_478 = arith.select %eq3A_477, %add3A_176, %select_n3A_474 : vector<16xi1>, vector<16xf32>
    %eq3A_479 = arith.constant 11 : i32
    %eq3A_480 = vector.broadcast %eq3A_479 : i32 to vector<16xi32>
    %eq3A_481 = arith.cmpi eq, %iota3A, %eq3A_480 : vector<16xi32>
    %select_n3A_482 = arith.select %eq3A_481, %add3A_224, %select_n3A_478 : vector<16xi1>, vector<16xf32>
    %eq3A_483 = arith.constant 12 : i32
    %eq3A_484 = vector.broadcast %eq3A_483 : i32 to vector<16xi32>
    %eq3A_485 = arith.cmpi eq, %iota3A, %eq3A_484 : vector<16xi32>
    %select_n3A_486 = arith.select %eq3A_485, %add3A_272, %select_n3A_482 : vector<16xi1>, vector<16xf32>
    %eq3A_487 = arith.constant 13 : i32
    %eq3A_488 = vector.broadcast %eq3A_487 : i32 to vector<16xi32>
    %eq3A_489 = arith.cmpi eq, %iota3A, %eq3A_488 : vector<16xi32>
    %select_n3A_490 = arith.select %eq3A_489, %add3A_320, %select_n3A_486 : vector<16xi1>, vector<16xf32>
    %eq3A_491 = arith.constant 14 : i32
    %eq3A_492 = vector.broadcast %eq3A_491 : i32 to vector<16xi32>
    %eq3A_493 = arith.cmpi eq, %iota3A, %eq3A_492 : vector<16xi32>
    %select_n3A_494 = arith.select %eq3A_493, %add3A_368, %select_n3A_490 : vector<16xi1>, vector<16xf32>
    %eq3A_495 = arith.constant 15 : i32
    %eq3A_496 = vector.broadcast %eq3A_495 : i32 to vector<16xi32>
    %eq3A_497 = arith.cmpi eq, %iota3A, %eq3A_496 : vector<16xi32>
    %select_n3A_498 = arith.select %eq3A_497, %add3A_416, %select_n3A_494 : vector<16xi1>, vector<16xf32>
    %mul3A_499 = arith.constant 1.42857146 : f32
    %mul3A_500 = vector.broadcast %mul3A_499 : f32 to vector<16xf32>
    %mul3A_501 = arith.mulf %select_n3A_498, %mul3A_500 : vector<16xf32>
    %swap3A = arith.constant 0 : index
    %swap3A_502 = tpu.vector_load %arg7[%swap3A] {strides = array<i32>} : memref<64xf32, #tpu.memory_space<vmem>>, vector<16xf32>,
    %swap3A_503 = vector.shape_cast %swap3A_502 : vector<16xf32> to vector<16xf32>
    %swap3A_504 = vector.shape_cast %mul3A_501 : vector<16xf32> to vector<16xf32>
    tpu.vector_store %arg7[%swap3A], %swap3A_504 {strides = array<i32>} : memref<64xf32, #tpu.memory_space<vmem>>, vector<16xf32>,
    %eq3A_505 = arith.constant 1 : i32
    %eq3A_506 = vector.broadcast %eq3A_505 : i32 to vector<16xi32>
    %eq3A_507 = arith.cmpi eq, %iota3A, %eq3A_506 : vector<16xi32>
    %select_n3A_508 = arith.select %eq3A_507, %add3A_140, %add3A_92 : vector<16xi1>, vector<16xf32>
    %eq3A_509 = arith.constant 2 : i32
    %eq3A_510 = vector.broadcast %eq3A_509 : i32 to vector<16xi32>
    %eq3A_511 = arith.cmpi eq, %iota3A, %eq3A_510 : vector<16xi32>
    %select_n3A_512 = arith.select %eq3A_511, %add3A_188, %select_n3A_508 : vector<16xi1>, vector<16xf32>
    %eq3A_513 = arith.constant 3 : i32
    %eq3A_514 = vector.broadcast %eq3A_513 : i32 to vector<16xi32>
    %eq3A_515 = arith.cmpi eq, %iota3A, %eq3A_514 : vector<16xi32>
    %select_n3A_516 = arith.select %eq3A_515, %add3A_236, %select_n3A_512 : vector<16xi1>, vector<16xf32>
    %eq3A_517 = arith.constant 4 : i32
    %eq3A_518 = vector.broadcast %eq3A_517 : i32 to vector<16xi32>
    %eq3A_519 = arith.cmpi eq, %iota3A, %eq3A_518 : vector<16xi32>
    %select_n3A_520 = arith.select %eq3A_519, %add3A_284, %select_n3A_516 : vector<16xi1>, vector<16xf32>
    %eq3A_521 = arith.constant 5 : i32
    %eq3A_522 = vector.broadcast %eq3A_521 : i32 to vector<16xi32>
    %eq3A_523 = arith.cmpi eq, %iota3A, %eq3A_522 : vector<16xi32>
    %select_n3A_524 = arith.select %eq3A_523, %add3A_332, %select_n3A_520 : vector<16xi1>, vector<16xf32>
    %eq3A_525 = arith.constant 6 : i32
    %eq3A_526 = vector.broadcast %eq3A_525 : i32 to vector<16xi32>
    %eq3A_527 = arith.cmpi eq, %iota3A, %eq3A_526 : vector<16xi32>
    %select_n3A_528 = arith.select %eq3A_527, %add3A_380, %select_n3A_524 : vector<16xi1>, vector<16xf32>
    %eq3A_529 = arith.constant 7 : i32
    %eq3A_530 = vector.broadcast %eq3A_529 : i32 to vector<16xi32>
    %eq3A_531 = arith.cmpi eq, %iota3A, %eq3A_530 : vector<16xi32>
    %select_n3A_532 = arith.select %eq3A_531, %add3A_428, %select_n3A_528 : vector<16xi1>, vector<16xf32>
    %eq3A_533 = arith.constant 8 : i32
    %eq3A_534 = vector.broadcast %eq3A_533 : i32 to vector<16xi32>
    %eq3A_535 = arith.cmpi eq, %iota3A, %eq3A_534 : vector<16xi32>
    %select_n3A_536 = arith.select %eq3A_535, %add3A_104, %select_n3A_532 : vector<16xi1>, vector<16xf32>
    %eq3A_537 = arith.constant 9 : i32
    %eq3A_538 = vector.broadcast %eq3A_537 : i32 to vector<16xi32>
    %eq3A_539 = arith.cmpi eq, %iota3A, %eq3A_538 : vector<16xi32>
    %select_n3A_540 = arith.select %eq3A_539, %add3A_152, %select_n3A_536 : vector<16xi1>, vector<16xf32>
    %eq3A_541 = arith.constant 10 : i32
    %eq3A_542 = vector.broadcast %eq3A_541 : i32 to vector<16xi32>
    %eq3A_543 = arith.cmpi eq, %iota3A, %eq3A_542 : vector<16xi32>
    %select_n3A_544 = arith.select %eq3A_543, %add3A_200, %select_n3A_540 : vector<16xi1>, vector<16xf32>
    %eq3A_545 = arith.constant 11 : i32
    %eq3A_546 = vector.broadcast %eq3A_545 : i32 to vector<16xi32>
    %eq3A_547 = arith.cmpi eq, %iota3A, %eq3A_546 : vector<16xi32>
    %select_n3A_548 = arith.select %eq3A_547, %add3A_248, %select_n3A_544 : vector<16xi1>, vector<16xf32>
    %eq3A_549 = arith.constant 12 : i32
    %eq3A_550 = vector.broadcast %eq3A_549 : i32 to vector<16xi32>
    %eq3A_551 = arith.cmpi eq, %iota3A, %eq3A_550 : vector<16xi32>
    %select_n3A_552 = arith.select %eq3A_551, %add3A_296, %select_n3A_548 : vector<16xi1>, vector<16xf32>
    %eq3A_553 = arith.constant 13 : i32
    %eq3A_554 = vector.broadcast %eq3A_553 : i32 to vector<16xi32>
    %eq3A_555 = arith.cmpi eq, %iota3A, %eq3A_554 : vector<16xi32>
    %select_n3A_556 = arith.select %eq3A_555, %add3A_344, %select_n3A_552 : vector<16xi1>, vector<16xf32>
    %eq3A_557 = arith.constant 14 : i32
    %eq3A_558 = vector.broadcast %eq3A_557 : i32 to vector<16xi32>
    %eq3A_559 = arith.cmpi eq, %iota3A, %eq3A_558 : vector<16xi32>
    %select_n3A_560 = arith.select %eq3A_559, %add3A_392, %select_n3A_556 : vector<16xi1>, vector<16xf32>
    %eq3A_561 = arith.constant 15 : i32
    %eq3A_562 = vector.broadcast %eq3A_561 : i32 to vector<16xi32>
    %eq3A_563 = arith.cmpi eq, %iota3A, %eq3A_562 : vector<16xi32>
    %select_n3A_564 = arith.select %eq3A_563, %add3A_440, %select_n3A_560 : vector<16xi1>, vector<16xf32>
    %mul3A_565 = arith.constant 1.42857146 : f32
    %mul3A_566 = vector.broadcast %mul3A_565 : f32 to vector<16xf32>
    %mul3A_567 = arith.mulf %select_n3A_564, %mul3A_566 : vector<16xf32>
    %swap3A_568 = arith.constant 16 : index
    %swap3A_569 = tpu.vector_load %arg7[%swap3A_568] {strides = array<i32>} : memref<64xf32, #tpu.memory_space<vmem>>, vector<16xf32>,
    %swap3A_570 = vector.shape_cast %swap3A_569 : vector<16xf32> to vector<16xf32>
    %swap3A_571 = vector.shape_cast %mul3A_567 : vector<16xf32> to vector<16xf32>
    tpu.vector_store %arg7[%swap3A_568], %swap3A_571 {strides = array<i32>} : memref<64xf32, #tpu.memory_space<vmem>>, vector<16xf32>,
    %broadcast_in_dim3A_572 = arith.constant 0.000000e+00 : f32
    %broadcast_in_dim3A_573 = vector.broadcast %broadcast_in_dim3A_572 : f32 to vector<16xf32>
    %scan3A_574 = arith.constant 0 : i32
    %scan3A_575 = arith.constant 0 : i32
    %scan3A_576 = arith.constant 128 : i32
    %scan3A_577 = arith.addi %scan3A_575, %scan3A_576 : i32
    %scan3A_578 = arith.constant 2 : i32
    %scan3A_579:32 = scf.for %scan3A_1103 = %scan3A_575 to %scan3A_577 step %scan3A_578 iter_args(%scan3A_1104 = %broadcast_in_dim3A_573, %scan3A_1105 = %broadcast_in_dim3A_573, %scan3A_1106 = %broadcast_in_dim3A_573, %scan3A_1107 = %broadcast_in_dim3A_573, %scan3A_1108 = %broadcast_in_dim3A_573, %scan3A_1109 = %broadcast_in_dim3A_573, %scan3A_1110 = %broadcast_in_dim3A_573, %scan3A_1111 = %broadcast_in_dim3A_573, %scan3A_1112 = %broadcast_in_dim3A_573, %scan3A_1113 = %broadcast_in_dim3A_573, %scan3A_1114 = %broadcast_in_dim3A_573, %scan3A_1115 = %broadcast_in_dim3A_573, %scan3A_1116 = %broadcast_in_dim3A_573, %scan3A_1117 = %broadcast_in_dim3A_573, %scan3A_1118 = %broadcast_in_dim3A_573, %scan3A_1119 = %broadcast_in_dim3A_573, %scan3A_1120 = %broadcast_in_dim3A_573, %scan3A_1121 = %broadcast_in_dim3A_573, %scan3A_1122 = %broadcast_in_dim3A_573, %scan3A_1123 = %broadcast_in_dim3A_573, %scan3A_1124 = %broadcast_in_dim3A_573, %scan3A_1125 = %broadcast_in_dim3A_573, %scan3A_1126 = %broadcast_in_dim3A_573, %scan3A_1127 = %broadcast_in_dim3A_573, %scan3A_1128 = %broadcast_in_dim3A_573, %scan3A_1129 = %broadcast_in_dim3A_573, %scan3A_1130 = %broadcast_in_dim3A_573, %scan3A_1131 = %broadcast_in_dim3A_573, %scan3A_1132 = %broadcast_in_dim3A_573, %scan3A_1133 = %broadcast_in_dim3A_573, %scan3A_1134 = %broadcast_in_dim3A_573, %scan3A_1135 = %broadcast_in_dim3A_573) -> (vector<16xf32>, vector<16xf32>, vector<16xf32>, vector<16xf32>, vector<16xf32>, vector<16xf32>, vector<16xf32>, vector<16xf32>, vector<16xf32>, vector<16xf32>, vector<16xf32>, vector<16xf32>, vector<16xf32>, vector<16xf32>, vector<16xf32>, vector<16xf32>, vector<16xf32>, vector<16xf32>, vector<16xf32>, vector<16xf32>, vector<16xf32>, vector<16xf32>, vector<16xf32>, vector<16xf32>, vector<16xf32>, vector<16xf32>, vector<16xf32>, vector<16xf32>, vector<16xf32>, vector<16xf32>, vector<16xf32>, vector<16xf32>)  : i32 {
      %mul3A_1136 = arith.constant 16 : i32
      %mul3A_1137 = arith.muli %scan3A_1103, %mul3A_1136 : i32
      %get3A = arith.constant 4 : i32
      %get3A_1138 = arith.constant 0 : i32
      %get3A_1139 = arith.constant 0 : i32
      %get3A_1140 = tpu.memref_slice %arg6[%scan3A_574, %get3A_1138, %get3A_1139] : memref<3x8x2048xf32, #tpu.memory_space<vmem>> -> memref<1x8x2048xf32, #tpu.memory_space<vmem>>
      %get3A_1141 = tpu.memref_squeeze %get3A_1140 : memref<1x8x2048xf32, #tpu.memory_space<vmem>> -> memref<8x2048xf32, #tpu.memory_space<vmem>>
      %get3A_1142 = arith.index_cast %get3A : i32 to index
      %get3A_1143 = arith.index_cast %mul3A_1137 : i32 to index
      %get3A_1144 = tpu.vector_load %get3A_1141[%get3A_1142, %get3A_1143] {strides = array<i32>} : memref<8x2048xf32, #tpu.memory_space<vmem>>, vector<1x16xf32>,
      %get3A_1145 = vector.shape_cast %get3A_1144 : vector<1x16xf32> to vector<16xf32>
      %mul3A_1146 = arith.constant 16 : i32
      %mul3A_1147 = arith.muli %scan3A_1103, %mul3A_1146 : i32
      %get3A_1148 = arith.constant 5 : i32
      %get3A_1149 = arith.constant 0 : i32
      %get3A_1150 = arith.constant 0 : i32
      %get3A_1151 = tpu.memref_slice %arg6[%scan3A_574, %get3A_1149, %get3A_1150] : memref<3x8x2048xf32, #tpu.memory_space<vmem>> -> memref<1x8x2048xf32, #tpu.memory_space<vmem>>
      %get3A_1152 = tpu.memref_squeeze %get3A_1151 : memref<1x8x2048xf32, #tpu.memory_space<vmem>> -> memref<8x2048xf32, #tpu.memory_space<vmem>>
      %get3A_1153 = arith.index_cast %get3A_1148 : i32 to index
      %get3A_1154 = arith.index_cast %mul3A_1147 : i32 to index
      %get3A_1155 = tpu.vector_load %get3A_1152[%get3A_1153, %get3A_1154] {strides = array<i32>} : memref<8x2048xf32, #tpu.memory_space<vmem>>, vector<1x16xf32>,
      %get3A_1156 = vector.shape_cast %get3A_1155 : vector<1x16xf32> to vector<16xf32>
      %mul3A_1157 = arith.constant 16 : i32
      %mul3A_1158 = arith.muli %scan3A_1103, %mul3A_1157 : i32
      %get3A_1159 = arith.constant 6 : i32
      %get3A_1160 = arith.constant 0 : i32
      %get3A_1161 = arith.constant 0 : i32
      %get3A_1162 = tpu.memref_slice %arg6[%scan3A_574, %get3A_1160, %get3A_1161] : memref<3x8x2048xf32, #tpu.memory_space<vmem>> -> memref<1x8x2048xf32, #tpu.memory_space<vmem>>
      %get3A_1163 = tpu.memref_squeeze %get3A_1162 : memref<1x8x2048xf32, #tpu.memory_space<vmem>> -> memref<8x2048xf32, #tpu.memory_space<vmem>>
      %get3A_1164 = arith.index_cast %get3A_1159 : i32 to index
      %get3A_1165 = arith.index_cast %mul3A_1158 : i32 to index
      %get3A_1166 = tpu.vector_load %get3A_1163[%get3A_1164, %get3A_1165] {strides = array<i32>} : memref<8x2048xf32, #tpu.memory_space<vmem>>, vector<1x16xf32>,
      %get3A_1167 = vector.shape_cast %get3A_1166 : vector<1x16xf32> to vector<16xf32>
      %mul3A_1168 = arith.constant 16 : i32
      %mul3A_1169 = arith.muli %scan3A_1103, %mul3A_1168 : i32
      %get3A_1170 = arith.constant 7 : i32
      %get3A_1171 = arith.constant 0 : i32
      %get3A_1172 = arith.constant 0 : i32
      %get3A_1173 = tpu.memref_slice %arg6[%scan3A_574, %get3A_1171, %get3A_1172] : memref<3x8x2048xf32, #tpu.memory_space<vmem>> -> memref<1x8x2048xf32, #tpu.memory_space<vmem>>
      %get3A_1174 = tpu.memref_squeeze %get3A_1173 : memref<1x8x2048xf32, #tpu.memory_space<vmem>> -> memref<8x2048xf32, #tpu.memory_space<vmem>>
      %get3A_1175 = arith.index_cast %get3A_1170 : i32 to index
      %get3A_1176 = arith.index_cast %mul3A_1169 : i32 to index
      %get3A_1177 = tpu.vector_load %get3A_1174[%get3A_1175, %get3A_1176] {strides = array<i32>} : memref<8x2048xf32, #tpu.memory_space<vmem>>, vector<1x16xf32>,
      %get3A_1178 = vector.shape_cast %get3A_1177 : vector<1x16xf32> to vector<16xf32>
      %mul3A_1179 = arith.constant 16 : i32
      %mul3A_1180 = arith.muli %scan3A_1103, %mul3A_1179 : i32
      %get3A_1181 = arith.constant 0 : i32
      %get3A_1182 = arith.index_cast %get3A_1181 : i32 to index
      %get3A_1183 = arith.index_cast %mul3A_1180 : i32 to index
      %get3A_1184 = tpu.vector_load %arg5[%get3A_1182, %get3A_1183] {strides = array<i32>} : memref<8x2048xf32, #tpu.memory_space<vmem>>, vector<1x16xf32>,
      %get3A_1185 = vector.shape_cast %get3A_1184 : vector<1x16xf32> to vector<16xf32>
      %mul3A_1186 = arith.mulf %get3A_1145, %get3A_1185 : vector<16xf32>
      %add3A_1187 = arith.addf %scan3A_1104, %mul3A_1186 : vector<16xf32>
      %mul3A_1188 = arith.mulf %get3A_1156, %get3A_1185 : vector<16xf32>
      %add3A_1189 = arith.addf %scan3A_1105, %mul3A_1188 : vector<16xf32>
      %mul3A_1190 = arith.mulf %get3A_1167, %get3A_1185 : vector<16xf32>
      %add3A_1191 = arith.addf %scan3A_1106, %mul3A_1190 : vector<16xf32>
      %mul3A_1192 = arith.mulf %get3A_1178, %get3A_1185 : vector<16xf32>
      %add3A_1193 = arith.addf %scan3A_1107, %mul3A_1192 : vector<16xf32>
      %mul3A_1194 = arith.constant 16 : i32
      %mul3A_1195 = arith.muli %scan3A_1103, %mul3A_1194 : i32
      %get3A_1196 = arith.constant 1 : i32
      %get3A_1197 = arith.index_cast %get3A_1196 : i32 to index
      %get3A_1198 = arith.index_cast %mul3A_1195 : i32 to index
      %get3A_1199 = tpu.vector_load %arg5[%get3A_1197, %get3A_1198] {strides = array<i32>} : memref<8x2048xf32, #tpu.memory_space<vmem>>, vector<1x16xf32>,
      %get3A_1200 = vector.shape_cast %get3A_1199 : vector<1x16xf32> to vector<16xf32>
      %mul3A_1201 = arith.mulf %get3A_1145, %get3A_1200 : vector<16xf32>
      %add3A_1202 = arith.addf %scan3A_1108, %mul3A_1201 : vector<16xf32>
      %mul3A_1203 = arith.mulf %get3A_1156, %get3A_1200 : vector<16xf32>
      %add3A_1204 = arith.addf %scan3A_1109, %mul3A_1203 : vector<16xf32>
      %mul3A_1205 = arith.mulf %get3A_1167, %get3A_1200 : vector<16xf32>
      %add3A_1206 = arith.addf %scan3A_1110, %mul3A_1205 : vector<16xf32>
      %mul3A_1207 = arith.mulf %get3A_1178, %get3A_1200 : vector<16xf32>
      %add3A_1208 = arith.addf %scan3A_1111, %mul3A_1207 : vector<16xf32>
      %mul3A_1209 = arith.constant 16 : i32
      %mul3A_1210 = arith.muli %scan3A_1103, %mul3A_1209 : i32
      %get3A_1211 = arith.constant 2 : i32
      %get3A_1212 = arith.index_cast %get3A_1211 : i32 to index
      %get3A_1213 = arith.index_cast %mul3A_1210 : i32 to index
      %get3A_1214 = tpu.vector_load %arg5[%get3A_1212, %get3A_1213] {strides = array<i32>} : memref<8x2048xf32, #tpu.memory_space<vmem>>, vector<1x16xf32>,
      %get3A_1215 = vector.shape_cast %get3A_1214 : vector<1x16xf32> to vector<16xf32>
      %mul3A_1216 = arith.mulf %get3A_1145, %get3A_1215 : vector<16xf32>
      %add3A_1217 = arith.addf %scan3A_1112, %mul3A_1216 : vector<16xf32>
      %mul3A_1218 = arith.mulf %get3A_1156, %get3A_1215 : vector<16xf32>
      %add3A_1219 = arith.addf %scan3A_1113, %mul3A_1218 : vector<16xf32>
      %mul3A_1220 = arith.mulf %get3A_1167, %get3A_1215 : vector<16xf32>
      %add3A_1221 = arith.addf %scan3A_1114, %mul3A_1220 : vector<16xf32>
      %mul3A_1222 = arith.mulf %get3A_1178, %get3A_1215 : vector<16xf32>
      %add3A_1223 = arith.addf %scan3A_1115, %mul3A_1222 : vector<16xf32>
      %mul3A_1224 = arith.constant 16 : i32
      %mul3A_1225 = arith.muli %scan3A_1103, %mul3A_1224 : i32
      %get3A_1226 = arith.constant 3 : i32
      %get3A_1227 = arith.index_cast %get3A_1226 : i32 to index
      %get3A_1228 = arith.index_cast %mul3A_1225 : i32 to index
      %get3A_1229 = tpu.vector_load %arg5[%get3A_1227, %get3A_1228] {strides = array<i32>} : memref<8x2048xf32, #tpu.memory_space<vmem>>, vector<1x16xf32>,
      %get3A_1230 = vector.shape_cast %get3A_1229 : vector<1x16xf32> to vector<16xf32>
      %mul3A_1231 = arith.mulf %get3A_1145, %get3A_1230 : vector<16xf32>
      %add3A_1232 = arith.addf %scan3A_1116, %mul3A_1231 : vector<16xf32>
      %mul3A_1233 = arith.mulf %get3A_1156, %get3A_1230 : vector<16xf32>
      %add3A_1234 = arith.addf %scan3A_1117, %mul3A_1233 : vector<16xf32>
      %mul3A_1235 = arith.mulf %get3A_1167, %get3A_1230 : vector<16xf32>
      %add3A_1236 = arith.addf %scan3A_1118, %mul3A_1235 : vector<16xf32>
      %mul3A_1237 = arith.mulf %get3A_1178, %get3A_1230 : vector<16xf32>
      %add3A_1238 = arith.addf %scan3A_1119, %mul3A_1237 : vector<16xf32>
      %mul3A_1239 = arith.constant 16 : i32
      %mul3A_1240 = arith.muli %scan3A_1103, %mul3A_1239 : i32
      %get3A_1241 = arith.constant 4 : i32
      %get3A_1242 = arith.index_cast %get3A_1241 : i32 to index
      %get3A_1243 = arith.index_cast %mul3A_1240 : i32 to index
      %get3A_1244 = tpu.vector_load %arg5[%get3A_1242, %get3A_1243] {strides = array<i32>} : memref<8x2048xf32, #tpu.memory_space<vmem>>, vector<1x16xf32>,
      %get3A_1245 = vector.shape_cast %get3A_1244 : vector<1x16xf32> to vector<16xf32>
      %mul3A_1246 = arith.mulf %get3A_1145, %get3A_1245 : vector<16xf32>
      %add3A_1247 = arith.addf %scan3A_1120, %mul3A_1246 : vector<16xf32>
      %mul3A_1248 = arith.mulf %get3A_1156, %get3A_1245 : vector<16xf32>
      %add3A_1249 = arith.addf %scan3A_1121, %mul3A_1248 : vector<16xf32>
      %mul3A_1250 = arith.mulf %get3A_1167, %get3A_1245 : vector<16xf32>
      %add3A_1251 = arith.addf %scan3A_1122, %mul3A_1250 : vector<16xf32>
      %mul3A_1252 = arith.mulf %get3A_1178, %get3A_1245 : vector<16xf32>
      %add3A_1253 = arith.addf %scan3A_1123, %mul3A_1252 : vector<16xf32>
      %mul3A_1254 = arith.constant 16 : i32
      %mul3A_1255 = arith.muli %scan3A_1103, %mul3A_1254 : i32
      %get3A_1256 = arith.constant 5 : i32
      %get3A_1257 = arith.index_cast %get3A_1256 : i32 to index
      %get3A_1258 = arith.index_cast %mul3A_1255 : i32 to index
      %get3A_1259 = tpu.vector_load %arg5[%get3A_1257, %get3A_1258] {strides = array<i32>} : memref<8x2048xf32, #tpu.memory_space<vmem>>, vector<1x16xf32>,
      %get3A_1260 = vector.shape_cast %get3A_1259 : vector<1x16xf32> to vector<16xf32>
      %mul3A_1261 = arith.mulf %get3A_1145, %get3A_1260 : vector<16xf32>
      %add3A_1262 = arith.addf %scan3A_1124, %mul3A_1261 : vector<16xf32>
      %mul3A_1263 = arith.mulf %get3A_1156, %get3A_1260 : vector<16xf32>
      %add3A_1264 = arith.addf %scan3A_1125, %mul3A_1263 : vector<16xf32>
      %mul3A_1265 = arith.mulf %get3A_1167, %get3A_1260 : vector<16xf32>
      %add3A_1266 = arith.addf %scan3A_1126, %mul3A_1265 : vector<16xf32>
      %mul3A_1267 = arith.mulf %get3A_1178, %get3A_1260 : vector<16xf32>
      %add3A_1268 = arith.addf %scan3A_1127, %mul3A_1267 : vector<16xf32>
      %mul3A_1269 = arith.constant 16 : i32
      %mul3A_1270 = arith.muli %scan3A_1103, %mul3A_1269 : i32
      %get3A_1271 = arith.constant 6 : i32
      %get3A_1272 = arith.index_cast %get3A_1271 : i32 to index
      %get3A_1273 = arith.index_cast %mul3A_1270 : i32 to index
      %get3A_1274 = tpu.vector_load %arg5[%get3A_1272, %get3A_1273] {strides = array<i32>} : memref<8x2048xf32, #tpu.memory_space<vmem>>, vector<1x16xf32>,
      %get3A_1275 = vector.shape_cast %get3A_1274 : vector<1x16xf32> to vector<16xf32>
      %mul3A_1276 = arith.mulf %get3A_1145, %get3A_1275 : vector<16xf32>
      %add3A_1277 = arith.addf %scan3A_1128, %mul3A_1276 : vector<16xf32>
      %mul3A_1278 = arith.mulf %get3A_1156, %get3A_1275 : vector<16xf32>
      %add3A_1279 = arith.addf %scan3A_1129, %mul3A_1278 : vector<16xf32>
      %mul3A_1280 = arith.mulf %get3A_1167, %get3A_1275 : vector<16xf32>
      %add3A_1281 = arith.addf %scan3A_1130, %mul3A_1280 : vector<16xf32>
      %mul3A_1282 = arith.mulf %get3A_1178, %get3A_1275 : vector<16xf32>
      %add3A_1283 = arith.addf %scan3A_1131, %mul3A_1282 : vector<16xf32>
      %mul3A_1284 = arith.constant 16 : i32
      %mul3A_1285 = arith.muli %scan3A_1103, %mul3A_1284 : i32
      %get3A_1286 = arith.constant 7 : i32
      %get3A_1287 = arith.index_cast %get3A_1286 : i32 to index
      %get3A_1288 = arith.index_cast %mul3A_1285 : i32 to index
      %get3A_1289 = tpu.vector_load %arg5[%get3A_1287, %get3A_1288] {strides = array<i32>} : memref<8x2048xf32, #tpu.memory_space<vmem>>, vector<1x16xf32>,
      %get3A_1290 = vector.shape_cast %get3A_1289 : vector<1x16xf32> to vector<16xf32>
      %mul3A_1291 = arith.mulf %get3A_1145, %get3A_1290 : vector<16xf32>
      %add3A_1292 = arith.addf %scan3A_1132, %mul3A_1291 : vector<16xf32>
      %mul3A_1293 = arith.mulf %get3A_1156, %get3A_1290 : vector<16xf32>
      %add3A_1294 = arith.addf %scan3A_1133, %mul3A_1293 : vector<16xf32>
      %mul3A_1295 = arith.mulf %get3A_1167, %get3A_1290 : vector<16xf32>
      %add3A_1296 = arith.addf %scan3A_1134, %mul3A_1295 : vector<16xf32>
      %mul3A_1297 = arith.mulf %get3A_1178, %get3A_1290 : vector<16xf32>
      %add3A_1298 = arith.addf %scan3A_1135, %mul3A_1297 : vector<16xf32>
      %scan3A_1299 = arith.constant 1 : i32
      %scan3A_1300 = arith.addi %scan3A_1103, %scan3A_1299 : i32
      %mul3A_1301 = arith.constant 16 : i32
      %mul3A_1302 = arith.muli %scan3A_1300, %mul3A_1301 : i32
      %get3A_1303 = arith.constant 4 : i32
      %get3A_1304 = arith.constant 0 : i32
      %get3A_1305 = arith.constant 0 : i32
      %get3A_1306 = tpu.memref_slice %arg6[%scan3A_574, %get3A_1304, %get3A_1305] : memref<3x8x2048xf32, #tpu.memory_space<vmem>> -> memref<1x8x2048xf32, #tpu.memory_space<vmem>>
      %get3A_1307 = tpu.memref_squeeze %get3A_1306 : memref<1x8x2048xf32, #tpu.memory_space<vmem>> -> memref<8x2048xf32, #tpu.memory_space<vmem>>
      %get3A_1308 = arith.index_cast %get3A_1303 : i32 to index
      %get3A_1309 = arith.index_cast %mul3A_1302 : i32 to index
      %get3A_1310 = tpu.vector_load %get3A_1307[%get3A_1308, %get3A_1309] {strides = array<i32>} : memref<8x2048xf32, #tpu.memory_space<vmem>>, vector<1x16xf32>,
      %get3A_1311 = vector.shape_cast %get3A_1310 : vector<1x16xf32> to vector<16xf32>
      %mul3A_1312 = arith.constant 16 : i32
      %mul3A_1313 = arith.muli %scan3A_1300, %mul3A_1312 : i32
      %get3A_1314 = arith.constant 5 : i32
      %get3A_1315 = arith.constant 0 : i32
      %get3A_1316 = arith.constant 0 : i32
      %get3A_1317 = tpu.memref_slice %arg6[%scan3A_574, %get3A_1315, %get3A_1316] : memref<3x8x2048xf32, #tpu.memory_space<vmem>> -> memref<1x8x2048xf32, #tpu.memory_space<vmem>>
      %get3A_1318 = tpu.memref_squeeze %get3A_1317 : memref<1x8x2048xf32, #tpu.memory_space<vmem>> -> memref<8x2048xf32, #tpu.memory_space<vmem>>
      %get3A_1319 = arith.index_cast %get3A_1314 : i32 to index
      %get3A_1320 = arith.index_cast %mul3A_1313 : i32 to index
      %get3A_1321 = tpu.vector_load %get3A_1318[%get3A_1319, %get3A_1320] {strides = array<i32>} : memref<8x2048xf32, #tpu.memory_space<vmem>>, vector<1x16xf32>,
      %get3A_1322 = vector.shape_cast %get3A_1321 : vector<1x16xf32> to vector<16xf32>
      %mul3A_1323 = arith.constant 16 : i32
      %mul3A_1324 = arith.muli %scan3A_1300, %mul3A_1323 : i32
      %get3A_1325 = arith.constant 6 : i32
      %get3A_1326 = arith.constant 0 : i32
      %get3A_1327 = arith.constant 0 : i32
      %get3A_1328 = tpu.memref_slice %arg6[%scan3A_574, %get3A_1326, %get3A_1327] : memref<3x8x2048xf32, #tpu.memory_space<vmem>> -> memref<1x8x2048xf32, #tpu.memory_space<vmem>>
      %get3A_1329 = tpu.memref_squeeze %get3A_1328 : memref<1x8x2048xf32, #tpu.memory_space<vmem>> -> memref<8x2048xf32, #tpu.memory_space<vmem>>
      %get3A_1330 = arith.index_cast %get3A_1325 : i32 to index
      %get3A_1331 = arith.index_cast %mul3A_1324 : i32 to index
      %get3A_1332 = tpu.vector_load %get3A_1329[%get3A_1330, %get3A_1331] {strides = array<i32>} : memref<8x2048xf32, #tpu.memory_space<vmem>>, vector<1x16xf32>,
      %get3A_1333 = vector.shape_cast %get3A_1332 : vector<1x16xf32> to vector<16xf32>
      %mul3A_1334 = arith.constant 16 : i32
      %mul3A_1335 = arith.muli %scan3A_1300, %mul3A_1334 : i32
      %get3A_1336 = arith.constant 7 : i32
      %get3A_1337 = arith.constant 0 : i32
      %get3A_1338 = arith.constant 0 : i32
      %get3A_1339 = tpu.memref_slice %arg6[%scan3A_574, %get3A_1337, %get3A_1338] : memref<3x8x2048xf32, #tpu.memory_space<vmem>> -> memref<1x8x2048xf32, #tpu.memory_space<vmem>>
      %get3A_1340 = tpu.memref_squeeze %get3A_1339 : memref<1x8x2048xf32, #tpu.memory_space<vmem>> -> memref<8x2048xf32, #tpu.memory_space<vmem>>
      %get3A_1341 = arith.index_cast %get3A_1336 : i32 to index
      %get3A_1342 = arith.index_cast %mul3A_1335 : i32 to index
      %get3A_1343 = tpu.vector_load %get3A_1340[%get3A_1341, %get3A_1342] {strides = array<i32>} : memref<8x2048xf32, #tpu.memory_space<vmem>>, vector<1x16xf32>,
      %get3A_1344 = vector.shape_cast %get3A_1343 : vector<1x16xf32> to vector<16xf32>
      %mul3A_1345 = arith.constant 16 : i32
      %mul3A_1346 = arith.muli %scan3A_1300, %mul3A_1345 : i32
      %get3A_1347 = arith.constant 0 : i32
      %get3A_1348 = arith.index_cast %get3A_1347 : i32 to index
      %get3A_1349 = arith.index_cast %mul3A_1346 : i32 to index
      %get3A_1350 = tpu.vector_load %arg5[%get3A_1348, %get3A_1349] {strides = array<i32>} : memref<8x2048xf32, #tpu.memory_space<vmem>>, vector<1x16xf32>,
      %get3A_1351 = vector.shape_cast %get3A_1350 : vector<1x16xf32> to vector<16xf32>
      %mul3A_1352 = arith.mulf %get3A_1311, %get3A_1351 : vector<16xf32>
      %add3A_1353 = arith.addf %add3A_1187, %mul3A_1352 : vector<16xf32>
      %mul3A_1354 = arith.mulf %get3A_1322, %get3A_1351 : vector<16xf32>
      %add3A_1355 = arith.addf %add3A_1189, %mul3A_1354 : vector<16xf32>
      %mul3A_1356 = arith.mulf %get3A_1333, %get3A_1351 : vector<16xf32>
      %add3A_1357 = arith.addf %add3A_1191, %mul3A_1356 : vector<16xf32>
      %mul3A_1358 = arith.mulf %get3A_1344, %get3A_1351 : vector<16xf32>
      %add3A_1359 = arith.addf %add3A_1193, %mul3A_1358 : vector<16xf32>
      %mul3A_1360 = arith.constant 16 : i32
      %mul3A_1361 = arith.muli %scan3A_1300, %mul3A_1360 : i32
      %get3A_1362 = arith.constant 1 : i32
      %get3A_1363 = arith.index_cast %get3A_1362 : i32 to index
      %get3A_1364 = arith.index_cast %mul3A_1361 : i32 to index
      %get3A_1365 = tpu.vector_load %arg5[%get3A_1363, %get3A_1364] {strides = array<i32>} : memref<8x2048xf32, #tpu.memory_space<vmem>>, vector<1x16xf32>,
      %get3A_1366 = vector.shape_cast %get3A_1365 : vector<1x16xf32> to vector<16xf32>
      %mul3A_1367 = arith.mulf %get3A_1311, %get3A_1366 : vector<16xf32>
      %add3A_1368 = arith.addf %add3A_1202, %mul3A_1367 : vector<16xf32>
      %mul3A_1369 = arith.mulf %get3A_1322, %get3A_1366 : vector<16xf32>
      %add3A_1370 = arith.addf %add3A_1204, %mul3A_1369 : vector<16xf32>
      %mul3A_1371 = arith.mulf %get3A_1333, %get3A_1366 : vector<16xf32>
      %add3A_1372 = arith.addf %add3A_1206, %mul3A_1371 : vector<16xf32>
      %mul3A_1373 = arith.mulf %get3A_1344, %get3A_1366 : vector<16xf32>
      %add3A_1374 = arith.addf %add3A_1208, %mul3A_1373 : vector<16xf32>
      %mul3A_1375 = arith.constant 16 : i32
      %mul3A_1376 = arith.muli %scan3A_1300, %mul3A_1375 : i32
      %get3A_1377 = arith.constant 2 : i32
      %get3A_1378 = arith.index_cast %get3A_1377 : i32 to index
      %get3A_1379 = arith.index_cast %mul3A_1376 : i32 to index
      %get3A_1380 = tpu.vector_load %arg5[%get3A_1378, %get3A_1379] {strides = array<i32>} : memref<8x2048xf32, #tpu.memory_space<vmem>>, vector<1x16xf32>,
      %get3A_1381 = vector.shape_cast %get3A_1380 : vector<1x16xf32> to vector<16xf32>
      %mul3A_1382 = arith.mulf %get3A_1311, %get3A_1381 : vector<16xf32>
      %add3A_1383 = arith.addf %add3A_1217, %mul3A_1382 : vector<16xf32>
      %mul3A_1384 = arith.mulf %get3A_1322, %get3A_1381 : vector<16xf32>
      %add3A_1385 = arith.addf %add3A_1219, %mul3A_1384 : vector<16xf32>
      %mul3A_1386 = arith.mulf %get3A_1333, %get3A_1381 : vector<16xf32>
      %add3A_1387 = arith.addf %add3A_1221, %mul3A_1386 : vector<16xf32>
      %mul3A_1388 = arith.mulf %get3A_1344, %get3A_1381 : vector<16xf32>
      %add3A_1389 = arith.addf %add3A_1223, %mul3A_1388 : vector<16xf32>
      %mul3A_1390 = arith.constant 16 : i32
      %mul3A_1391 = arith.muli %scan3A_1300, %mul3A_1390 : i32
      %get3A_1392 = arith.constant 3 : i32
      %get3A_1393 = arith.index_cast %get3A_1392 : i32 to index
      %get3A_1394 = arith.index_cast %mul3A_1391 : i32 to index
      %get3A_1395 = tpu.vector_load %arg5[%get3A_1393, %get3A_1394] {strides = array<i32>} : memref<8x2048xf32, #tpu.memory_space<vmem>>, vector<1x16xf32>,
      %get3A_1396 = vector.shape_cast %get3A_1395 : vector<1x16xf32> to vector<16xf32>
      %mul3A_1397 = arith.mulf %get3A_1311, %get3A_1396 : vector<16xf32>
      %add3A_1398 = arith.addf %add3A_1232, %mul3A_1397 : vector<16xf32>
      %mul3A_1399 = arith.mulf %get3A_1322, %get3A_1396 : vector<16xf32>
      %add3A_1400 = arith.addf %add3A_1234, %mul3A_1399 : vector<16xf32>
      %mul3A_1401 = arith.mulf %get3A_1333, %get3A_1396 : vector<16xf32>
      %add3A_1402 = arith.addf %add3A_1236, %mul3A_1401 : vector<16xf32>
      %mul3A_1403 = arith.mulf %get3A_1344, %get3A_1396 : vector<16xf32>
      %add3A_1404 = arith.addf %add3A_1238, %mul3A_1403 : vector<16xf32>
      %mul3A_1405 = arith.constant 16 : i32
      %mul3A_1406 = arith.muli %scan3A_1300, %mul3A_1405 : i32
      %get3A_1407 = arith.constant 4 : i32
      %get3A_1408 = arith.index_cast %get3A_1407 : i32 to index
      %get3A_1409 = arith.index_cast %mul3A_1406 : i32 to index
      %get3A_1410 = tpu.vector_load %arg5[%get3A_1408, %get3A_1409] {strides = array<i32>} : memref<8x2048xf32, #tpu.memory_space<vmem>>, vector<1x16xf32>,
      %get3A_1411 = vector.shape_cast %get3A_1410 : vector<1x16xf32> to vector<16xf32>
      %mul3A_1412 = arith.mulf %get3A_1311, %get3A_1411 : vector<16xf32>
      %add3A_1413 = arith.addf %add3A_1247, %mul3A_1412 : vector<16xf32>
      %mul3A_1414 = arith.mulf %get3A_1322, %get3A_1411 : vector<16xf32>
      %add3A_1415 = arith.addf %add3A_1249, %mul3A_1414 : vector<16xf32>
      %mul3A_1416 = arith.mulf %get3A_1333, %get3A_1411 : vector<16xf32>
      %add3A_1417 = arith.addf %add3A_1251, %mul3A_1416 : vector<16xf32>
      %mul3A_1418 = arith.mulf %get3A_1344, %get3A_1411 : vector<16xf32>
      %add3A_1419 = arith.addf %add3A_1253, %mul3A_1418 : vector<16xf32>
      %mul3A_1420 = arith.constant 16 : i32
      %mul3A_1421 = arith.muli %scan3A_1300, %mul3A_1420 : i32
      %get3A_1422 = arith.constant 5 : i32
      %get3A_1423 = arith.index_cast %get3A_1422 : i32 to index
      %get3A_1424 = arith.index_cast %mul3A_1421 : i32 to index
      %get3A_1425 = tpu.vector_load %arg5[%get3A_1423, %get3A_1424] {strides = array<i32>} : memref<8x2048xf32, #tpu.memory_space<vmem>>, vector<1x16xf32>,
      %get3A_1426 = vector.shape_cast %get3A_1425 : vector<1x16xf32> to vector<16xf32>
      %mul3A_1427 = arith.mulf %get3A_1311, %get3A_1426 : vector<16xf32>
      %add3A_1428 = arith.addf %add3A_1262, %mul3A_1427 : vector<16xf32>
      %mul3A_1429 = arith.mulf %get3A_1322, %get3A_1426 : vector<16xf32>
      %add3A_1430 = arith.addf %add3A_1264, %mul3A_1429 : vector<16xf32>
      %mul3A_1431 = arith.mulf %get3A_1333, %get3A_1426 : vector<16xf32>
      %add3A_1432 = arith.addf %add3A_1266, %mul3A_1431 : vector<16xf32>
      %mul3A_1433 = arith.mulf %get3A_1344, %get3A_1426 : vector<16xf32>
      %add3A_1434 = arith.addf %add3A_1268, %mul3A_1433 : vector<16xf32>
      %mul3A_1435 = arith.constant 16 : i32
      %mul3A_1436 = arith.muli %scan3A_1300, %mul3A_1435 : i32
      %get3A_1437 = arith.constant 6 : i32
      %get3A_1438 = arith.index_cast %get3A_1437 : i32 to index
      %get3A_1439 = arith.index_cast %mul3A_1436 : i32 to index
      %get3A_1440 = tpu.vector_load %arg5[%get3A_1438, %get3A_1439] {strides = array<i32>} : memref<8x2048xf32, #tpu.memory_space<vmem>>, vector<1x16xf32>,
      %get3A_1441 = vector.shape_cast %get3A_1440 : vector<1x16xf32> to vector<16xf32>
      %mul3A_1442 = arith.mulf %get3A_1311, %get3A_1441 : vector<16xf32>
      %add3A_1443 = arith.addf %add3A_1277, %mul3A_1442 : vector<16xf32>
      %mul3A_1444 = arith.mulf %get3A_1322, %get3A_1441 : vector<16xf32>
      %add3A_1445 = arith.addf %add3A_1279, %mul3A_1444 : vector<16xf32>
      %mul3A_1446 = arith.mulf %get3A_1333, %get3A_1441 : vector<16xf32>
      %add3A_1447 = arith.addf %add3A_1281, %mul3A_1446 : vector<16xf32>
      %mul3A_1448 = arith.mulf %get3A_1344, %get3A_1441 : vector<16xf32>
      %add3A_1449 = arith.addf %add3A_1283, %mul3A_1448 : vector<16xf32>
      %mul3A_1450 = arith.constant 16 : i32
      %mul3A_1451 = arith.muli %scan3A_1300, %mul3A_1450 : i32
      %get3A_1452 = arith.constant 7 : i32
      %get3A_1453 = arith.index_cast %get3A_1452 : i32 to index
      %get3A_1454 = arith.index_cast %mul3A_1451 : i32 to index
      %get3A_1455 = tpu.vector_load %arg5[%get3A_1453, %get3A_1454] {strides = array<i32>} : memref<8x2048xf32, #tpu.memory_space<vmem>>, vector<1x16xf32>,
      %get3A_1456 = vector.shape_cast %get3A_1455 : vector<1x16xf32> to vector<16xf32>
      %mul3A_1457 = arith.mulf %get3A_1311, %get3A_1456 : vector<16xf32>
      %add3A_1458 = arith.addf %add3A_1292, %mul3A_1457 : vector<16xf32>
      %mul3A_1459 = arith.mulf %get3A_1322, %get3A_1456 : vector<16xf32>
      %add3A_1460 = arith.addf %add3A_1294, %mul3A_1459 : vector<16xf32>
      %mul3A_1461 = arith.mulf %get3A_1333, %get3A_1456 : vector<16xf32>
      %add3A_1462 = arith.addf %add3A_1296, %mul3A_1461 : vector<16xf32>
      %mul3A_1463 = arith.mulf %get3A_1344, %get3A_1456 : vector<16xf32>
      %add3A_1464 = arith.addf %add3A_1298, %mul3A_1463 : vector<16xf32>
      scf.yield %add3A_1353, %add3A_1355, %add3A_1357, %add3A_1359, %add3A_1368, %add3A_1370, %add3A_1372, %add3A_1374, %add3A_1383, %add3A_1385, %add3A_1387, %add3A_1389, %add3A_1398, %add3A_1400, %add3A_1402, %add3A_1404, %add3A_1413, %add3A_1415, %add3A_1417, %add3A_1419, %add3A_1428, %add3A_1430, %add3A_1432, %add3A_1434, %add3A_1443, %add3A_1445, %add3A_1447, %add3A_1449, %add3A_1458, %add3A_1460, %add3A_1462, %add3A_1464 : vector<16xf32>, vector<16xf32>, vector<16xf32>, vector<16xf32>, vector<16xf32>, vector<16xf32>, vector<16xf32>, vector<16xf32>, vector<16xf32>, vector<16xf32>, vector<16xf32>, vector<16xf32>, vector<16xf32>, vector<16xf32>, vector<16xf32>, vector<16xf32>, vector<16xf32>, vector<16xf32>, vector<16xf32>, vector<16xf32>, vector<16xf32>, vector<16xf32>, vector<16xf32>, vector<16xf32>, vector<16xf32>, vector<16xf32>, vector<16xf32>, vector<16xf32>, vector<16xf32>, vector<16xf32>, vector<16xf32>, vector<16xf32>
    }
    %scan3A_580 = arith.constant 128 : i32
    %gather3A_581 = vector.shape_cast %reshape3A : vector<16x1xi32> to vector<16xi32>
    %gather3A_582 = tpu.dynamic_gather %scan3A_579#0[%gather3A_581] in [0] : vector<16xf32>, vector<16xi32> -> vector<16xf32>
    %add3A_583 = arith.addf %scan3A_579#0, %gather3A_582 : vector<16xf32>
    %gather3A_584 = vector.shape_cast %reshape3A_10 : vector<16x1xi32> to vector<16xi32>
    %gather3A_585 = tpu.dynamic_gather %add3A_583[%gather3A_584] in [0] : vector<16xf32>, vector<16xi32> -> vector<16xf32>
    %add3A_586 = arith.addf %add3A_583, %gather3A_585 : vector<16xf32>
    %gather3A_587 = vector.shape_cast %reshape3A_14 : vector<16x1xi32> to vector<16xi32>
    %gather3A_588 = tpu.dynamic_gather %add3A_586[%gather3A_587] in [0] : vector<16xf32>, vector<16xi32> -> vector<16xf32>
    %add3A_589 = arith.addf %add3A_586, %gather3A_588 : vector<16xf32>
    %gather3A_590 = vector.shape_cast %reshape3A_18 : vector<16x1xi32> to vector<16xi32>
    %gather3A_591 = tpu.dynamic_gather %add3A_589[%gather3A_590] in [0] : vector<16xf32>, vector<16xi32> -> vector<16xf32>
    %add3A_592 = arith.addf %add3A_589, %gather3A_591 : vector<16xf32>
    %gather3A_593 = vector.shape_cast %reshape3A : vector<16x1xi32> to vector<16xi32>
    %gather3A_594 = tpu.dynamic_gather %scan3A_579#1[%gather3A_593] in [0] : vector<16xf32>, vector<16xi32> -> vector<16xf32>
    %add3A_595 = arith.addf %scan3A_579#1, %gather3A_594 : vector<16xf32>
    %gather3A_596 = vector.shape_cast %reshape3A_10 : vector<16x1xi32> to vector<16xi32>
    %gather3A_597 = tpu.dynamic_gather %add3A_595[%gather3A_596] in [0] : vector<16xf32>, vector<16xi32> -> vector<16xf32>
    %add3A_598 = arith.addf %add3A_595, %gather3A_597 : vector<16xf32>
    %gather3A_599 = vector.shape_cast %reshape3A_14 : vector<16x1xi32> to vector<16xi32>
    %gather3A_600 = tpu.dynamic_gather %add3A_598[%gather3A_599] in [0] : vector<16xf32>, vector<16xi32> -> vector<16xf32>
    %add3A_601 = arith.addf %add3A_598, %gather3A_600 : vector<16xf32>
    %gather3A_602 = vector.shape_cast %reshape3A_18 : vector<16x1xi32> to vector<16xi32>
    %gather3A_603 = tpu.dynamic_gather %add3A_601[%gather3A_602] in [0] : vector<16xf32>, vector<16xi32> -> vector<16xf32>
    %add3A_604 = arith.addf %add3A_601, %gather3A_603 : vector<16xf32>
    %gather3A_605 = vector.shape_cast %reshape3A : vector<16x1xi32> to vector<16xi32>
    %gather3A_606 = tpu.dynamic_gather %scan3A_579#2[%gather3A_605] in [0] : vector<16xf32>, vector<16xi32> -> vector<16xf32>
    %add3A_607 = arith.addf %scan3A_579#2, %gather3A_606 : vector<16xf32>
    %gather3A_608 = vector.shape_cast %reshape3A_10 : vector<16x1xi32> to vector<16xi32>
    %gather3A_609 = tpu.dynamic_gather %add3A_607[%gather3A_608] in [0] : vector<16xf32>, vector<16xi32> -> vector<16xf32>
    %add3A_610 = arith.addf %add3A_607, %gather3A_609 : vector<16xf32>
    %gather3A_611 = vector.shape_cast %reshape3A_14 : vector<16x1xi32> to vector<16xi32>
    %gather3A_612 = tpu.dynamic_gather %add3A_610[%gather3A_611] in [0] : vector<16xf32>, vector<16xi32> -> vector<16xf32>
    %add3A_613 = arith.addf %add3A_610, %gather3A_612 : vector<16xf32>
    %gather3A_614 = vector.shape_cast %reshape3A_18 : vector<16x1xi32> to vector<16xi32>
    %gather3A_615 = tpu.dynamic_gather %add3A_613[%gather3A_614] in [0] : vector<16xf32>, vector<16xi32> -> vector<16xf32>
    %add3A_616 = arith.addf %add3A_613, %gather3A_615 : vector<16xf32>
    %gather3A_617 = vector.shape_cast %reshape3A : vector<16x1xi32> to vector<16xi32>
    %gather3A_618 = tpu.dynamic_gather %scan3A_579#3[%gather3A_617] in [0] : vector<16xf32>, vector<16xi32> -> vector<16xf32>
    %add3A_619 = arith.addf %scan3A_579#3, %gather3A_618 : vector<16xf32>
    %gather3A_620 = vector.shape_cast %reshape3A_10 : vector<16x1xi32> to vector<16xi32>
    %gather3A_621 = tpu.dynamic_gather %add3A_619[%gather3A_620] in [0] : vector<16xf32>, vector<16xi32> -> vector<16xf32>
    %add3A_622 = arith.addf %add3A_619, %gather3A_621 : vector<16xf32>
    %gather3A_623 = vector.shape_cast %reshape3A_14 : vector<16x1xi32> to vector<16xi32>
    %gather3A_624 = tpu.dynamic_gather %add3A_622[%gather3A_623] in [0] : vector<16xf32>, vector<16xi32> -> vector<16xf32>
    %add3A_625 = arith.addf %add3A_622, %gather3A_624 : vector<16xf32>
    %gather3A_626 = vector.shape_cast %reshape3A_18 : vector<16x1xi32> to vector<16xi32>
    %gather3A_627 = tpu.dynamic_gather %add3A_625[%gather3A_626] in [0] : vector<16xf32>, vector<16xi32> -> vector<16xf32>
    %add3A_628 = arith.addf %add3A_625, %gather3A_627 : vector<16xf32>
    %gather3A_629 = vector.shape_cast %reshape3A : vector<16x1xi32> to vector<16xi32>
    %gather3A_630 = tpu.dynamic_gather %scan3A_579#4[%gather3A_629] in [0] : vector<16xf32>, vector<16xi32> -> vector<16xf32>
    %add3A_631 = arith.addf %scan3A_579#4, %gather3A_630 : vector<16xf32>
    %gather3A_632 = vector.shape_cast %reshape3A_10 : vector<16x1xi32> to vector<16xi32>
    %gather3A_633 = tpu.dynamic_gather %add3A_631[%gather3A_632] in [0] : vector<16xf32>, vector<16xi32> -> vector<16xf32>
    %add3A_634 = arith.addf %add3A_631, %gather3A_633 : vector<16xf32>
    %gather3A_635 = vector.shape_cast %reshape3A_14 : vector<16x1xi32> to vector<16xi32>
    %gather3A_636 = tpu.dynamic_gather %add3A_634[%gather3A_635] in [0] : vector<16xf32>, vector<16xi32> -> vector<16xf32>
    %add3A_637 = arith.addf %add3A_634, %gather3A_636 : vector<16xf32>
    %gather3A_638 = vector.shape_cast %reshape3A_18 : vector<16x1xi32> to vector<16xi32>
    %gather3A_639 = tpu.dynamic_gather %add3A_637[%gather3A_638] in [0] : vector<16xf32>, vector<16xi32> -> vector<16xf32>
    %add3A_640 = arith.addf %add3A_637, %gather3A_639 : vector<16xf32>
    %gather3A_641 = vector.shape_cast %reshape3A : vector<16x1xi32> to vector<16xi32>
    %gather3A_642 = tpu.dynamic_gather %scan3A_579#5[%gather3A_641] in [0] : vector<16xf32>, vector<16xi32> -> vector<16xf32>
    %add3A_643 = arith.addf %scan3A_579#5, %gather3A_642 : vector<16xf32>
    %gather3A_644 = vector.shape_cast %reshape3A_10 : vector<16x1xi32> to vector<16xi32>
    %gather3A_645 = tpu.dynamic_gather %add3A_643[%gather3A_644] in [0] : vector<16xf32>, vector<16xi32> -> vector<16xf32>
    %add3A_646 = arith.addf %add3A_643, %gather3A_645 : vector<16xf32>
    %gather3A_647 = vector.shape_cast %reshape3A_14 : vector<16x1xi32> to vector<16xi32>
    %gather3A_648 = tpu.dynamic_gather %add3A_646[%gather3A_647] in [0] : vector<16xf32>, vector<16xi32> -> vector<16xf32>
    %add3A_649 = arith.addf %add3A_646, %gather3A_648 : vector<16xf32>
    %gather3A_650 = vector.shape_cast %reshape3A_18 : vector<16x1xi32> to vector<16xi32>
    %gather3A_651 = tpu.dynamic_gather %add3A_649[%gather3A_650] in [0] : vector<16xf32>, vector<16xi32> -> vector<16xf32>
    %add3A_652 = arith.addf %add3A_649, %gather3A_651 : vector<16xf32>
    %gather3A_653 = vector.shape_cast %reshape3A : vector<16x1xi32> to vector<16xi32>
    %gather3A_654 = tpu.dynamic_gather %scan3A_579#6[%gather3A_653] in [0] : vector<16xf32>, vector<16xi32> -> vector<16xf32>
    %add3A_655 = arith.addf %scan3A_579#6, %gather3A_654 : vector<16xf32>
    %gather3A_656 = vector.shape_cast %reshape3A_10 : vector<16x1xi32> to vector<16xi32>
    %gather3A_657 = tpu.dynamic_gather %add3A_655[%gather3A_656] in [0] : vector<16xf32>, vector<16xi32> -> vector<16xf32>
    %add3A_658 = arith.addf %add3A_655, %gather3A_657 : vector<16xf32>
    %gather3A_659 = vector.shape_cast %reshape3A_14 : vector<16x1xi32> to vector<16xi32>
    %gather3A_660 = tpu.dynamic_gather %add3A_658[%gather3A_659] in [0] : vector<16xf32>, vector<16xi32> -> vector<16xf32>
    %add3A_661 = arith.addf %add3A_658, %gather3A_660 : vector<16xf32>
    %gather3A_662 = vector.shape_cast %reshape3A_18 : vector<16x1xi32> to vector<16xi32>
    %gather3A_663 = tpu.dynamic_gather %add3A_661[%gather3A_662] in [0] : vector<16xf32>, vector<16xi32> -> vector<16xf32>
    %add3A_664 = arith.addf %add3A_661, %gather3A_663 : vector<16xf32>
    %gather3A_665 = vector.shape_cast %reshape3A : vector<16x1xi32> to vector<16xi32>
    %gather3A_666 = tpu.dynamic_gather %scan3A_579#7[%gather3A_665] in [0] : vector<16xf32>, vector<16xi32> -> vector<16xf32>
    %add3A_667 = arith.addf %scan3A_579#7, %gather3A_666 : vector<16xf32>
    %gather3A_668 = vector.shape_cast %reshape3A_10 : vector<16x1xi32> to vector<16xi32>
    %gather3A_669 = tpu.dynamic_gather %add3A_667[%gather3A_668] in [0] : vector<16xf32>, vector<16xi32> -> vector<16xf32>
    %add3A_670 = arith.addf %add3A_667, %gather3A_669 : vector<16xf32>
    %gather3A_671 = vector.shape_cast %reshape3A_14 : vector<16x1xi32> to vector<16xi32>
    %gather3A_672 = tpu.dynamic_gather %add3A_670[%gather3A_671] in [0] : vector<16xf32>, vector<16xi32> -> vector<16xf32>
    %add3A_673 = arith.addf %add3A_670, %gather3A_672 : vector<16xf32>
    %gather3A_674 = vector.shape_cast %reshape3A_18 : vector<16x1xi32> to vector<16xi32>
    %gather3A_675 = tpu.dynamic_gather %add3A_673[%gather3A_674] in [0] : vector<16xf32>, vector<16xi32> -> vector<16xf32>
    %add3A_676 = arith.addf %add3A_673, %gather3A_675 : vector<16xf32>
    %gather3A_677 = vector.shape_cast %reshape3A : vector<16x1xi32> to vector<16xi32>
    %gather3A_678 = tpu.dynamic_gather %scan3A_579#8[%gather3A_677] in [0] : vector<16xf32>, vector<16xi32> -> vector<16xf32>
    %add3A_679 = arith.addf %scan3A_579#8, %gather3A_678 : vector<16xf32>
    %gather3A_680 = vector.shape_cast %reshape3A_10 : vector<16x1xi32> to vector<16xi32>
    %gather3A_681 = tpu.dynamic_gather %add3A_679[%gather3A_680] in [0] : vector<16xf32>, vector<16xi32> -> vector<16xf32>
    %add3A_682 = arith.addf %add3A_679, %gather3A_681 : vector<16xf32>
    %gather3A_683 = vector.shape_cast %reshape3A_14 : vector<16x1xi32> to vector<16xi32>
    %gather3A_684 = tpu.dynamic_gather %add3A_682[%gather3A_683] in [0] : vector<16xf32>, vector<16xi32> -> vector<16xf32>
    %add3A_685 = arith.addf %add3A_682, %gather3A_684 : vector<16xf32>
    %gather3A_686 = vector.shape_cast %reshape3A_18 : vector<16x1xi32> to vector<16xi32>
    %gather3A_687 = tpu.dynamic_gather %add3A_685[%gather3A_686] in [0] : vector<16xf32>, vector<16xi32> -> vector<16xf32>
    %add3A_688 = arith.addf %add3A_685, %gather3A_687 : vector<16xf32>
    %gather3A_689 = vector.shape_cast %reshape3A : vector<16x1xi32> to vector<16xi32>
    %gather3A_690 = tpu.dynamic_gather %scan3A_579#9[%gather3A_689] in [0] : vector<16xf32>, vector<16xi32> -> vector<16xf32>
    %add3A_691 = arith.addf %scan3A_579#9, %gather3A_690 : vector<16xf32>
    %gather3A_692 = vector.shape_cast %reshape3A_10 : vector<16x1xi32> to vector<16xi32>
    %gather3A_693 = tpu.dynamic_gather %add3A_691[%gather3A_692] in [0] : vector<16xf32>, vector<16xi32> -> vector<16xf32>
    %add3A_694 = arith.addf %add3A_691, %gather3A_693 : vector<16xf32>
    %gather3A_695 = vector.shape_cast %reshape3A_14 : vector<16x1xi32> to vector<16xi32>
    %gather3A_696 = tpu.dynamic_gather %add3A_694[%gather3A_695] in [0] : vector<16xf32>, vector<16xi32> -> vector<16xf32>
    %add3A_697 = arith.addf %add3A_694, %gather3A_696 : vector<16xf32>
    %gather3A_698 = vector.shape_cast %reshape3A_18 : vector<16x1xi32> to vector<16xi32>
    %gather3A_699 = tpu.dynamic_gather %add3A_697[%gather3A_698] in [0] : vector<16xf32>, vector<16xi32> -> vector<16xf32>
    %add3A_700 = arith.addf %add3A_697, %gather3A_699 : vector<16xf32>
    %gather3A_701 = vector.shape_cast %reshape3A : vector<16x1xi32> to vector<16xi32>
    %gather3A_702 = tpu.dynamic_gather %scan3A_579#10[%gather3A_701] in [0] : vector<16xf32>, vector<16xi32> -> vector<16xf32>
    %add3A_703 = arith.addf %scan3A_579#10, %gather3A_702 : vector<16xf32>
    %gather3A_704 = vector.shape_cast %reshape3A_10 : vector<16x1xi32> to vector<16xi32>
    %gather3A_705 = tpu.dynamic_gather %add3A_703[%gather3A_704] in [0] : vector<16xf32>, vector<16xi32> -> vector<16xf32>
    %add3A_706 = arith.addf %add3A_703, %gather3A_705 : vector<16xf32>
    %gather3A_707 = vector.shape_cast %reshape3A_14 : vector<16x1xi32> to vector<16xi32>
    %gather3A_708 = tpu.dynamic_gather %add3A_706[%gather3A_707] in [0] : vector<16xf32>, vector<16xi32> -> vector<16xf32>
    %add3A_709 = arith.addf %add3A_706, %gather3A_708 : vector<16xf32>
    %gather3A_710 = vector.shape_cast %reshape3A_18 : vector<16x1xi32> to vector<16xi32>
    %gather3A_711 = tpu.dynamic_gather %add3A_709[%gather3A_710] in [0] : vector<16xf32>, vector<16xi32> -> vector<16xf32>
    %add3A_712 = arith.addf %add3A_709, %gather3A_711 : vector<16xf32>
    %gather3A_713 = vector.shape_cast %reshape3A : vector<16x1xi32> to vector<16xi32>
    %gather3A_714 = tpu.dynamic_gather %scan3A_579#11[%gather3A_713] in [0] : vector<16xf32>, vector<16xi32> -> vector<16xf32>
    %add3A_715 = arith.addf %scan3A_579#11, %gather3A_714 : vector<16xf32>
    %gather3A_716 = vector.shape_cast %reshape3A_10 : vector<16x1xi32> to vector<16xi32>
    %gather3A_717 = tpu.dynamic_gather %add3A_715[%gather3A_716] in [0] : vector<16xf32>, vector<16xi32> -> vector<16xf32>
    %add3A_718 = arith.addf %add3A_715, %gather3A_717 : vector<16xf32>
    %gather3A_719 = vector.shape_cast %reshape3A_14 : vector<16x1xi32> to vector<16xi32>
    %gather3A_720 = tpu.dynamic_gather %add3A_718[%gather3A_719] in [0] : vector<16xf32>, vector<16xi32> -> vector<16xf32>
    %add3A_721 = arith.addf %add3A_718, %gather3A_720 : vector<16xf32>
    %gather3A_722 = vector.shape_cast %reshape3A_18 : vector<16x1xi32> to vector<16xi32>
    %gather3A_723 = tpu.dynamic_gather %add3A_721[%gather3A_722] in [0] : vector<16xf32>, vector<16xi32> -> vector<16xf32>
    %add3A_724 = arith.addf %add3A_721, %gather3A_723 : vector<16xf32>
    %gather3A_725 = vector.shape_cast %reshape3A : vector<16x1xi32> to vector<16xi32>
    %gather3A_726 = tpu.dynamic_gather %scan3A_579#12[%gather3A_725] in [0] : vector<16xf32>, vector<16xi32> -> vector<16xf32>
    %add3A_727 = arith.addf %scan3A_579#12, %gather3A_726 : vector<16xf32>
    %gather3A_728 = vector.shape_cast %reshape3A_10 : vector<16x1xi32> to vector<16xi32>
    %gather3A_729 = tpu.dynamic_gather %add3A_727[%gather3A_728] in [0] : vector<16xf32>, vector<16xi32> -> vector<16xf32>
    %add3A_730 = arith.addf %add3A_727, %gather3A_729 : vector<16xf32>
    %gather3A_731 = vector.shape_cast %reshape3A_14 : vector<16x1xi32> to vector<16xi32>
    %gather3A_732 = tpu.dynamic_gather %add3A_730[%gather3A_731] in [0] : vector<16xf32>, vector<16xi32> -> vector<16xf32>
    %add3A_733 = arith.addf %add3A_730, %gather3A_732 : vector<16xf32>
    %gather3A_734 = vector.shape_cast %reshape3A_18 : vector<16x1xi32> to vector<16xi32>
    %gather3A_735 = tpu.dynamic_gather %add3A_733[%gather3A_734] in [0] : vector<16xf32>, vector<16xi32> -> vector<16xf32>
    %add3A_736 = arith.addf %add3A_733, %gather3A_735 : vector<16xf32>
    %gather3A_737 = vector.shape_cast %reshape3A : vector<16x1xi32> to vector<16xi32>
    %gather3A_738 = tpu.dynamic_gather %scan3A_579#13[%gather3A_737] in [0] : vector<16xf32>, vector<16xi32> -> vector<16xf32>
    %add3A_739 = arith.addf %scan3A_579#13, %gather3A_738 : vector<16xf32>
    %gather3A_740 = vector.shape_cast %reshape3A_10 : vector<16x1xi32> to vector<16xi32>
    %gather3A_741 = tpu.dynamic_gather %add3A_739[%gather3A_740] in [0] : vector<16xf32>, vector<16xi32> -> vector<16xf32>
    %add3A_742 = arith.addf %add3A_739, %gather3A_741 : vector<16xf32>
    %gather3A_743 = vector.shape_cast %reshape3A_14 : vector<16x1xi32> to vector<16xi32>
    %gather3A_744 = tpu.dynamic_gather %add3A_742[%gather3A_743] in [0] : vector<16xf32>, vector<16xi32> -> vector<16xf32>
    %add3A_745 = arith.addf %add3A_742, %gather3A_744 : vector<16xf32>
    %gather3A_746 = vector.shape_cast %reshape3A_18 : vector<16x1xi32> to vector<16xi32>
    %gather3A_747 = tpu.dynamic_gather %add3A_745[%gather3A_746] in [0] : vector<16xf32>, vector<16xi32> -> vector<16xf32>
    %add3A_748 = arith.addf %add3A_745, %gather3A_747 : vector<16xf32>
    %gather3A_749 = vector.shape_cast %reshape3A : vector<16x1xi32> to vector<16xi32>
    %gather3A_750 = tpu.dynamic_gather %scan3A_579#14[%gather3A_749] in [0] : vector<16xf32>, vector<16xi32> -> vector<16xf32>
    %add3A_751 = arith.addf %scan3A_579#14, %gather3A_750 : vector<16xf32>
    %gather3A_752 = vector.shape_cast %reshape3A_10 : vector<16x1xi32> to vector<16xi32>
    %gather3A_753 = tpu.dynamic_gather %add3A_751[%gather3A_752] in [0] : vector<16xf32>, vector<16xi32> -> vector<16xf32>
    %add3A_754 = arith.addf %add3A_751, %gather3A_753 : vector<16xf32>
    %gather3A_755 = vector.shape_cast %reshape3A_14 : vector<16x1xi32> to vector<16xi32>
    %gather3A_756 = tpu.dynamic_gather %add3A_754[%gather3A_755] in [0] : vector<16xf32>, vector<16xi32> -> vector<16xf32>
    %add3A_757 = arith.addf %add3A_754, %gather3A_756 : vector<16xf32>
    %gather3A_758 = vector.shape_cast %reshape3A_18 : vector<16x1xi32> to vector<16xi32>
    %gather3A_759 = tpu.dynamic_gather %add3A_757[%gather3A_758] in [0] : vector<16xf32>, vector<16xi32> -> vector<16xf32>
    %add3A_760 = arith.addf %add3A_757, %gather3A_759 : vector<16xf32>
    %gather3A_761 = vector.shape_cast %reshape3A : vector<16x1xi32> to vector<16xi32>
    %gather3A_762 = tpu.dynamic_gather %scan3A_579#15[%gather3A_761] in [0] : vector<16xf32>, vector<16xi32> -> vector<16xf32>
    %add3A_763 = arith.addf %scan3A_579#15, %gather3A_762 : vector<16xf32>
    %gather3A_764 = vector.shape_cast %reshape3A_10 : vector<16x1xi32> to vector<16xi32>
    %gather3A_765 = tpu.dynamic_gather %add3A_763[%gather3A_764] in [0] : vector<16xf32>, vector<16xi32> -> vector<16xf32>
    %add3A_766 = arith.addf %add3A_763, %gather3A_765 : vector<16xf32>
    %gather3A_767 = vector.shape_cast %reshape3A_14 : vector<16x1xi32> to vector<16xi32>
    %gather3A_768 = tpu.dynamic_gather %add3A_766[%gather3A_767] in [0] : vector<16xf32>, vector<16xi32> -> vector<16xf32>
    %add3A_769 = arith.addf %add3A_766, %gather3A_768 : vector<16xf32>
    %gather3A_770 = vector.shape_cast %reshape3A_18 : vector<16x1xi32> to vector<16xi32>
    %gather3A_771 = tpu.dynamic_gather %add3A_769[%gather3A_770] in [0] : vector<16xf32>, vector<16xi32> -> vector<16xf32>
    %add3A_772 = arith.addf %add3A_769, %gather3A_771 : vector<16xf32>
    %gather3A_773 = vector.shape_cast %reshape3A : vector<16x1xi32> to vector<16xi32>
    %gather3A_774 = tpu.dynamic_gather %scan3A_579#16[%gather3A_773] in [0] : vector<16xf32>, vector<16xi32> -> vector<16xf32>
    %add3A_775 = arith.addf %scan3A_579#16, %gather3A_774 : vector<16xf32>
    %gather3A_776 = vector.shape_cast %reshape3A_10 : vector<16x1xi32> to vector<16xi32>
    %gather3A_777 = tpu.dynamic_gather %add3A_775[%gather3A_776] in [0] : vector<16xf32>, vector<16xi32> -> vector<16xf32>
    %add3A_778 = arith.addf %add3A_775, %gather3A_777 : vector<16xf32>
    %gather3A_779 = vector.shape_cast %reshape3A_14 : vector<16x1xi32> to vector<16xi32>
    %gather3A_780 = tpu.dynamic_gather %add3A_778[%gather3A_779] in [0] : vector<16xf32>, vector<16xi32> -> vector<16xf32>
    %add3A_781 = arith.addf %add3A_778, %gather3A_780 : vector<16xf32>
    %gather3A_782 = vector.shape_cast %reshape3A_18 : vector<16x1xi32> to vector<16xi32>
    %gather3A_783 = tpu.dynamic_gather %add3A_781[%gather3A_782] in [0] : vector<16xf32>, vector<16xi32> -> vector<16xf32>
    %add3A_784 = arith.addf %add3A_781, %gather3A_783 : vector<16xf32>
    %gather3A_785 = vector.shape_cast %reshape3A : vector<16x1xi32> to vector<16xi32>
    %gather3A_786 = tpu.dynamic_gather %scan3A_579#17[%gather3A_785] in [0] : vector<16xf32>, vector<16xi32> -> vector<16xf32>
    %add3A_787 = arith.addf %scan3A_579#17, %gather3A_786 : vector<16xf32>
    %gather3A_788 = vector.shape_cast %reshape3A_10 : vector<16x1xi32> to vector<16xi32>
    %gather3A_789 = tpu.dynamic_gather %add3A_787[%gather3A_788] in [0] : vector<16xf32>, vector<16xi32> -> vector<16xf32>
    %add3A_790 = arith.addf %add3A_787, %gather3A_789 : vector<16xf32>
    %gather3A_791 = vector.shape_cast %reshape3A_14 : vector<16x1xi32> to vector<16xi32>
    %gather3A_792 = tpu.dynamic_gather %add3A_790[%gather3A_791] in [0] : vector<16xf32>, vector<16xi32> -> vector<16xf32>
    %add3A_793 = arith.addf %add3A_790, %gather3A_792 : vector<16xf32>
    %gather3A_794 = vector.shape_cast %reshape3A_18 : vector<16x1xi32> to vector<16xi32>
    %gather3A_795 = tpu.dynamic_gather %add3A_793[%gather3A_794] in [0] : vector<16xf32>, vector<16xi32> -> vector<16xf32>
    %add3A_796 = arith.addf %add3A_793, %gather3A_795 : vector<16xf32>
    %gather3A_797 = vector.shape_cast %reshape3A : vector<16x1xi32> to vector<16xi32>
    %gather3A_798 = tpu.dynamic_gather %scan3A_579#18[%gather3A_797] in [0] : vector<16xf32>, vector<16xi32> -> vector<16xf32>
    %add3A_799 = arith.addf %scan3A_579#18, %gather3A_798 : vector<16xf32>
    %gather3A_800 = vector.shape_cast %reshape3A_10 : vector<16x1xi32> to vector<16xi32>
    %gather3A_801 = tpu.dynamic_gather %add3A_799[%gather3A_800] in [0] : vector<16xf32>, vector<16xi32> -> vector<16xf32>
    %add3A_802 = arith.addf %add3A_799, %gather3A_801 : vector<16xf32>
    %gather3A_803 = vector.shape_cast %reshape3A_14 : vector<16x1xi32> to vector<16xi32>
    %gather3A_804 = tpu.dynamic_gather %add3A_802[%gather3A_803] in [0] : vector<16xf32>, vector<16xi32> -> vector<16xf32>
    %add3A_805 = arith.addf %add3A_802, %gather3A_804 : vector<16xf32>
    %gather3A_806 = vector.shape_cast %reshape3A_18 : vector<16x1xi32> to vector<16xi32>
    %gather3A_807 = tpu.dynamic_gather %add3A_805[%gather3A_806] in [0] : vector<16xf32>, vector<16xi32> -> vector<16xf32>
    %add3A_808 = arith.addf %add3A_805, %gather3A_807 : vector<16xf32>
    %gather3A_809 = vector.shape_cast %reshape3A : vector<16x1xi32> to vector<16xi32>
    %gather3A_810 = tpu.dynamic_gather %scan3A_579#19[%gather3A_809] in [0] : vector<16xf32>, vector<16xi32> -> vector<16xf32>
    %add3A_811 = arith.addf %scan3A_579#19, %gather3A_810 : vector<16xf32>
    %gather3A_812 = vector.shape_cast %reshape3A_10 : vector<16x1xi32> to vector<16xi32>
    %gather3A_813 = tpu.dynamic_gather %add3A_811[%gather3A_812] in [0] : vector<16xf32>, vector<16xi32> -> vector<16xf32>
    %add3A_814 = arith.addf %add3A_811, %gather3A_813 : vector<16xf32>
    %gather3A_815 = vector.shape_cast %reshape3A_14 : vector<16x1xi32> to vector<16xi32>
    %gather3A_816 = tpu.dynamic_gather %add3A_814[%gather3A_815] in [0] : vector<16xf32>, vector<16xi32> -> vector<16xf32>
    %add3A_817 = arith.addf %add3A_814, %gather3A_816 : vector<16xf32>
    %gather3A_818 = vector.shape_cast %reshape3A_18 : vector<16x1xi32> to vector<16xi32>
    %gather3A_819 = tpu.dynamic_gather %add3A_817[%gather3A_818] in [0] : vector<16xf32>, vector<16xi32> -> vector<16xf32>
    %add3A_820 = arith.addf %add3A_817, %gather3A_819 : vector<16xf32>
    %gather3A_821 = vector.shape_cast %reshape3A : vector<16x1xi32> to vector<16xi32>
    %gather3A_822 = tpu.dynamic_gather %scan3A_579#20[%gather3A_821] in [0] : vector<16xf32>, vector<16xi32> -> vector<16xf32>
    %add3A_823 = arith.addf %scan3A_579#20, %gather3A_822 : vector<16xf32>
    %gather3A_824 = vector.shape_cast %reshape3A_10 : vector<16x1xi32> to vector<16xi32>
    %gather3A_825 = tpu.dynamic_gather %add3A_823[%gather3A_824] in [0] : vector<16xf32>, vector<16xi32> -> vector<16xf32>
    %add3A_826 = arith.addf %add3A_823, %gather3A_825 : vector<16xf32>
    %gather3A_827 = vector.shape_cast %reshape3A_14 : vector<16x1xi32> to vector<16xi32>
    %gather3A_828 = tpu.dynamic_gather %add3A_826[%gather3A_827] in [0] : vector<16xf32>, vector<16xi32> -> vector<16xf32>
    %add3A_829 = arith.addf %add3A_826, %gather3A_828 : vector<16xf32>
    %gather3A_830 = vector.shape_cast %reshape3A_18 : vector<16x1xi32> to vector<16xi32>
    %gather3A_831 = tpu.dynamic_gather %add3A_829[%gather3A_830] in [0] : vector<16xf32>, vector<16xi32> -> vector<16xf32>
    %add3A_832 = arith.addf %add3A_829, %gather3A_831 : vector<16xf32>
    %gather3A_833 = vector.shape_cast %reshape3A : vector<16x1xi32> to vector<16xi32>
    %gather3A_834 = tpu.dynamic_gather %scan3A_579#21[%gather3A_833] in [0] : vector<16xf32>, vector<16xi32> -> vector<16xf32>
    %add3A_835 = arith.addf %scan3A_579#21, %gather3A_834 : vector<16xf32>
    %gather3A_836 = vector.shape_cast %reshape3A_10 : vector<16x1xi32> to vector<16xi32>
    %gather3A_837 = tpu.dynamic_gather %add3A_835[%gather3A_836] in [0] : vector<16xf32>, vector<16xi32> -> vector<16xf32>
    %add3A_838 = arith.addf %add3A_835, %gather3A_837 : vector<16xf32>
    %gather3A_839 = vector.shape_cast %reshape3A_14 : vector<16x1xi32> to vector<16xi32>
    %gather3A_840 = tpu.dynamic_gather %add3A_838[%gather3A_839] in [0] : vector<16xf32>, vector<16xi32> -> vector<16xf32>
    %add3A_841 = arith.addf %add3A_838, %gather3A_840 : vector<16xf32>
    %gather3A_842 = vector.shape_cast %reshape3A_18 : vector<16x1xi32> to vector<16xi32>
    %gather3A_843 = tpu.dynamic_gather %add3A_841[%gather3A_842] in [0] : vector<16xf32>, vector<16xi32> -> vector<16xf32>
    %add3A_844 = arith.addf %add3A_841, %gather3A_843 : vector<16xf32>
    %gather3A_845 = vector.shape_cast %reshape3A : vector<16x1xi32> to vector<16xi32>
    %gather3A_846 = tpu.dynamic_gather %scan3A_579#22[%gather3A_845] in [0] : vector<16xf32>, vector<16xi32> -> vector<16xf32>
    %add3A_847 = arith.addf %scan3A_579#22, %gather3A_846 : vector<16xf32>
    %gather3A_848 = vector.shape_cast %reshape3A_10 : vector<16x1xi32> to vector<16xi32>
    %gather3A_849 = tpu.dynamic_gather %add3A_847[%gather3A_848] in [0] : vector<16xf32>, vector<16xi32> -> vector<16xf32>
    %add3A_850 = arith.addf %add3A_847, %gather3A_849 : vector<16xf32>
    %gather3A_851 = vector.shape_cast %reshape3A_14 : vector<16x1xi32> to vector<16xi32>
    %gather3A_852 = tpu.dynamic_gather %add3A_850[%gather3A_851] in [0] : vector<16xf32>, vector<16xi32> -> vector<16xf32>
    %add3A_853 = arith.addf %add3A_850, %gather3A_852 : vector<16xf32>
    %gather3A_854 = vector.shape_cast %reshape3A_18 : vector<16x1xi32> to vector<16xi32>
    %gather3A_855 = tpu.dynamic_gather %add3A_853[%gather3A_854] in [0] : vector<16xf32>, vector<16xi32> -> vector<16xf32>
    %add3A_856 = arith.addf %add3A_853, %gather3A_855 : vector<16xf32>
    %gather3A_857 = vector.shape_cast %reshape3A : vector<16x1xi32> to vector<16xi32>
    %gather3A_858 = tpu.dynamic_gather %scan3A_579#23[%gather3A_857] in [0] : vector<16xf32>, vector<16xi32> -> vector<16xf32>
    %add3A_859 = arith.addf %scan3A_579#23, %gather3A_858 : vector<16xf32>
    %gather3A_860 = vector.shape_cast %reshape3A_10 : vector<16x1xi32> to vector<16xi32>
    %gather3A_861 = tpu.dynamic_gather %add3A_859[%gather3A_860] in [0] : vector<16xf32>, vector<16xi32> -> vector<16xf32>
    %add3A_862 = arith.addf %add3A_859, %gather3A_861 : vector<16xf32>
    %gather3A_863 = vector.shape_cast %reshape3A_14 : vector<16x1xi32> to vector<16xi32>
    %gather3A_864 = tpu.dynamic_gather %add3A_862[%gather3A_863] in [0] : vector<16xf32>, vector<16xi32> -> vector<16xf32>
    %add3A_865 = arith.addf %add3A_862, %gather3A_864 : vector<16xf32>
    %gather3A_866 = vector.shape_cast %reshape3A_18 : vector<16x1xi32> to vector<16xi32>
    %gather3A_867 = tpu.dynamic_gather %add3A_865[%gather3A_866] in [0] : vector<16xf32>, vector<16xi32> -> vector<16xf32>
    %add3A_868 = arith.addf %add3A_865, %gather3A_867 : vector<16xf32>
    %gather3A_869 = vector.shape_cast %reshape3A : vector<16x1xi32> to vector<16xi32>
    %gather3A_870 = tpu.dynamic_gather %scan3A_579#24[%gather3A_869] in [0] : vector<16xf32>, vector<16xi32> -> vector<16xf32>
    %add3A_871 = arith.addf %scan3A_579#24, %gather3A_870 : vector<16xf32>
    %gather3A_872 = vector.shape_cast %reshape3A_10 : vector<16x1xi32> to vector<16xi32>
    %gather3A_873 = tpu.dynamic_gather %add3A_871[%gather3A_872] in [0] : vector<16xf32>, vector<16xi32> -> vector<16xf32>
    %add3A_874 = arith.addf %add3A_871, %gather3A_873 : vector<16xf32>
    %gather3A_875 = vector.shape_cast %reshape3A_14 : vector<16x1xi32> to vector<16xi32>
    %gather3A_876 = tpu.dynamic_gather %add3A_874[%gather3A_875] in [0] : vector<16xf32>, vector<16xi32> -> vector<16xf32>
    %add3A_877 = arith.addf %add3A_874, %gather3A_876 : vector<16xf32>
    %gather3A_878 = vector.shape_cast %reshape3A_18 : vector<16x1xi32> to vector<16xi32>
    %gather3A_879 = tpu.dynamic_gather %add3A_877[%gather3A_878] in [0] : vector<16xf32>, vector<16xi32> -> vector<16xf32>
    %add3A_880 = arith.addf %add3A_877, %gather3A_879 : vector<16xf32>
    %gather3A_881 = vector.shape_cast %reshape3A : vector<16x1xi32> to vector<16xi32>
    %gather3A_882 = tpu.dynamic_gather %scan3A_579#25[%gather3A_881] in [0] : vector<16xf32>, vector<16xi32> -> vector<16xf32>
    %add3A_883 = arith.addf %scan3A_579#25, %gather3A_882 : vector<16xf32>
    %gather3A_884 = vector.shape_cast %reshape3A_10 : vector<16x1xi32> to vector<16xi32>
    %gather3A_885 = tpu.dynamic_gather %add3A_883[%gather3A_884] in [0] : vector<16xf32>, vector<16xi32> -> vector<16xf32>
    %add3A_886 = arith.addf %add3A_883, %gather3A_885 : vector<16xf32>
    %gather3A_887 = vector.shape_cast %reshape3A_14 : vector<16x1xi32> to vector<16xi32>
    %gather3A_888 = tpu.dynamic_gather %add3A_886[%gather3A_887] in [0] : vector<16xf32>, vector<16xi32> -> vector<16xf32>
    %add3A_889 = arith.addf %add3A_886, %gather3A_888 : vector<16xf32>
    %gather3A_890 = vector.shape_cast %reshape3A_18 : vector<16x1xi32> to vector<16xi32>
    %gather3A_891 = tpu.dynamic_gather %add3A_889[%gather3A_890] in [0] : vector<16xf32>, vector<16xi32> -> vector<16xf32>
    %add3A_892 = arith.addf %add3A_889, %gather3A_891 : vector<16xf32>
    %gather3A_893 = vector.shape_cast %reshape3A : vector<16x1xi32> to vector<16xi32>
    %gather3A_894 = tpu.dynamic_gather %scan3A_579#26[%gather3A_893] in [0] : vector<16xf32>, vector<16xi32> -> vector<16xf32>
    %add3A_895 = arith.addf %scan3A_579#26, %gather3A_894 : vector<16xf32>
    %gather3A_896 = vector.shape_cast %reshape3A_10 : vector<16x1xi32> to vector<16xi32>
    %gather3A_897 = tpu.dynamic_gather %add3A_895[%gather3A_896] in [0] : vector<16xf32>, vector<16xi32> -> vector<16xf32>
    %add3A_898 = arith.addf %add3A_895, %gather3A_897 : vector<16xf32>
    %gather3A_899 = vector.shape_cast %reshape3A_14 : vector<16x1xi32> to vector<16xi32>
    %gather3A_900 = tpu.dynamic_gather %add3A_898[%gather3A_899] in [0] : vector<16xf32>, vector<16xi32> -> vector<16xf32>
    %add3A_901 = arith.addf %add3A_898, %gather3A_900 : vector<16xf32>
    %gather3A_902 = vector.shape_cast %reshape3A_18 : vector<16x1xi32> to vector<16xi32>
    %gather3A_903 = tpu.dynamic_gather %add3A_901[%gather3A_902] in [0] : vector<16xf32>, vector<16xi32> -> vector<16xf32>
    %add3A_904 = arith.addf %add3A_901, %gather3A_903 : vector<16xf32>
    %gather3A_905 = vector.shape_cast %reshape3A : vector<16x1xi32> to vector<16xi32>
    %gather3A_906 = tpu.dynamic_gather %scan3A_579#27[%gather3A_905] in [0] : vector<16xf32>, vector<16xi32> -> vector<16xf32>
    %add3A_907 = arith.addf %scan3A_579#27, %gather3A_906 : vector<16xf32>
    %gather3A_908 = vector.shape_cast %reshape3A_10 : vector<16x1xi32> to vector<16xi32>
    %gather3A_909 = tpu.dynamic_gather %add3A_907[%gather3A_908] in [0] : vector<16xf32>, vector<16xi32> -> vector<16xf32>
    %add3A_910 = arith.addf %add3A_907, %gather3A_909 : vector<16xf32>
    %gather3A_911 = vector.shape_cast %reshape3A_14 : vector<16x1xi32> to vector<16xi32>
    %gather3A_912 = tpu.dynamic_gather %add3A_910[%gather3A_911] in [0] : vector<16xf32>, vector<16xi32> -> vector<16xf32>
    %add3A_913 = arith.addf %add3A_910, %gather3A_912 : vector<16xf32>
    %gather3A_914 = vector.shape_cast %reshape3A_18 : vector<16x1xi32> to vector<16xi32>
    %gather3A_915 = tpu.dynamic_gather %add3A_913[%gather3A_914] in [0] : vector<16xf32>, vector<16xi32> -> vector<16xf32>
    %add3A_916 = arith.addf %add3A_913, %gather3A_915 : vector<16xf32>
    %gather3A_917 = vector.shape_cast %reshape3A : vector<16x1xi32> to vector<16xi32>
    %gather3A_918 = tpu.dynamic_gather %scan3A_579#28[%gather3A_917] in [0] : vector<16xf32>, vector<16xi32> -> vector<16xf32>
    %add3A_919 = arith.addf %scan3A_579#28, %gather3A_918 : vector<16xf32>
    %gather3A_920 = vector.shape_cast %reshape3A_10 : vector<16x1xi32> to vector<16xi32>
    %gather3A_921 = tpu.dynamic_gather %add3A_919[%gather3A_920] in [0] : vector<16xf32>, vector<16xi32> -> vector<16xf32>
    %add3A_922 = arith.addf %add3A_919, %gather3A_921 : vector<16xf32>
    %gather3A_923 = vector.shape_cast %reshape3A_14 : vector<16x1xi32> to vector<16xi32>
    %gather3A_924 = tpu.dynamic_gather %add3A_922[%gather3A_923] in [0] : vector<16xf32>, vector<16xi32> -> vector<16xf32>
    %add3A_925 = arith.addf %add3A_922, %gather3A_924 : vector<16xf32>
    %gather3A_926 = vector.shape_cast %reshape3A_18 : vector<16x1xi32> to vector<16xi32>
    %gather3A_927 = tpu.dynamic_gather %add3A_925[%gather3A_926] in [0] : vector<16xf32>, vector<16xi32> -> vector<16xf32>
    %add3A_928 = arith.addf %add3A_925, %gather3A_927 : vector<16xf32>
    %gather3A_929 = vector.shape_cast %reshape3A : vector<16x1xi32> to vector<16xi32>
    %gather3A_930 = tpu.dynamic_gather %scan3A_579#29[%gather3A_929] in [0] : vector<16xf32>, vector<16xi32> -> vector<16xf32>
    %add3A_931 = arith.addf %scan3A_579#29, %gather3A_930 : vector<16xf32>
    %gather3A_932 = vector.shape_cast %reshape3A_10 : vector<16x1xi32> to vector<16xi32>
    %gather3A_933 = tpu.dynamic_gather %add3A_931[%gather3A_932] in [0] : vector<16xf32>, vector<16xi32> -> vector<16xf32>
    %add3A_934 = arith.addf %add3A_931, %gather3A_933 : vector<16xf32>
    %gather3A_935 = vector.shape_cast %reshape3A_14 : vector<16x1xi32> to vector<16xi32>
    %gather3A_936 = tpu.dynamic_gather %add3A_934[%gather3A_935] in [0] : vector<16xf32>, vector<16xi32> -> vector<16xf32>
    %add3A_937 = arith.addf %add3A_934, %gather3A_936 : vector<16xf32>
    %gather3A_938 = vector.shape_cast %reshape3A_18 : vector<16x1xi32> to vector<16xi32>
    %gather3A_939 = tpu.dynamic_gather %add3A_937[%gather3A_938] in [0] : vector<16xf32>, vector<16xi32> -> vector<16xf32>
    %add3A_940 = arith.addf %add3A_937, %gather3A_939 : vector<16xf32>
    %gather3A_941 = vector.shape_cast %reshape3A : vector<16x1xi32> to vector<16xi32>
    %gather3A_942 = tpu.dynamic_gather %scan3A_579#30[%gather3A_941] in [0] : vector<16xf32>, vector<16xi32> -> vector<16xf32>
    %add3A_943 = arith.addf %scan3A_579#30, %gather3A_942 : vector<16xf32>
    %gather3A_944 = vector.shape_cast %reshape3A_10 : vector<16x1xi32> to vector<16xi32>
    %gather3A_945 = tpu.dynamic_gather %add3A_943[%gather3A_944] in [0] : vector<16xf32>, vector<16xi32> -> vector<16xf32>
    %add3A_946 = arith.addf %add3A_943, %gather3A_945 : vector<16xf32>
    %gather3A_947 = vector.shape_cast %reshape3A_14 : vector<16x1xi32> to vector<16xi32>
    %gather3A_948 = tpu.dynamic_gather %add3A_946[%gather3A_947] in [0] : vector<16xf32>, vector<16xi32> -> vector<16xf32>
    %add3A_949 = arith.addf %add3A_946, %gather3A_948 : vector<16xf32>
    %gather3A_950 = vector.shape_cast %reshape3A_18 : vector<16x1xi32> to vector<16xi32>
    %gather3A_951 = tpu.dynamic_gather %add3A_949[%gather3A_950] in [0] : vector<16xf32>, vector<16xi32> -> vector<16xf32>
    %add3A_952 = arith.addf %add3A_949, %gather3A_951 : vector<16xf32>
    %gather3A_953 = vector.shape_cast %reshape3A : vector<16x1xi32> to vector<16xi32>
    %gather3A_954 = tpu.dynamic_gather %scan3A_579#31[%gather3A_953] in [0] : vector<16xf32>, vector<16xi32> -> vector<16xf32>
    %add3A_955 = arith.addf %scan3A_579#31, %gather3A_954 : vector<16xf32>
    %gather3A_956 = vector.shape_cast %reshape3A_10 : vector<16x1xi32> to vector<16xi32>
    %gather3A_957 = tpu.dynamic_gather %add3A_955[%gather3A_956] in [0] : vector<16xf32>, vector<16xi32> -> vector<16xf32>
    %add3A_958 = arith.addf %add3A_955, %gather3A_957 : vector<16xf32>
    %gather3A_959 = vector.shape_cast %reshape3A_14 : vector<16x1xi32> to vector<16xi32>
    %gather3A_960 = tpu.dynamic_gather %add3A_958[%gather3A_959] in [0] : vector<16xf32>, vector<16xi32> -> vector<16xf32>
    %add3A_961 = arith.addf %add3A_958, %gather3A_960 : vector<16xf32>
    %gather3A_962 = vector.shape_cast %reshape3A_18 : vector<16x1xi32> to vector<16xi32>
    %gather3A_963 = tpu.dynamic_gather %add3A_961[%gather3A_962] in [0] : vector<16xf32>, vector<16xi32> -> vector<16xf32>
    %add3A_964 = arith.addf %add3A_961, %gather3A_963 : vector<16xf32>
    %eq3A_965 = arith.constant 1 : i32
    %eq3A_966 = vector.broadcast %eq3A_965 : i32 to vector<16xi32>
    %eq3A_967 = arith.cmpi eq, %iota3A, %eq3A_966 : vector<16xi32>
    %select_n3A_968 = arith.select %eq3A_967, %add3A_640, %add3A_592 : vector<16xi1>, vector<16xf32>
    %eq3A_969 = arith.constant 2 : i32
    %eq3A_970 = vector.broadcast %eq3A_969 : i32 to vector<16xi32>
    %eq3A_971 = arith.cmpi eq, %iota3A, %eq3A_970 : vector<16xi32>
    %select_n3A_972 = arith.select %eq3A_971, %add3A_688, %select_n3A_968 : vector<16xi1>, vector<16xf32>
    %eq3A_973 = arith.constant 3 : i32
    %eq3A_974 = vector.broadcast %eq3A_973 : i32 to vector<16xi32>
    %eq3A_975 = arith.cmpi eq, %iota3A, %eq3A_974 : vector<16xi32>
    %select_n3A_976 = arith.select %eq3A_975, %add3A_736, %select_n3A_972 : vector<16xi1>, vector<16xf32>
    %eq3A_977 = arith.constant 4 : i32
    %eq3A_978 = vector.broadcast %eq3A_977 : i32 to vector<16xi32>
    %eq3A_979 = arith.cmpi eq, %iota3A, %eq3A_978 : vector<16xi32>
    %select_n3A_980 = arith.select %eq3A_979, %add3A_784, %select_n3A_976 : vector<16xi1>, vector<16xf32>
    %eq3A_981 = arith.constant 5 : i32
    %eq3A_982 = vector.broadcast %eq3A_981 : i32 to vector<16xi32>
    %eq3A_983 = arith.cmpi eq, %iota3A, %eq3A_982 : vector<16xi32>
    %select_n3A_984 = arith.select %eq3A_983, %add3A_832, %select_n3A_980 : vector<16xi1>, vector<16xf32>
    %eq3A_985 = arith.constant 6 : i32
    %eq3A_986 = vector.broadcast %eq3A_985 : i32 to vector<16xi32>
    %eq3A_987 = arith.cmpi eq, %iota3A, %eq3A_986 : vector<16xi32>
    %select_n3A_988 = arith.select %eq3A_987, %add3A_880, %select_n3A_984 : vector<16xi1>, vector<16xf32>
    %eq3A_989 = arith.constant 7 : i32
    %eq3A_990 = vector.broadcast %eq3A_989 : i32 to vector<16xi32>
    %eq3A_991 = arith.cmpi eq, %iota3A, %eq3A_990 : vector<16xi32>
    %select_n3A_992 = arith.select %eq3A_991, %add3A_928, %select_n3A_988 : vector<16xi1>, vector<16xf32>
    %eq3A_993 = arith.constant 8 : i32
    %eq3A_994 = vector.broadcast %eq3A_993 : i32 to vector<16xi32>
    %eq3A_995 = arith.cmpi eq, %iota3A, %eq3A_994 : vector<16xi32>
    %select_n3A_996 = arith.select %eq3A_995, %add3A_604, %select_n3A_992 : vector<16xi1>, vector<16xf32>
    %eq3A_997 = arith.constant 9 : i32
    %eq3A_998 = vector.broadcast %eq3A_997 : i32 to vector<16xi32>
    %eq3A_999 = arith.cmpi eq, %iota3A, %eq3A_998 : vector<16xi32>
    %select_n3A_1000 = arith.select %eq3A_999, %add3A_652, %select_n3A_996 : vector<16xi1>, vector<16xf32>
    %eq3A_1001 = arith.constant 10 : i32
    %eq3A_1002 = vector.broadcast %eq3A_1001 : i32 to vector<16xi32>
    %eq3A_1003 = arith.cmpi eq, %iota3A, %eq3A_1002 : vector<16xi32>
    %select_n3A_1004 = arith.select %eq3A_1003, %add3A_700, %select_n3A_1000 : vector<16xi1>, vector<16xf32>
    %eq3A_1005 = arith.constant 11 : i32
    %eq3A_1006 = vector.broadcast %eq3A_1005 : i32 to vector<16xi32>
    %eq3A_1007 = arith.cmpi eq, %iota3A, %eq3A_1006 : vector<16xi32>
    %select_n3A_1008 = arith.select %eq3A_1007, %add3A_748, %select_n3A_1004 : vector<16xi1>, vector<16xf32>
    %eq3A_1009 = arith.constant 12 : i32
    %eq3A_1010 = vector.broadcast %eq3A_1009 : i32 to vector<16xi32>
    %eq3A_1011 = arith.cmpi eq, %iota3A, %eq3A_1010 : vector<16xi32>
    %select_n3A_1012 = arith.select %eq3A_1011, %add3A_796, %select_n3A_1008 : vector<16xi1>, vector<16xf32>
    %eq3A_1013 = arith.constant 13 : i32
    %eq3A_1014 = vector.broadcast %eq3A_1013 : i32 to vector<16xi32>
    %eq3A_1015 = arith.cmpi eq, %iota3A, %eq3A_1014 : vector<16xi32>
    %select_n3A_1016 = arith.select %eq3A_1015, %add3A_844, %select_n3A_1012 : vector<16xi1>, vector<16xf32>
    %eq3A_1017 = arith.constant 14 : i32
    %eq3A_1018 = vector.broadcast %eq3A_1017 : i32 to vector<16xi32>
    %eq3A_1019 = arith.cmpi eq, %iota3A, %eq3A_1018 : vector<16xi32>
    %select_n3A_1020 = arith.select %eq3A_1019, %add3A_892, %select_n3A_1016 : vector<16xi1>, vector<16xf32>
    %eq3A_1021 = arith.constant 15 : i32
    %eq3A_1022 = vector.broadcast %eq3A_1021 : i32 to vector<16xi32>
    %eq3A_1023 = arith.cmpi eq, %iota3A, %eq3A_1022 : vector<16xi32>
    %select_n3A_1024 = arith.select %eq3A_1023, %add3A_940, %select_n3A_1020 : vector<16xi1>, vector<16xf32>
    %mul3A_1025 = arith.constant 1.42857146 : f32
    %mul3A_1026 = vector.broadcast %mul3A_1025 : f32 to vector<16xf32>
    %mul3A_1027 = arith.mulf %select_n3A_1024, %mul3A_1026 : vector<16xf32>
    %swap3A_1028 = arith.constant 32 : index
    %swap3A_1029 = tpu.vector_load %arg7[%swap3A_1028] {strides = array<i32>} : memref<64xf32, #tpu.memory_space<vmem>>, vector<16xf32>,
    %swap3A_1030 = vector.shape_cast %swap3A_1029 : vector<16xf32> to vector<16xf32>
    %swap3A_1031 = vector.shape_cast %mul3A_1027 : vector<16xf32> to vector<16xf32>
    tpu.vector_store %arg7[%swap3A_1028], %swap3A_1031 {strides = array<i32>} : memref<64xf32, #tpu.memory_space<vmem>>, vector<16xf32>,
    %eq3A_1032 = arith.constant 1 : i32
    %eq3A_1033 = vector.broadcast %eq3A_1032 : i32 to vector<16xi32>
    %eq3A_1034 = arith.cmpi eq, %iota3A, %eq3A_1033 : vector<16xi32>
    %select_n3A_1035 = arith.select %eq3A_1034, %add3A_664, %add3A_616 : vector<16xi1>, vector<16xf32>
    %eq3A_1036 = arith.constant 2 : i32
    %eq3A_1037 = vector.broadcast %eq3A_1036 : i32 to vector<16xi32>
    %eq3A_1038 = arith.cmpi eq, %iota3A, %eq3A_1037 : vector<16xi32>
    %select_n3A_1039 = arith.select %eq3A_1038, %add3A_712, %select_n3A_1035 : vector<16xi1>, vector<16xf32>
    %eq3A_1040 = arith.constant 3 : i32
    %eq3A_1041 = vector.broadcast %eq3A_1040 : i32 to vector<16xi32>
    %eq3A_1042 = arith.cmpi eq, %iota3A, %eq3A_1041 : vector<16xi32>
    %select_n3A_1043 = arith.select %eq3A_1042, %add3A_760, %select_n3A_1039 : vector<16xi1>, vector<16xf32>
    %eq3A_1044 = arith.constant 4 : i32
    %eq3A_1045 = vector.broadcast %eq3A_1044 : i32 to vector<16xi32>
    %eq3A_1046 = arith.cmpi eq, %iota3A, %eq3A_1045 : vector<16xi32>
    %select_n3A_1047 = arith.select %eq3A_1046, %add3A_808, %select_n3A_1043 : vector<16xi1>, vector<16xf32>
    %eq3A_1048 = arith.constant 5 : i32
    %eq3A_1049 = vector.broadcast %eq3A_1048 : i32 to vector<16xi32>
    %eq3A_1050 = arith.cmpi eq, %iota3A, %eq3A_1049 : vector<16xi32>
    %select_n3A_1051 = arith.select %eq3A_1050, %add3A_856, %select_n3A_1047 : vector<16xi1>, vector<16xf32>
    %eq3A_1052 = arith.constant 6 : i32
    %eq3A_1053 = vector.broadcast %eq3A_1052 : i32 to vector<16xi32>
    %eq3A_1054 = arith.cmpi eq, %iota3A, %eq3A_1053 : vector<16xi32>
    %select_n3A_1055 = arith.select %eq3A_1054, %add3A_904, %select_n3A_1051 : vector<16xi1>, vector<16xf32>
    %eq3A_1056 = arith.constant 7 : i32
    %eq3A_1057 = vector.broadcast %eq3A_1056 : i32 to vector<16xi32>
    %eq3A_1058 = arith.cmpi eq, %iota3A, %eq3A_1057 : vector<16xi32>
    %select_n3A_1059 = arith.select %eq3A_1058, %add3A_952, %select_n3A_1055 : vector<16xi1>, vector<16xf32>
    %eq3A_1060 = arith.constant 8 : i32
    %eq3A_1061 = vector.broadcast %eq3A_1060 : i32 to vector<16xi32>
    %eq3A_1062 = arith.cmpi eq, %iota3A, %eq3A_1061 : vector<16xi32>
    %select_n3A_1063 = arith.select %eq3A_1062, %add3A_628, %select_n3A_1059 : vector<16xi1>, vector<16xf32>
    %eq3A_1064 = arith.constant 9 : i32
    %eq3A_1065 = vector.broadcast %eq3A_1064 : i32 to vector<16xi32>
    %eq3A_1066 = arith.cmpi eq, %iota3A, %eq3A_1065 : vector<16xi32>
    %select_n3A_1067 = arith.select %eq3A_1066, %add3A_676, %select_n3A_1063 : vector<16xi1>, vector<16xf32>
    %eq3A_1068 = arith.constant 10 : i32
    %eq3A_1069 = vector.broadcast %eq3A_1068 : i32 to vector<16xi32>
    %eq3A_1070 = arith.cmpi eq, %iota3A, %eq3A_1069 : vector<16xi32>
    %select_n3A_1071 = arith.select %eq3A_1070, %add3A_724, %select_n3A_1067 : vector<16xi1>, vector<16xf32>
    %eq3A_1072 = arith.constant 11 : i32
    %eq3A_1073 = vector.broadcast %eq3A_1072 : i32 to vector<16xi32>
    %eq3A_1074 = arith.cmpi eq, %iota3A, %eq3A_1073 : vector<16xi32>
    %select_n3A_1075 = arith.select %eq3A_1074, %add3A_772, %select_n3A_1071 : vector<16xi1>, vector<16xf32>
    %eq3A_1076 = arith.constant 12 : i32
    %eq3A_1077 = vector.broadcast %eq3A_1076 : i32 to vector<16xi32>
    %eq3A_1078 = arith.cmpi eq, %iota3A, %eq3A_1077 : vector<16xi32>
    %select_n3A_1079 = arith.select %eq3A_1078, %add3A_820, %select_n3A_1075 : vector<16xi1>, vector<16xf32>
    %eq3A_1080 = arith.constant 13 : i32
    %eq3A_1081 = vector.broadcast %eq3A_1080 : i32 to vector<16xi32>
    %eq3A_1082 = arith.cmpi eq, %iota3A, %eq3A_1081 : vector<16xi32>
    %select_n3A_1083 = arith.select %eq3A_1082, %add3A_868, %select_n3A_1079 : vector<16xi1>, vector<16xf32>
    %eq3A_1084 = arith.constant 14 : i32
    %eq3A_1085 = vector.broadcast %eq3A_1084 : i32 to vector<16xi32>
    %eq3A_1086 = arith.cmpi eq, %iota3A, %eq3A_1085 : vector<16xi32>
    %select_n3A_1087 = arith.select %eq3A_1086, %add3A_916, %select_n3A_1083 : vector<16xi1>, vector<16xf32>
    %eq3A_1088 = arith.constant 15 : i32
    %eq3A_1089 = vector.broadcast %eq3A_1088 : i32 to vector<16xi32>
    %eq3A_1090 = arith.cmpi eq, %iota3A, %eq3A_1089 : vector<16xi32>
    %select_n3A_1091 = arith.select %eq3A_1090, %add3A_964, %select_n3A_1087 : vector<16xi1>, vector<16xf32>
    %mul3A_1092 = arith.constant 1.42857146 : f32
    %mul3A_1093 = vector.broadcast %mul3A_1092 : f32 to vector<16xf32>
    %mul3A_1094 = arith.mulf %select_n3A_1091, %mul3A_1093 : vector<16xf32>
    %swap3A_1095 = arith.constant 48 : index
    %swap3A_1096 = tpu.vector_load %arg7[%swap3A_1095] {strides = array<i32>} : memref<64xf32, #tpu.memory_space<vmem>>, vector<16xf32>,
    %swap3A_1097 = vector.shape_cast %swap3A_1096 : vector<16xf32> to vector<16xf32>
    %swap3A_1098 = vector.shape_cast %mul3A_1094 : vector<16xf32> to vector<16xf32>
    tpu.vector_store %arg7[%swap3A_1095], %swap3A_1098 {strides = array<i32>} : memref<64xf32, #tpu.memory_space<vmem>>, vector<16xf32>,
    %mul3A_1099 = arith.constant 8 : i32
    %mul3A_1100 = arith.muli %add3A, %mul3A_1099 : i32
    %mul3A_1101 = arith.constant 8 : i32
    %mul3A_1102 = arith.muli %mul3A_1100, %mul3A_1101 : i32
    "tpu.region"() ({
      %run_scoped3A = tpu.sem_alloc : memref<!tpu.dma_semaphore, #tpu.memory_space<semaphore_mem>>
      %dma_start3A_1103 = tpu.memref_slice %arg4[%mul3A_1102] : memref<2048xf32, #tpu.memory_space<hbm>> -> memref<64xf32, #tpu.memory_space<hbm>>
      %dma_start3A_1104 = tpu.memref_slice %arg4[%mul3A_1102] : memref<2048xf32, #tpu.memory_space<hbm>> -> memref<64xf32, #tpu.memory_space<hbm>>
      tpu.enqueue_dma source(%arg7 : memref<64xf32, #tpu.memory_space<vmem>>) target(%dma_start3A_1104 : memref<64xf32, #tpu.memory_space<hbm>>) target_semaphore(%run_scoped3A : memref<!tpu.dma_semaphore, #tpu.memory_space<semaphore_mem>>)
      %dma_wait3A_1105 = tpu.memref_slice %arg4[%mul3A_1102] : memref<2048xf32, #tpu.memory_space<hbm>> -> memref<64xf32, #tpu.memory_space<hbm>>
      %dma_wait3A_1106 = tpu.memref_slice %arg4[%mul3A_1102] : memref<2048xf32, #tpu.memory_space<hbm>> -> memref<64xf32, #tpu.memory_space<hbm>>
      tpu.wait_dma2 semaphore(%run_scoped3A : memref<!tpu.dma_semaphore, #tpu.memory_space<semaphore_mem>>) src(%arg7 : memref<64xf32, #tpu.memory_space<vmem>>) dst(%dma_wait3A_1106 : memref<64xf32, #tpu.memory_space<hbm>>)
      tpu.yield
    }) : () -> ()
    return
  }
}

module attributes {stable_mosaic.version = 14 : i64} {
  func.func @body(%arg0: memref<8192x2048xf32, #tpu.memory_space<any>>, %arg1: memref<8x2048xf32, #tpu.memory_space<vmem>>, %arg2: memref<8x7936xf32, #tpu.memory_space<vmem>>, %arg3: memref<4x256x2048xf32, #tpu.memory_space<vmem>>, %arg4: memref<4x!tpu.dma_semaphore, #tpu.memory_space<semaphore_mem>>) attributes {dimension_semantics = [], scalar_prefetch = 0 : i64, scratch_operands = 2 : i64, tpu.core_type = #tpu.core_type<tc>} {
    %dma_start3A = arith.constant 0 : i32
    %dma_start3A_0 = arith.constant 0 : i32
    %dma_start3A_1 = tpu.memref_slice %arg4[%dma_start3A_0] : memref<4x!tpu.dma_semaphore, #tpu.memory_space<semaphore_mem>> -> memref<1x!tpu.dma_semaphore, #tpu.memory_space<semaphore_mem>>
    %dma_start3A_2 = tpu.memref_squeeze %dma_start3A_1 : memref<1x!tpu.dma_semaphore, #tpu.memory_space<semaphore_mem>> -> memref<!tpu.dma_semaphore, #tpu.memory_space<semaphore_mem>>
    %dma_start3A_3 = arith.constant 0 : i32
    %dma_start3A_4 = arith.constant 0 : i32
    %dma_start3A_5 = tpu.memref_slice %arg3[%dma_start3A, %dma_start3A_3, %dma_start3A_4] : memref<4x256x2048xf32, #tpu.memory_space<vmem>> -> memref<1x256x2048xf32, #tpu.memory_space<vmem>>
    %dma_start3A_6 = tpu.memref_squeeze %dma_start3A_5 : memref<1x256x2048xf32, #tpu.memory_space<vmem>> -> memref<256x2048xf32, #tpu.memory_space<vmem>>
    %dma_start3A_7 = arith.constant 0 : i32
    %dma_start3A_8 = arith.constant 0 : i32
    %dma_start3A_9 = tpu.memref_slice %arg0[%dma_start3A_7, %dma_start3A_8] : memref<8192x2048xf32, #tpu.memory_space<any>> -> memref<256x2048xf32, #tpu.memory_space<any>>
    tpu.enqueue_dma source(%dma_start3A_9 : memref<256x2048xf32, #tpu.memory_space<any>>) target(%dma_start3A_6 : memref<256x2048xf32, #tpu.memory_space<vmem>>) target_semaphore(%dma_start3A_2 : memref<!tpu.dma_semaphore, #tpu.memory_space<semaphore_mem>>)
    %dma_start3A_10 = arith.constant 1 : i32
    %dma_start3A_11 = arith.constant 1 : i32
    %dma_start3A_12 = tpu.memref_slice %arg4[%dma_start3A_11] : memref<4x!tpu.dma_semaphore, #tpu.memory_space<semaphore_mem>> -> memref<1x!tpu.dma_semaphore, #tpu.memory_space<semaphore_mem>>
    %dma_start3A_13 = tpu.memref_squeeze %dma_start3A_12 : memref<1x!tpu.dma_semaphore, #tpu.memory_space<semaphore_mem>> -> memref<!tpu.dma_semaphore, #tpu.memory_space<semaphore_mem>>
    %dma_start3A_14 = arith.constant 0 : i32
    %dma_start3A_15 = arith.constant 0 : i32
    %dma_start3A_16 = tpu.memref_slice %arg3[%dma_start3A_10, %dma_start3A_14, %dma_start3A_15] : memref<4x256x2048xf32, #tpu.memory_space<vmem>> -> memref<1x256x2048xf32, #tpu.memory_space<vmem>>
    %dma_start3A_17 = tpu.memref_squeeze %dma_start3A_16 : memref<1x256x2048xf32, #tpu.memory_space<vmem>> -> memref<256x2048xf32, #tpu.memory_space<vmem>>
    %dma_start3A_18 = arith.constant 256 : i32
    %dma_start3A_19 = arith.constant 0 : i32
    %dma_start3A_20 = tpu.memref_slice %arg0[%dma_start3A_18, %dma_start3A_19] : memref<8192x2048xf32, #tpu.memory_space<any>> -> memref<256x2048xf32, #tpu.memory_space<any>>
    tpu.enqueue_dma source(%dma_start3A_20 : memref<256x2048xf32, #tpu.memory_space<any>>) target(%dma_start3A_17 : memref<256x2048xf32, #tpu.memory_space<vmem>>) target_semaphore(%dma_start3A_13 : memref<!tpu.dma_semaphore, #tpu.memory_space<semaphore_mem>>)
    %dma_start3A_21 = arith.constant 2 : i32
    %dma_start3A_22 = arith.constant 2 : i32
    %dma_start3A_23 = tpu.memref_slice %arg4[%dma_start3A_22] : memref<4x!tpu.dma_semaphore, #tpu.memory_space<semaphore_mem>> -> memref<1x!tpu.dma_semaphore, #tpu.memory_space<semaphore_mem>>
    %dma_start3A_24 = tpu.memref_squeeze %dma_start3A_23 : memref<1x!tpu.dma_semaphore, #tpu.memory_space<semaphore_mem>> -> memref<!tpu.dma_semaphore, #tpu.memory_space<semaphore_mem>>
    %dma_start3A_25 = arith.constant 0 : i32
    %dma_start3A_26 = arith.constant 0 : i32
    %dma_start3A_27 = tpu.memref_slice %arg3[%dma_start3A_21, %dma_start3A_25, %dma_start3A_26] : memref<4x256x2048xf32, #tpu.memory_space<vmem>> -> memref<1x256x2048xf32, #tpu.memory_space<vmem>>
    %dma_start3A_28 = tpu.memref_squeeze %dma_start3A_27 : memref<1x256x2048xf32, #tpu.memory_space<vmem>> -> memref<256x2048xf32, #tpu.memory_space<vmem>>
    %dma_start3A_29 = arith.constant 512 : i32
    %dma_start3A_30 = arith.constant 0 : i32
    %dma_start3A_31 = tpu.memref_slice %arg0[%dma_start3A_29, %dma_start3A_30] : memref<8192x2048xf32, #tpu.memory_space<any>> -> memref<256x2048xf32, #tpu.memory_space<any>>
    tpu.enqueue_dma source(%dma_start3A_31 : memref<256x2048xf32, #tpu.memory_space<any>>) target(%dma_start3A_28 : memref<256x2048xf32, #tpu.memory_space<vmem>>) target_semaphore(%dma_start3A_24 : memref<!tpu.dma_semaphore, #tpu.memory_space<semaphore_mem>>)
    %dma_start3A_32 = arith.constant 3 : i32
    %dma_start3A_33 = arith.constant 3 : i32
    %dma_start3A_34 = tpu.memref_slice %arg4[%dma_start3A_33] : memref<4x!tpu.dma_semaphore, #tpu.memory_space<semaphore_mem>> -> memref<1x!tpu.dma_semaphore, #tpu.memory_space<semaphore_mem>>
    %dma_start3A_35 = tpu.memref_squeeze %dma_start3A_34 : memref<1x!tpu.dma_semaphore, #tpu.memory_space<semaphore_mem>> -> memref<!tpu.dma_semaphore, #tpu.memory_space<semaphore_mem>>
    %dma_start3A_36 = arith.constant 0 : i32
    %dma_start3A_37 = arith.constant 0 : i32
    %dma_start3A_38 = tpu.memref_slice %arg3[%dma_start3A_32, %dma_start3A_36, %dma_start3A_37] : memref<4x256x2048xf32, #tpu.memory_space<vmem>> -> memref<1x256x2048xf32, #tpu.memory_space<vmem>>
    %dma_start3A_39 = tpu.memref_squeeze %dma_start3A_38 : memref<1x256x2048xf32, #tpu.memory_space<vmem>> -> memref<256x2048xf32, #tpu.memory_space<vmem>>
    %dma_start3A_40 = arith.constant 768 : i32
    %dma_start3A_41 = arith.constant 0 : i32
    %dma_start3A_42 = tpu.memref_slice %arg0[%dma_start3A_40, %dma_start3A_41] : memref<8192x2048xf32, #tpu.memory_space<any>> -> memref<256x2048xf32, #tpu.memory_space<any>>
    tpu.enqueue_dma source(%dma_start3A_42 : memref<256x2048xf32, #tpu.memory_space<any>>) target(%dma_start3A_39 : memref<256x2048xf32, #tpu.memory_space<vmem>>) target_semaphore(%dma_start3A_35 : memref<!tpu.dma_semaphore, #tpu.memory_space<semaphore_mem>>)
    %get3A = arith.constant 0 : index
    %get3A_43 = arith.constant 0 : index
    %get3A_44 = vector.load %arg1[%get3A, %get3A_43] : memref<8x2048xf32, #tpu.memory_space<vmem>>, vector<8x2048xf32>
    %scan3A = arith.constant 0 : i32
    %scan3A_45 = arith.constant 7 : i32
    %scan3A_46 = arith.addi %scan3A, %scan3A_45 : i32
    %scan3A_47 = arith.constant 1 : i32
    scf.for %scan3A_117 = %scan3A to %scan3A_46 step %scan3A_47  : i32 {
      %mul3A_118 = arith.constant 4 : i32
      %mul3A_119 = arith.muli %scan3A_117, %mul3A_118 : i32
      %add3A = arith.constant 0 : i32
      %add3A_120 = arith.addi %mul3A_119, %add3A : i32
      %dma_wait3A_121 = arith.constant 0 : i32
      %dma_wait3A_122 = arith.constant 0 : i32
      %dma_wait3A_123 = tpu.memref_slice %arg4[%dma_wait3A_122] : memref<4x!tpu.dma_semaphore, #tpu.memory_space<semaphore_mem>> -> memref<1x!tpu.dma_semaphore, #tpu.memory_space<semaphore_mem>>
      %dma_wait3A_124 = tpu.memref_squeeze %dma_wait3A_123 : memref<1x!tpu.dma_semaphore, #tpu.memory_space<semaphore_mem>> -> memref<!tpu.dma_semaphore, #tpu.memory_space<semaphore_mem>>
      %dma_wait3A_125 = arith.constant 0 : i32
      %dma_wait3A_126 = arith.constant 0 : i32
      %dma_wait3A_127 = tpu.memref_slice %arg3[%dma_wait3A_121, %dma_wait3A_125, %dma_wait3A_126] : memref<4x256x2048xf32, #tpu.memory_space<vmem>> -> memref<1x256x2048xf32, #tpu.memory_space<vmem>>
      %dma_wait3A_128 = tpu.memref_squeeze %dma_wait3A_127 : memref<1x256x2048xf32, #tpu.memory_space<vmem>> -> memref<256x2048xf32, #tpu.memory_space<vmem>>
      %dma_wait3A_129 = arith.constant 0 : i32
      %dma_wait3A_130 = arith.constant 0 : i32
      %dma_wait3A_131 = tpu.memref_slice %arg0[%dma_wait3A_129, %dma_wait3A_130] : memref<8192x2048xf32, #tpu.memory_space<any>> -> memref<256x2048xf32, #tpu.memory_space<any>>
      tpu.wait_dma2 semaphore(%dma_wait3A_124 : memref<!tpu.dma_semaphore, #tpu.memory_space<semaphore_mem>>) src(%dma_wait3A_131 : memref<256x2048xf32, #tpu.memory_space<any>>) dst(%dma_wait3A_128 : memref<256x2048xf32, #tpu.memory_space<vmem>>)
      %get3A_132 = arith.constant 0 : index
      %get3A_133 = arith.constant 0 : index
      %get3A_134 = arith.constant 0 : index
      %get3A_135 = vector.load %arg3[%get3A_132, %get3A_133, %get3A_134] : memref<4x256x2048xf32, #tpu.memory_space<vmem>>, vector<1x256x2048xf32>
      %get3A_136 = vector.shape_cast %get3A_135 : vector<1x256x2048xf32> to vector<256x2048xf32>
      %dot_general3A_137 = arith.constant dense<0.000000e+00> : vector<8x256xf32>
      %dot_general3A_138 = tpu.matmul %get3A_44, %get3A_136, %dot_general3A_137 {dimension_numbers = #tpu.dot_dimension_numbers<[1], [1], [0], [0], [0, 0, 1, 0], [], []>, transpose_lhs_hint = false} : vector<8x2048xf32>, vector<256x2048xf32>, vector<8x256xf32> -> vector<8x256xf32>
      %mul3A_139 = arith.constant 1.42857146 : f32
      %mul3A_140 = vector.broadcast %mul3A_139 : f32 to vector<8x256xf32>
      %mul3A_141 = arith.mulf %dot_general3A_138, %mul3A_140 : vector<8x256xf32>
      %mul3A_142 = arith.constant 256 : i32
      %mul3A_143 = arith.muli %add3A_120, %mul3A_142 : i32
      %swap3A_144 = arith.constant 0 : index
      %swap3A_145 = arith.index_cast %mul3A_143 : i32 to index
      %swap3A_146 = vector.load %arg2[%swap3A_144, %swap3A_145] : memref<8x7936xf32, #tpu.memory_space<vmem>>, vector<8x256xf32>
      tpu.vector_store %arg2[%swap3A_144, %swap3A_145], %mul3A_141 {strides = array<i32>} : memref<8x7936xf32, #tpu.memory_space<vmem>>, vector<8x256xf32>,
      %add3A_147 = arith.constant 4 : i32
      %add3A_148 = arith.addi %add3A_120, %add3A_147 : i32
      %lt3A = arith.constant 31 : i32
      %lt3A_149 = arith.cmpi slt, %add3A_148, %lt3A : i32
      %convert_element_type3A = arith.extui %lt3A_149 : i1 to i32
      %cond3A = arith.constant 0 : i32
      %cond3A_150 = arith.cmpi ne, %convert_element_type3A, %cond3A : i32
      scf.if %cond3A_150 {
        %add3A_262 = arith.constant 4 : i32
        %add3A_263 = arith.addi %add3A_120, %add3A_262 : i32
        %mul3A_264 = arith.constant 256 : i32
        %mul3A_265 = arith.muli %add3A_263, %mul3A_264 : i32
        %add3A_266 = arith.constant 0 : i32
        %add3A_267 = arith.addi %add3A_266, %mul3A_265 : i32
        %dma_start3A_268 = arith.constant 0 : i32
        %dma_start3A_269 = arith.constant 0 : i32
        %dma_start3A_270 = tpu.memref_slice %arg4[%dma_start3A_269] : memref<4x!tpu.dma_semaphore, #tpu.memory_space<semaphore_mem>> -> memref<1x!tpu.dma_semaphore, #tpu.memory_space<semaphore_mem>>
        %dma_start3A_271 = tpu.memref_squeeze %dma_start3A_270 : memref<1x!tpu.dma_semaphore, #tpu.memory_space<semaphore_mem>> -> memref<!tpu.dma_semaphore, #tpu.memory_space<semaphore_mem>>
        %dma_start3A_272 = arith.constant 0 : i32
        %dma_start3A_273 = arith.constant 0 : i32
        %dma_start3A_274 = tpu.memref_slice %arg3[%dma_start3A_268, %dma_start3A_272, %dma_start3A_273] : memref<4x256x2048xf32, #tpu.memory_space<vmem>> -> memref<1x256x2048xf32, #tpu.memory_space<vmem>>
        %dma_start3A_275 = tpu.memref_squeeze %dma_start3A_274 : memref<1x256x2048xf32, #tpu.memory_space<vmem>> -> memref<256x2048xf32, #tpu.memory_space<vmem>>
        %dma_start3A_276 = arith.constant 0 : i32
        %dma_start3A_277 = tpu.memref_slice %arg0[%add3A_267, %dma_start3A_276] : memref<8192x2048xf32, #tpu.memory_space<any>> -> memref<256x2048xf32, #tpu.memory_space<any>>
        tpu.enqueue_dma source(%dma_start3A_277 : memref<256x2048xf32, #tpu.memory_space<any>>) target(%dma_start3A_275 : memref<256x2048xf32, #tpu.memory_space<vmem>>) target_semaphore(%dma_start3A_271 : memref<!tpu.dma_semaphore, #tpu.memory_space<semaphore_mem>>)
      } else {
      }
      %mul3A_151 = arith.constant 4 : i32
      %mul3A_152 = arith.muli %scan3A_117, %mul3A_151 : i32
      %add3A_153 = arith.constant 1 : i32
      %add3A_154 = arith.addi %mul3A_152, %add3A_153 : i32
      %dma_wait3A_155 = arith.constant 1 : i32
      %dma_wait3A_156 = arith.constant 1 : i32
      %dma_wait3A_157 = tpu.memref_slice %arg4[%dma_wait3A_156] : memref<4x!tpu.dma_semaphore, #tpu.memory_space<semaphore_mem>> -> memref<1x!tpu.dma_semaphore, #tpu.memory_space<semaphore_mem>>
      %dma_wait3A_158 = tpu.memref_squeeze %dma_wait3A_157 : memref<1x!tpu.dma_semaphore, #tpu.memory_space<semaphore_mem>> -> memref<!tpu.dma_semaphore, #tpu.memory_space<semaphore_mem>>
      %dma_wait3A_159 = arith.constant 0 : i32
      %dma_wait3A_160 = arith.constant 0 : i32
      %dma_wait3A_161 = tpu.memref_slice %arg3[%dma_wait3A_155, %dma_wait3A_159, %dma_wait3A_160] : memref<4x256x2048xf32, #tpu.memory_space<vmem>> -> memref<1x256x2048xf32, #tpu.memory_space<vmem>>
      %dma_wait3A_162 = tpu.memref_squeeze %dma_wait3A_161 : memref<1x256x2048xf32, #tpu.memory_space<vmem>> -> memref<256x2048xf32, #tpu.memory_space<vmem>>
      %dma_wait3A_163 = arith.constant 0 : i32
      %dma_wait3A_164 = arith.constant 0 : i32
      %dma_wait3A_165 = tpu.memref_slice %arg0[%dma_wait3A_163, %dma_wait3A_164] : memref<8192x2048xf32, #tpu.memory_space<any>> -> memref<256x2048xf32, #tpu.memory_space<any>>
      tpu.wait_dma2 semaphore(%dma_wait3A_158 : memref<!tpu.dma_semaphore, #tpu.memory_space<semaphore_mem>>) src(%dma_wait3A_165 : memref<256x2048xf32, #tpu.memory_space<any>>) dst(%dma_wait3A_162 : memref<256x2048xf32, #tpu.memory_space<vmem>>)
      %get3A_166 = arith.constant 1 : index
      %get3A_167 = arith.constant 0 : index
      %get3A_168 = arith.constant 0 : index
      %get3A_169 = vector.load %arg3[%get3A_166, %get3A_167, %get3A_168] : memref<4x256x2048xf32, #tpu.memory_space<vmem>>, vector<1x256x2048xf32>
      %get3A_170 = vector.shape_cast %get3A_169 : vector<1x256x2048xf32> to vector<256x2048xf32>
      %dot_general3A_171 = arith.constant dense<0.000000e+00> : vector<8x256xf32>
      %dot_general3A_172 = tpu.matmul %get3A_44, %get3A_170, %dot_general3A_171 {dimension_numbers = #tpu.dot_dimension_numbers<[1], [1], [0], [0], [0, 0, 1, 0], [], []>, transpose_lhs_hint = false} : vector<8x2048xf32>, vector<256x2048xf32>, vector<8x256xf32> -> vector<8x256xf32>
      %mul3A_173 = arith.constant 1.42857146 : f32
      %mul3A_174 = vector.broadcast %mul3A_173 : f32 to vector<8x256xf32>
      %mul3A_175 = arith.mulf %dot_general3A_172, %mul3A_174 : vector<8x256xf32>
      %mul3A_176 = arith.constant 256 : i32
      %mul3A_177 = arith.muli %add3A_154, %mul3A_176 : i32
      %swap3A_178 = arith.constant 0 : index
      %swap3A_179 = arith.index_cast %mul3A_177 : i32 to index
      %swap3A_180 = vector.load %arg2[%swap3A_178, %swap3A_179] : memref<8x7936xf32, #tpu.memory_space<vmem>>, vector<8x256xf32>
      tpu.vector_store %arg2[%swap3A_178, %swap3A_179], %mul3A_175 {strides = array<i32>} : memref<8x7936xf32, #tpu.memory_space<vmem>>, vector<8x256xf32>,
      %add3A_181 = arith.constant 4 : i32
      %add3A_182 = arith.addi %add3A_154, %add3A_181 : i32
      %lt3A_183 = arith.constant 31 : i32
      %lt3A_184 = arith.cmpi slt, %add3A_182, %lt3A_183 : i32
      %convert_element_type3A_185 = arith.extui %lt3A_184 : i1 to i32
      %cond3A_186 = arith.constant 0 : i32
      %cond3A_187 = arith.cmpi ne, %convert_element_type3A_185, %cond3A_186 : i32
      scf.if %cond3A_187 {
        %add3A_262 = arith.constant 4 : i32
        %add3A_263 = arith.addi %add3A_154, %add3A_262 : i32
        %mul3A_264 = arith.constant 256 : i32
        %mul3A_265 = arith.muli %add3A_263, %mul3A_264 : i32
        %add3A_266 = arith.constant 0 : i32
        %add3A_267 = arith.addi %add3A_266, %mul3A_265 : i32
        %dma_start3A_268 = arith.constant 1 : i32
        %dma_start3A_269 = arith.constant 1 : i32
        %dma_start3A_270 = tpu.memref_slice %arg4[%dma_start3A_269] : memref<4x!tpu.dma_semaphore, #tpu.memory_space<semaphore_mem>> -> memref<1x!tpu.dma_semaphore, #tpu.memory_space<semaphore_mem>>
        %dma_start3A_271 = tpu.memref_squeeze %dma_start3A_270 : memref<1x!tpu.dma_semaphore, #tpu.memory_space<semaphore_mem>> -> memref<!tpu.dma_semaphore, #tpu.memory_space<semaphore_mem>>
        %dma_start3A_272 = arith.constant 0 : i32
        %dma_start3A_273 = arith.constant 0 : i32
        %dma_start3A_274 = tpu.memref_slice %arg3[%dma_start3A_268, %dma_start3A_272, %dma_start3A_273] : memref<4x256x2048xf32, #tpu.memory_space<vmem>> -> memref<1x256x2048xf32, #tpu.memory_space<vmem>>
        %dma_start3A_275 = tpu.memref_squeeze %dma_start3A_274 : memref<1x256x2048xf32, #tpu.memory_space<vmem>> -> memref<256x2048xf32, #tpu.memory_space<vmem>>
        %dma_start3A_276 = arith.constant 0 : i32
        %dma_start3A_277 = tpu.memref_slice %arg0[%add3A_267, %dma_start3A_276] : memref<8192x2048xf32, #tpu.memory_space<any>> -> memref<256x2048xf32, #tpu.memory_space<any>>
        tpu.enqueue_dma source(%dma_start3A_277 : memref<256x2048xf32, #tpu.memory_space<any>>) target(%dma_start3A_275 : memref<256x2048xf32, #tpu.memory_space<vmem>>) target_semaphore(%dma_start3A_271 : memref<!tpu.dma_semaphore, #tpu.memory_space<semaphore_mem>>)
      } else {
      }
      %mul3A_188 = arith.constant 4 : i32
      %mul3A_189 = arith.muli %scan3A_117, %mul3A_188 : i32
      %add3A_190 = arith.constant 2 : i32
      %add3A_191 = arith.addi %mul3A_189, %add3A_190 : i32
      %dma_wait3A_192 = arith.constant 2 : i32
      %dma_wait3A_193 = arith.constant 2 : i32
      %dma_wait3A_194 = tpu.memref_slice %arg4[%dma_wait3A_193] : memref<4x!tpu.dma_semaphore, #tpu.memory_space<semaphore_mem>> -> memref<1x!tpu.dma_semaphore, #tpu.memory_space<semaphore_mem>>
      %dma_wait3A_195 = tpu.memref_squeeze %dma_wait3A_194 : memref<1x!tpu.dma_semaphore, #tpu.memory_space<semaphore_mem>> -> memref<!tpu.dma_semaphore, #tpu.memory_space<semaphore_mem>>
      %dma_wait3A_196 = arith.constant 0 : i32
      %dma_wait3A_197 = arith.constant 0 : i32
      %dma_wait3A_198 = tpu.memref_slice %arg3[%dma_wait3A_192, %dma_wait3A_196, %dma_wait3A_197] : memref<4x256x2048xf32, #tpu.memory_space<vmem>> -> memref<1x256x2048xf32, #tpu.memory_space<vmem>>
      %dma_wait3A_199 = tpu.memref_squeeze %dma_wait3A_198 : memref<1x256x2048xf32, #tpu.memory_space<vmem>> -> memref<256x2048xf32, #tpu.memory_space<vmem>>
      %dma_wait3A_200 = arith.constant 0 : i32
      %dma_wait3A_201 = arith.constant 0 : i32
      %dma_wait3A_202 = tpu.memref_slice %arg0[%dma_wait3A_200, %dma_wait3A_201] : memref<8192x2048xf32, #tpu.memory_space<any>> -> memref<256x2048xf32, #tpu.memory_space<any>>
      tpu.wait_dma2 semaphore(%dma_wait3A_195 : memref<!tpu.dma_semaphore, #tpu.memory_space<semaphore_mem>>) src(%dma_wait3A_202 : memref<256x2048xf32, #tpu.memory_space<any>>) dst(%dma_wait3A_199 : memref<256x2048xf32, #tpu.memory_space<vmem>>)
      %get3A_203 = arith.constant 2 : index
      %get3A_204 = arith.constant 0 : index
      %get3A_205 = arith.constant 0 : index
      %get3A_206 = vector.load %arg3[%get3A_203, %get3A_204, %get3A_205] : memref<4x256x2048xf32, #tpu.memory_space<vmem>>, vector<1x256x2048xf32>
      %get3A_207 = vector.shape_cast %get3A_206 : vector<1x256x2048xf32> to vector<256x2048xf32>
      %dot_general3A_208 = arith.constant dense<0.000000e+00> : vector<8x256xf32>
      %dot_general3A_209 = tpu.matmul %get3A_44, %get3A_207, %dot_general3A_208 {dimension_numbers = #tpu.dot_dimension_numbers<[1], [1], [0], [0], [0, 0, 1, 0], [], []>, transpose_lhs_hint = false} : vector<8x2048xf32>, vector<256x2048xf32>, vector<8x256xf32> -> vector<8x256xf32>
      %mul3A_210 = arith.constant 1.42857146 : f32
      %mul3A_211 = vector.broadcast %mul3A_210 : f32 to vector<8x256xf32>
      %mul3A_212 = arith.mulf %dot_general3A_209, %mul3A_211 : vector<8x256xf32>
      %mul3A_213 = arith.constant 256 : i32
      %mul3A_214 = arith.muli %add3A_191, %mul3A_213 : i32
      %swap3A_215 = arith.constant 0 : index
      %swap3A_216 = arith.index_cast %mul3A_214 : i32 to index
      %swap3A_217 = vector.load %arg2[%swap3A_215, %swap3A_216] : memref<8x7936xf32, #tpu.memory_space<vmem>>, vector<8x256xf32>
      tpu.vector_store %arg2[%swap3A_215, %swap3A_216], %mul3A_212 {strides = array<i32>} : memref<8x7936xf32, #tpu.memory_space<vmem>>, vector<8x256xf32>,
      %add3A_218 = arith.constant 4 : i32
      %add3A_219 = arith.addi %add3A_191, %add3A_218 : i32
      %lt3A_220 = arith.constant 31 : i32
      %lt3A_221 = arith.cmpi slt, %add3A_219, %lt3A_220 : i32
      %convert_element_type3A_222 = arith.extui %lt3A_221 : i1 to i32
      %cond3A_223 = arith.constant 0 : i32
      %cond3A_224 = arith.cmpi ne, %convert_element_type3A_222, %cond3A_223 : i32
      scf.if %cond3A_224 {
        %add3A_262 = arith.constant 4 : i32
        %add3A_263 = arith.addi %add3A_191, %add3A_262 : i32
        %mul3A_264 = arith.constant 256 : i32
        %mul3A_265 = arith.muli %add3A_263, %mul3A_264 : i32
        %add3A_266 = arith.constant 0 : i32
        %add3A_267 = arith.addi %add3A_266, %mul3A_265 : i32
        %dma_start3A_268 = arith.constant 2 : i32
        %dma_start3A_269 = arith.constant 2 : i32
        %dma_start3A_270 = tpu.memref_slice %arg4[%dma_start3A_269] : memref<4x!tpu.dma_semaphore, #tpu.memory_space<semaphore_mem>> -> memref<1x!tpu.dma_semaphore, #tpu.memory_space<semaphore_mem>>
        %dma_start3A_271 = tpu.memref_squeeze %dma_start3A_270 : memref<1x!tpu.dma_semaphore, #tpu.memory_space<semaphore_mem>> -> memref<!tpu.dma_semaphore, #tpu.memory_space<semaphore_mem>>
        %dma_start3A_272 = arith.constant 0 : i32
        %dma_start3A_273 = arith.constant 0 : i32
        %dma_start3A_274 = tpu.memref_slice %arg3[%dma_start3A_268, %dma_start3A_272, %dma_start3A_273] : memref<4x256x2048xf32, #tpu.memory_space<vmem>> -> memref<1x256x2048xf32, #tpu.memory_space<vmem>>
        %dma_start3A_275 = tpu.memref_squeeze %dma_start3A_274 : memref<1x256x2048xf32, #tpu.memory_space<vmem>> -> memref<256x2048xf32, #tpu.memory_space<vmem>>
        %dma_start3A_276 = arith.constant 0 : i32
        %dma_start3A_277 = tpu.memref_slice %arg0[%add3A_267, %dma_start3A_276] : memref<8192x2048xf32, #tpu.memory_space<any>> -> memref<256x2048xf32, #tpu.memory_space<any>>
        tpu.enqueue_dma source(%dma_start3A_277 : memref<256x2048xf32, #tpu.memory_space<any>>) target(%dma_start3A_275 : memref<256x2048xf32, #tpu.memory_space<vmem>>) target_semaphore(%dma_start3A_271 : memref<!tpu.dma_semaphore, #tpu.memory_space<semaphore_mem>>)
      } else {
      }
      %mul3A_225 = arith.constant 4 : i32
      %mul3A_226 = arith.muli %scan3A_117, %mul3A_225 : i32
      %add3A_227 = arith.constant 3 : i32
      %add3A_228 = arith.addi %mul3A_226, %add3A_227 : i32
      %dma_wait3A_229 = arith.constant 3 : i32
      %dma_wait3A_230 = arith.constant 3 : i32
      %dma_wait3A_231 = tpu.memref_slice %arg4[%dma_wait3A_230] : memref<4x!tpu.dma_semaphore, #tpu.memory_space<semaphore_mem>> -> memref<1x!tpu.dma_semaphore, #tpu.memory_space<semaphore_mem>>
      %dma_wait3A_232 = tpu.memref_squeeze %dma_wait3A_231 : memref<1x!tpu.dma_semaphore, #tpu.memory_space<semaphore_mem>> -> memref<!tpu.dma_semaphore, #tpu.memory_space<semaphore_mem>>
      %dma_wait3A_233 = arith.constant 0 : i32
      %dma_wait3A_234 = arith.constant 0 : i32
      %dma_wait3A_235 = tpu.memref_slice %arg3[%dma_wait3A_229, %dma_wait3A_233, %dma_wait3A_234] : memref<4x256x2048xf32, #tpu.memory_space<vmem>> -> memref<1x256x2048xf32, #tpu.memory_space<vmem>>
      %dma_wait3A_236 = tpu.memref_squeeze %dma_wait3A_235 : memref<1x256x2048xf32, #tpu.memory_space<vmem>> -> memref<256x2048xf32, #tpu.memory_space<vmem>>
      %dma_wait3A_237 = arith.constant 0 : i32
      %dma_wait3A_238 = arith.constant 0 : i32
      %dma_wait3A_239 = tpu.memref_slice %arg0[%dma_wait3A_237, %dma_wait3A_238] : memref<8192x2048xf32, #tpu.memory_space<any>> -> memref<256x2048xf32, #tpu.memory_space<any>>
      tpu.wait_dma2 semaphore(%dma_wait3A_232 : memref<!tpu.dma_semaphore, #tpu.memory_space<semaphore_mem>>) src(%dma_wait3A_239 : memref<256x2048xf32, #tpu.memory_space<any>>) dst(%dma_wait3A_236 : memref<256x2048xf32, #tpu.memory_space<vmem>>)
      %get3A_240 = arith.constant 3 : index
      %get3A_241 = arith.constant 0 : index
      %get3A_242 = arith.constant 0 : index
      %get3A_243 = vector.load %arg3[%get3A_240, %get3A_241, %get3A_242] : memref<4x256x2048xf32, #tpu.memory_space<vmem>>, vector<1x256x2048xf32>
      %get3A_244 = vector.shape_cast %get3A_243 : vector<1x256x2048xf32> to vector<256x2048xf32>
      %dot_general3A_245 = arith.constant dense<0.000000e+00> : vector<8x256xf32>
      %dot_general3A_246 = tpu.matmul %get3A_44, %get3A_244, %dot_general3A_245 {dimension_numbers = #tpu.dot_dimension_numbers<[1], [1], [0], [0], [0, 0, 1, 0], [], []>, transpose_lhs_hint = false} : vector<8x2048xf32>, vector<256x2048xf32>, vector<8x256xf32> -> vector<8x256xf32>
      %mul3A_247 = arith.constant 1.42857146 : f32
      %mul3A_248 = vector.broadcast %mul3A_247 : f32 to vector<8x256xf32>
      %mul3A_249 = arith.mulf %dot_general3A_246, %mul3A_248 : vector<8x256xf32>
      %mul3A_250 = arith.constant 256 : i32
      %mul3A_251 = arith.muli %add3A_228, %mul3A_250 : i32
      %swap3A_252 = arith.constant 0 : index
      %swap3A_253 = arith.index_cast %mul3A_251 : i32 to index
      %swap3A_254 = vector.load %arg2[%swap3A_252, %swap3A_253] : memref<8x7936xf32, #tpu.memory_space<vmem>>, vector<8x256xf32>
      tpu.vector_store %arg2[%swap3A_252, %swap3A_253], %mul3A_249 {strides = array<i32>} : memref<8x7936xf32, #tpu.memory_space<vmem>>, vector<8x256xf32>,
      %add3A_255 = arith.constant 4 : i32
      %add3A_256 = arith.addi %add3A_228, %add3A_255 : i32
      %lt3A_257 = arith.constant 31 : i32
      %lt3A_258 = arith.cmpi slt, %add3A_256, %lt3A_257 : i32
      %convert_element_type3A_259 = arith.extui %lt3A_258 : i1 to i32
      %cond3A_260 = arith.constant 0 : i32
      %cond3A_261 = arith.cmpi ne, %convert_element_type3A_259, %cond3A_260 : i32
      scf.if %cond3A_261 {
        %add3A_262 = arith.constant 4 : i32
        %add3A_263 = arith.addi %add3A_228, %add3A_262 : i32
        %mul3A_264 = arith.constant 256 : i32
        %mul3A_265 = arith.muli %add3A_263, %mul3A_264 : i32
        %add3A_266 = arith.constant 0 : i32
        %add3A_267 = arith.addi %add3A_266, %mul3A_265 : i32
        %dma_start3A_268 = arith.constant 3 : i32
        %dma_start3A_269 = arith.constant 3 : i32
        %dma_start3A_270 = tpu.memref_slice %arg4[%dma_start3A_269] : memref<4x!tpu.dma_semaphore, #tpu.memory_space<semaphore_mem>> -> memref<1x!tpu.dma_semaphore, #tpu.memory_space<semaphore_mem>>
        %dma_start3A_271 = tpu.memref_squeeze %dma_start3A_270 : memref<1x!tpu.dma_semaphore, #tpu.memory_space<semaphore_mem>> -> memref<!tpu.dma_semaphore, #tpu.memory_space<semaphore_mem>>
        %dma_start3A_272 = arith.constant 0 : i32
        %dma_start3A_273 = arith.constant 0 : i32
        %dma_start3A_274 = tpu.memref_slice %arg3[%dma_start3A_268, %dma_start3A_272, %dma_start3A_273] : memref<4x256x2048xf32, #tpu.memory_space<vmem>> -> memref<1x256x2048xf32, #tpu.memory_space<vmem>>
        %dma_start3A_275 = tpu.memref_squeeze %dma_start3A_274 : memref<1x256x2048xf32, #tpu.memory_space<vmem>> -> memref<256x2048xf32, #tpu.memory_space<vmem>>
        %dma_start3A_276 = arith.constant 0 : i32
        %dma_start3A_277 = tpu.memref_slice %arg0[%add3A_267, %dma_start3A_276] : memref<8192x2048xf32, #tpu.memory_space<any>> -> memref<256x2048xf32, #tpu.memory_space<any>>
        tpu.enqueue_dma source(%dma_start3A_277 : memref<256x2048xf32, #tpu.memory_space<any>>) target(%dma_start3A_275 : memref<256x2048xf32, #tpu.memory_space<vmem>>) target_semaphore(%dma_start3A_271 : memref<!tpu.dma_semaphore, #tpu.memory_space<semaphore_mem>>)
      } else {
      }
    }
    %scan3A_48 = arith.constant 7 : i32
    %dma_wait3A = arith.constant 0 : i32
    %dma_wait3A_49 = arith.constant 0 : i32
    %dma_wait3A_50 = tpu.memref_slice %arg4[%dma_wait3A_49] : memref<4x!tpu.dma_semaphore, #tpu.memory_space<semaphore_mem>> -> memref<1x!tpu.dma_semaphore, #tpu.memory_space<semaphore_mem>>
    %dma_wait3A_51 = tpu.memref_squeeze %dma_wait3A_50 : memref<1x!tpu.dma_semaphore, #tpu.memory_space<semaphore_mem>> -> memref<!tpu.dma_semaphore, #tpu.memory_space<semaphore_mem>>
    %dma_wait3A_52 = arith.constant 0 : i32
    %dma_wait3A_53 = arith.constant 0 : i32
    %dma_wait3A_54 = tpu.memref_slice %arg3[%dma_wait3A, %dma_wait3A_52, %dma_wait3A_53] : memref<4x256x2048xf32, #tpu.memory_space<vmem>> -> memref<1x256x2048xf32, #tpu.memory_space<vmem>>
    %dma_wait3A_55 = tpu.memref_squeeze %dma_wait3A_54 : memref<1x256x2048xf32, #tpu.memory_space<vmem>> -> memref<256x2048xf32, #tpu.memory_space<vmem>>
    %dma_wait3A_56 = arith.constant 0 : i32
    %dma_wait3A_57 = arith.constant 0 : i32
    %dma_wait3A_58 = tpu.memref_slice %arg0[%dma_wait3A_56, %dma_wait3A_57] : memref<8192x2048xf32, #tpu.memory_space<any>> -> memref<256x2048xf32, #tpu.memory_space<any>>
    tpu.wait_dma2 semaphore(%dma_wait3A_51 : memref<!tpu.dma_semaphore, #tpu.memory_space<semaphore_mem>>) src(%dma_wait3A_58 : memref<256x2048xf32, #tpu.memory_space<any>>) dst(%dma_wait3A_55 : memref<256x2048xf32, #tpu.memory_space<vmem>>)
    %get3A_59 = arith.constant 0 : index
    %get3A_60 = arith.constant 0 : index
    %get3A_61 = arith.constant 0 : index
    %get3A_62 = vector.load %arg3[%get3A_59, %get3A_60, %get3A_61] : memref<4x256x2048xf32, #tpu.memory_space<vmem>>, vector<1x256x2048xf32>
    %get3A_63 = vector.shape_cast %get3A_62 : vector<1x256x2048xf32> to vector<256x2048xf32>
    %dot_general3A = arith.constant dense<0.000000e+00> : vector<8x256xf32>
    %dot_general3A_64 = tpu.matmul %get3A_44, %get3A_63, %dot_general3A {dimension_numbers = #tpu.dot_dimension_numbers<[1], [1], [0], [0], [0, 0, 1, 0], [], []>, transpose_lhs_hint = false} : vector<8x2048xf32>, vector<256x2048xf32>, vector<8x256xf32> -> vector<8x256xf32>
    %mul3A = arith.constant 1.42857146 : f32
    %mul3A_65 = vector.broadcast %mul3A : f32 to vector<8x256xf32>
    %mul3A_66 = arith.mulf %dot_general3A_64, %mul3A_65 : vector<8x256xf32>
    %swap3A = arith.constant 0 : index
    %swap3A_67 = arith.constant 7168 : index
    %swap3A_68 = vector.load %arg2[%swap3A, %swap3A_67] : memref<8x7936xf32, #tpu.memory_space<vmem>>, vector<8x256xf32>
    tpu.vector_store %arg2[%swap3A, %swap3A_67], %mul3A_66 {strides = array<i32>} : memref<8x7936xf32, #tpu.memory_space<vmem>>, vector<8x256xf32>,
    %dma_wait3A_69 = arith.constant 1 : i32
    %dma_wait3A_70 = arith.constant 1 : i32
    %dma_wait3A_71 = tpu.memref_slice %arg4[%dma_wait3A_70] : memref<4x!tpu.dma_semaphore, #tpu.memory_space<semaphore_mem>> -> memref<1x!tpu.dma_semaphore, #tpu.memory_space<semaphore_mem>>
    %dma_wait3A_72 = tpu.memref_squeeze %dma_wait3A_71 : memref<1x!tpu.dma_semaphore, #tpu.memory_space<semaphore_mem>> -> memref<!tpu.dma_semaphore, #tpu.memory_space<semaphore_mem>>
    %dma_wait3A_73 = arith.constant 0 : i32
    %dma_wait3A_74 = arith.constant 0 : i32
    %dma_wait3A_75 = tpu.memref_slice %arg3[%dma_wait3A_69, %dma_wait3A_73, %dma_wait3A_74] : memref<4x256x2048xf32, #tpu.memory_space<vmem>> -> memref<1x256x2048xf32, #tpu.memory_space<vmem>>
    %dma_wait3A_76 = tpu.memref_squeeze %dma_wait3A_75 : memref<1x256x2048xf32, #tpu.memory_space<vmem>> -> memref<256x2048xf32, #tpu.memory_space<vmem>>
    %dma_wait3A_77 = arith.constant 0 : i32
    %dma_wait3A_78 = arith.constant 0 : i32
    %dma_wait3A_79 = tpu.memref_slice %arg0[%dma_wait3A_77, %dma_wait3A_78] : memref<8192x2048xf32, #tpu.memory_space<any>> -> memref<256x2048xf32, #tpu.memory_space<any>>
    tpu.wait_dma2 semaphore(%dma_wait3A_72 : memref<!tpu.dma_semaphore, #tpu.memory_space<semaphore_mem>>) src(%dma_wait3A_79 : memref<256x2048xf32, #tpu.memory_space<any>>) dst(%dma_wait3A_76 : memref<256x2048xf32, #tpu.memory_space<vmem>>)
    %get3A_80 = arith.constant 1 : index
    %get3A_81 = arith.constant 0 : index
    %get3A_82 = arith.constant 0 : index
    %get3A_83 = vector.load %arg3[%get3A_80, %get3A_81, %get3A_82] : memref<4x256x2048xf32, #tpu.memory_space<vmem>>, vector<1x256x2048xf32>
    %get3A_84 = vector.shape_cast %get3A_83 : vector<1x256x2048xf32> to vector<256x2048xf32>
    %dot_general3A_85 = arith.constant dense<0.000000e+00> : vector<8x256xf32>
    %dot_general3A_86 = tpu.matmul %get3A_44, %get3A_84, %dot_general3A_85 {dimension_numbers = #tpu.dot_dimension_numbers<[1], [1], [0], [0], [0, 0, 1, 0], [], []>, transpose_lhs_hint = false} : vector<8x2048xf32>, vector<256x2048xf32>, vector<8x256xf32> -> vector<8x256xf32>
    %mul3A_87 = arith.constant 1.42857146 : f32
    %mul3A_88 = vector.broadcast %mul3A_87 : f32 to vector<8x256xf32>
    %mul3A_89 = arith.mulf %dot_general3A_86, %mul3A_88 : vector<8x256xf32>
    %swap3A_90 = arith.constant 0 : index
    %swap3A_91 = arith.constant 7424 : index
    %swap3A_92 = vector.load %arg2[%swap3A_90, %swap3A_91] : memref<8x7936xf32, #tpu.memory_space<vmem>>, vector<8x256xf32>
    tpu.vector_store %arg2[%swap3A_90, %swap3A_91], %mul3A_89 {strides = array<i32>} : memref<8x7936xf32, #tpu.memory_space<vmem>>, vector<8x256xf32>,
    %dma_wait3A_93 = arith.constant 2 : i32
    %dma_wait3A_94 = arith.constant 2 : i32
    %dma_wait3A_95 = tpu.memref_slice %arg4[%dma_wait3A_94] : memref<4x!tpu.dma_semaphore, #tpu.memory_space<semaphore_mem>> -> memref<1x!tpu.dma_semaphore, #tpu.memory_space<semaphore_mem>>
    %dma_wait3A_96 = tpu.memref_squeeze %dma_wait3A_95 : memref<1x!tpu.dma_semaphore, #tpu.memory_space<semaphore_mem>> -> memref<!tpu.dma_semaphore, #tpu.memory_space<semaphore_mem>>
    %dma_wait3A_97 = arith.constant 0 : i32
    %dma_wait3A_98 = arith.constant 0 : i32
    %dma_wait3A_99 = tpu.memref_slice %arg3[%dma_wait3A_93, %dma_wait3A_97, %dma_wait3A_98] : memref<4x256x2048xf32, #tpu.memory_space<vmem>> -> memref<1x256x2048xf32, #tpu.memory_space<vmem>>
    %dma_wait3A_100 = tpu.memref_squeeze %dma_wait3A_99 : memref<1x256x2048xf32, #tpu.memory_space<vmem>> -> memref<256x2048xf32, #tpu.memory_space<vmem>>
    %dma_wait3A_101 = arith.constant 0 : i32
    %dma_wait3A_102 = arith.constant 0 : i32
    %dma_wait3A_103 = tpu.memref_slice %arg0[%dma_wait3A_101, %dma_wait3A_102] : memref<8192x2048xf32, #tpu.memory_space<any>> -> memref<256x2048xf32, #tpu.memory_space<any>>
    tpu.wait_dma2 semaphore(%dma_wait3A_96 : memref<!tpu.dma_semaphore, #tpu.memory_space<semaphore_mem>>) src(%dma_wait3A_103 : memref<256x2048xf32, #tpu.memory_space<any>>) dst(%dma_wait3A_100 : memref<256x2048xf32, #tpu.memory_space<vmem>>)
    %get3A_104 = arith.constant 2 : index
    %get3A_105 = arith.constant 0 : index
    %get3A_106 = arith.constant 0 : index
    %get3A_107 = vector.load %arg3[%get3A_104, %get3A_105, %get3A_106] : memref<4x256x2048xf32, #tpu.memory_space<vmem>>, vector<1x256x2048xf32>
    %get3A_108 = vector.shape_cast %get3A_107 : vector<1x256x2048xf32> to vector<256x2048xf32>
    %dot_general3A_109 = arith.constant dense<0.000000e+00> : vector<8x256xf32>
    %dot_general3A_110 = tpu.matmul %get3A_44, %get3A_108, %dot_general3A_109 {dimension_numbers = #tpu.dot_dimension_numbers<[1], [1], [0], [0], [0, 0, 1, 0], [], []>, transpose_lhs_hint = false} : vector<8x2048xf32>, vector<256x2048xf32>, vector<8x256xf32> -> vector<8x256xf32>
    %mul3A_111 = arith.constant 1.42857146 : f32
    %mul3A_112 = vector.broadcast %mul3A_111 : f32 to vector<8x256xf32>
    %mul3A_113 = arith.mulf %dot_general3A_110, %mul3A_112 : vector<8x256xf32>
    %swap3A_114 = arith.constant 0 : index
    %swap3A_115 = arith.constant 7680 : index
    %swap3A_116 = vector.load %arg2[%swap3A_114, %swap3A_115] : memref<8x7936xf32, #tpu.memory_space<vmem>>, vector<8x256xf32>
    tpu.vector_store %arg2[%swap3A_114, %swap3A_115], %mul3A_113 {strides = array<i32>} : memref<8x7936xf32, #tpu.memory_space<vmem>>, vector<8x256xf32>,
    return
  }
}

</mosaic_0001>

<sc_bundles>
// kernel: kernel.4.cloned.1.call-start
scs
__scs_entry_jumppad:
0x0: {  	(pc) =	sbr.rel $0x88, $3  }
0x1: {  	(tag) =	ssettag $0x0;
	lr =	simm.s32 $0x1  }
0x2: {  	[smem:$0x3F9F] =	sst lr;
	_ =	strace $0xD0000000  }
0x3: {  	_ = 	snop  }
0x4: {  	_ = 	snop  }
0x5: {  	_ = 	snop  }
0x6: {  	_ = 	snop  }
0x7: {  	_ = 	snop  }
__scs_overlays_trampoline_lowered:
0x8: {  	[smem:$0x3FAE] =	sst s0  }
0x9: {  	[smem:$0x3FAF] =	sst s1  }
0xa: {  	[smem:$0x3FB0] =	sst s2  }
0xb: {  	[smem:$0x3FB1] =	sst s3  }
0xc: {  	[smem:$0x3FB2] =	sst s4  }
0xd: {  	[smem:$0x3FB3] =	sst s5  }
0xe: {  	[smem:$0x3FB4] =	sst s6  }
0xf: {  	[smem:$0x3FB5] =	sst s7  }
0x10: {  	[smem:$0x3FB6] =	sst s8  }
0x11: {  	[smem:$0x3FB7] =	sst s9;
	s0 =	simm.s32 @!p0 $0x0  }
0x12: {  	s1 =	sld [smem:$0x3F9D];
	s0 =	simm.s32 @p0 $0x1  }
0x13: {  	[smem:$0x3FB8] =	sst s0;
	s0 =	simm.s32 @!p1 $0x0  }
0x14: {  	s2 =	sld [smem:$0x3F9C];
	s0 =	simm.s32 @p1 $0x1  }
0x15: {  	[smem:$0x3FB9] =	sst s0;
	s0 =	simm.s32 @!p2 $0x0  }
0x16: {  	s3 =	sld [smem:$0x3FDB];
	s0 =	simm.s32 @p2 $0x1  }
0x17: {  	s4 =	simm.s32 $0x1BF5;
	[smem:$0x3FBB] =	sst s0  }
0x18: {  	s0 =	sld [smem:$0x3F9E];
	_ =	swait.ge [sflag:s4], $0x0  }
0x19: {  	s7 =	sld [smem:$0x3F9F]  }
0x1a: {  	s8 =	sadd.s32 $0xFFFFE003, lr  }
0x1b: {  	s9 =	sadd.s32 $0xFFFFFEF7, lr;
	s5 =	simm.s32 $0xFFFFFFFF;
	p2 =	slt.u32 s8, $0xFFFFF086  }
0x1c: {  	p1 =	slt.u32 s9, $0xF7A;
	s5 =	simm.s32 @!p2 $0x0  }
0x1d: {  	s5 =	simm.s32 @p1 $0x1;
	p0 =	seq.s32 s7, s2  }
0x1e: {  	s7 =	smul.u32 @!p0 $0xF7A, s2;
	p2 =	seq.s32 @!p0 s5, $0x0  }
0x1f: {  	s9 =	smul.u32 $0xF7A, s1;
	s8 =	simm.s32 @!p0 $0x1BF5;
	p2 =	por !p2, p0  }
0x20: {  	[sflag:s8] =	ssyncset.s32 @!p0 $0xFFFFF086;
	s6 =	sadd.s32 @!p0 s3, s7;
	s7 =	simm.s32 @!p0 $0x108  }
0x21: {  	s3 =	sadd.s32 s3, s9;
	s6 =	sadd.s32 @!p0 $0x88, s6;
	s7 =	simm.s32 @p2 $0x1082  }
0x22: {  	[simem:s7], [sflag:s8] =	dma.local @!p0 [hbm:s6], $0xF7A  }
0x23: {  	s9 =	sor.u32 $0xD0000000, s2;
	s6 =	simm.s32 $0x108;
	_ =	swait.ge @!p0 [sflag:s8], $0x0  }
0x24: {  	s3 =	sadd.s32 $0x88, s3;
	s6 =	simm.s32 @!p1 $0x1082;
	[sflag:s4] =	ssyncset.s32 $0xFFFFF086  }
0x25: {  	[simem:s6], [sflag:s4] =	dma.local [hbm:s3], $0xF7A  }
0x26: {  	[smem:$0x3F9F] =	sst s1;
	(tag) =	ssettag s2;
	_ =	strace s9  }
0x27: {  	s1 =	sld [smem:$0x3FAF]  }
0x28: {  	s2 =	sld [smem:$0x3FB0]  }
0x29: {  	s4 =	sld [smem:$0x3FB2]  }
0x2a: {  	p0 =	seq.s32 s5, $0x0;
	s5 =	sld [smem:$0x3FB3]  }
0x2b: {  	s6 =	sld [smem:$0x3FB4]  }
0x2c: {  	s7 =	sld [smem:$0x3FB5]  }
0x2d: {  	s3 =	simm.s32 $0x108;
	s8 =	sld [smem:$0x3FB6]  }
0x2e: {  	s3 =	simm.s32 @!p0 $0x1082;
	s9 =	sld [smem:$0x3FB7]  }
0x2f: {  	lr =	sadd.s32 s0, s3;
	s0 =	sld [smem:$0x3FAE]  }
0x30: {  	s3 =	sld [smem:$0x3FB1]  }
0x31: {  	[smem:$0x3FBA] =	sst s10  }
0x32: {  	s10 =	sld [smem:$0x3FB8];
	_ =	sdelay $0x3  }
0x33: {  	p0 =	seq.s32 s10, $0x1;
	s10 =	sld [smem:$0x3FBA];
	_ =	sdelay $0x3  }
0x34: {  	[smem:$0x3FBA] =	sst s10  }
0x35: {  	s10 =	sld [smem:$0x3FB9];
	_ =	sdelay $0x3  }
0x36: {  	p1 =	seq.s32 s10, $0x1;
	s10 =	sld [smem:$0x3FBA];
	_ =	sdelay $0x3  }
0x37: {  	[smem:$0x3FBA] =	sst s10  }
0x38: {  	s10 =	sld [smem:$0x3FBB]  }
0x39: {  	_ = 	snop;
	(pc) =	sbr.ind lr, $3  }
0x3a: {  	_ = 	snop  }
0x3b: {  	_ = 	snop  }
0x3c: {  	p2 =	seq.s32 s10, $0x1;
	s10 =	sld [smem:$0x3FBA]  }
0x3d: {  	_ =	shalt  }
0x3e: {  	_ =	shalt  }
0x3f: {  	_ =	shalt  }
0x40: {  	_ =	shalt  }
0x41: {  	_ =	shalt  }
0x42: {  	_ =	shalt  }
0x43: {  	_ =	shalt  }
0x44: {  	_ =	shalt  }
0x45: {  	_ =	shalt  }
0x46: {  	_ =	shalt  }
0x47: {  	_ =	shalt  }
0x48: {  	_ =	shalt  }
0x49: {  	_ =	shalt  }
0x4a: {  	_ =	shalt  }
0x4b: {  	_ =	shalt  }
0x4c: {  	_ =	shalt  }
0x4d: {  	_ =	shalt  }
0x4e: {  	_ =	shalt  }
0x4f: {  	_ =	shalt  }
0x50: {  	_ =	shalt  }
0x51: {  	_ =	shalt  }
0x52: {  	_ =	shalt  }
0x53: {  	_ =	shalt  }
0x54: {  	_ =	shalt  }
0x55: {  	_ =	shalt  }
0x56: {  	_ =	shalt  }
0x57: {  	_ =	shalt  }
0x58: {  	_ =	shalt  }
0x59: {  	_ =	shalt  }
0x5a: {  	_ =	shalt  }
0x5b: {  	_ =	shalt  }
0x5c: {  	_ =	shalt  }
0x5d: {  	_ =	shalt  }
0x5e: {  	_ =	shalt  }
0x5f: {  	_ =	shalt  }
0x60: {  	_ =	shalt  }
0x61: {  	_ =	shalt  }
0x62: {  	_ =	shalt  }
0x63: {  	_ =	shalt  }
0x64: {  	_ =	shalt  }
0x65: {  	_ =	shalt  }
0x66: {  	_ =	shalt  }
0x67: {  	_ =	shalt  }
0x68: {  	_ =	shalt  }
0x69: {  	_ =	shalt  }
0x6a: {  	_ =	shalt  }
0x6b: {  	_ =	shalt  }
0x6c: {  	_ =	shalt  }
0x6d: {  	_ =	shalt  }
0x6e: {  	_ =	shalt  }
0x6f: {  	_ =	shalt  }
0x70: {  	_ =	shalt  }
0x71: {  	_ =	shalt  }
0x72: {  	_ =	shalt  }
0x73: {  	_ =	shalt  }
0x74: {  	_ =	shalt  }
0x75: {  	_ =	shalt  }
0x76: {  	_ =	shalt  }
0x77: {  	_ =	shalt  }
0x78: {  	_ =	shalt  }
0x79: {  	_ =	shalt  }
0x7a: {  	_ =	shalt  }
0x7b: {  	_ =	shalt  }
0x7c: {  	_ =	shalt  }
0x7d: {  	_ =	shalt  }
0x7e: {  	_ =	shalt  }
0x7f: {  	_ =	shalt  }
0x80: {  	_ =	shalt  }
0x81: {  	_ =	shalt  }
0x82: {  	_ =	shalt  }
0x83: {  	_ =	shalt  }
0x84: {  	_ =	shalt  }
0x85: {  	_ =	shalt  }
0x86: {  	_ =	shalt  }
0x87: {  	_ =	shalt  }
.Lfunc_end0:
.L_simem_size_0:
called_computation_lowered:
.L_overlay_start_0:
0x88: {  	s2 =	sld [smem:$0x3FD9]  }
0x89: {  	s3 =	sld [smem:$0x3FFE];
	_ =	sdelay $0x1  }
0x8a: {  	s1 =	srdreg.scid  }
0x8b: {  	s0 =	sand.u32 $0x1, s1  }
0x8c: {  	s18 =	sshll.u32 s0, $0xA;
	s2 =	sadd.s32 s3, s2  }
0x8d: {  	s2 =	sadd.s32 s2, s18  }
0x8e: {  	[smem:$0x3FC6] =	sst s2  }
0x8f: {  	_ = 	snop  }
0x90: {  	s2 =	sld [smem:$0x3FC9]  }
0x91: {  	s19 =	sld [smem:$0x3FC8]  }
0x92: {  	s4 =	sld [smem:$0x3FD0];
	(tm) =	ssettm $0x1  }
0x93: {  	s5 =	sld [smem:$0x3FFB];
	_ =	sdelay $0x3  }
0x94: {  	_ =	strace s5  }
0x95: {  	s5 =	sld [smem:$0x3FFC];
	_ =	sdelay $0x3  }
0x96: {  	_ =	strace s5  }
0x97: {  	s5 =	sld [smem:$0x3FFD];
	_ =	sdelay $0x3  }
0x98: {  	_ =	strace s5  }
0x99: {  	_ =	strace $0x8FFFFFFF  }
0x9a: {  	s20 =	sld [smem:$0x3FDB];
	_ =	sdelay $0x1  }
0x9b: {  	s6 =	simm.s32 $_scs_section_size  }
0x9c: {  	s7 =	simm.s32 $_size__tile_overlayer_lowered;
	s8 =	simm.s32 $_tile_overlayer_lowered  }
0x9d: {  	s23 =	simm.s32 $0x1BFF;
	s22 =	sshll.u32 s8, $0x1;
	s5 =	sadd.s32 s6, s20  }
0x9e: {  	s9 =	simm.s32 $0x0;
	s21 =	sshll.u32 s7, $0x1;
	s7 =	sadd.s32 s22, s5  }
0x9f: {  	[timem:s9], [sflag:s23] =	dma.local [hbm:s7], s21  }
0xa0: {  	_ =	swait.ge [sflag:s23], s21  }
0xa1: {  	s6 =	ssub.s32 $0x0, s21;
	[sflag:s23] =	ssyncset.done $0x0  }
0xa2: {  	[sflag:s23] =	ssyncadd.s32 s6;
	_ =	sdelay $0x1  }
0xa3: {  	s24 =	simm.s32 $0x1B8B  }
0xa4: {  	_ =	swait.ge [sflag:s24], $0x1  }
0xa5: {  	[sflag:s24] =	ssyncset.done $0x0  }
0xa6: {  	s25 =	simm.s32 $0x1B8E;
	[sflag:s24] =	ssyncadd.s32 $0xFFFFFFFF  }
0xa7: {  	s26 =	simm.s32 $execute0_lowered;
	[smem:$0x3FD2] =	sst s25  }
0xa8: {  	s6 =	sshll.u32 s26, $0x1;
	_ =	strace $0x80000046;
	[dreg:$0x1] =	wrdreg $0xFFFFFFFF  }
0xa9: {  	s28 =	simm.s32 $_size_execute0_lowered;
	s5 =	sadd.s32 s5, s6;
	[dreg:$0x0] =	wrdreg $0x0  }
0xaa: {  	s6 =	sshll.u32 s28, $0x1;
	[dreg:$0x2] =	wrdreg s5  }
0xab: {  	[dreg:$0x3] =	wrdreg s6  }
0xac: {  	[dreg:$0x4] =	wrdreg $0xC0  }
0xad: {  	_ =	task [dreg:s9], $0x5FFFF  }
0xae: {  	[dreg:$0x1] =	wrdreg $0xFFFFFFFF  }
0xaf: {  	[dreg:$0x0] =	wrdreg $0x60  }
0xb0: {  	[dreg:$0x2] =	wrdreg s2  }
0xb1: {  	[dreg:$0x3] =	wrdreg s19  }
0xb2: {  	[dreg:$0x4] =	wrdreg s4  }
0xb3: {  	[dreg:$0x5] =	wrdreg $0x9  }
0xb4: {  	_ =	task.clear_ibuf [dreg:s9], $0x6FFFF;
	_ =	strace $0x90000046  }
0xb5: {  	s29 =	simm.s32 $0x9;
	_ =	strace $0x80000048  }
0xb6: {  	_ =	swait.ge [sflag:s29], $0x1  }
0xb7: {  	[sflag:s29] =	ssyncadd.s32 $0xFFFFFFFF  }
0xb8: {  	_ =	strace $0x90000048  }
0xb9: {  	_ =	sfence  }
0xba: {  	s30 =	sld [smem:$0x0];
	_ =	sdelay $0x2  }
0xbb: {  	s31 =	sshll.u32 s1, $0xD;
	s1 =	sshrl.u32 s1, $0x2  }
0xbc: {  	s3 =	sand.u32 $0x4000, s31;
	s1 =	sadd.s32 s1, s30  }
0xbd: {  	s0 =	sor.u32 s3, s0;
	s1 =	sshll.u32 s1, $0x11  }
0xbe: {  	s0 =	sor.u32 s1, s0  }
0xbf: {  	s0 =	sadd.s32 $0x8F2B, s0  }
0xc0: {  	[sflag:s0] =	ssyncadd.remote.s32 $0x1  }
0xc1: {  	_ =	sfence.sel $0xFFFF  }
0xc2: {  	[dreg:$0x0] =	wrdreg $0xFFFFFFFF;
	(pc) =	sbr.abs _section_cstart, $3  }
0xc3: {  	[dreg:$0x1] =	wrdreg $0xFFFFFFFF  }
0xc4: {  	_ =	task.clear_ibuf [dreg:s9], $0x2FFFF;
	_ =	strace $0x9FFFFFFF  }
0xc5: {  	(tm) =	ssettm $0x7FFFFFFF  }
tec
execute0_lowered:
.L_overlay_start_1:
0x0: {  	(tag) =	ssettag $0x1  }
0x1: {  	v0 =	vimm.s32 $0xEFCDAB89;
	v1 =	vimm.s32 $0x67452301  }
0x2: {  	v2 =	vimm.s32 $0xDCFE98BA;
	v3 =	vimm.s32 $0x54761032;
	v4 =	vimm.s32 $0xBA98FEDC  }
0x3: {  	v5 =	vimm.s32 $0x32107654;
	v6 =	vimm.s32 $0xFEDCBA98;
	v7 =	vimm.s32 $0x76543210  }
0x4: {  	vm0 =	vmmov $0x1;
	vm1 =	vmmov $0x3;
	vm2 =	vmmov $0x7  }
0x5: {  	v0 =	vunpack.c.l.s4.s8 v0;
	v1 =	vunpack.c.l.s4.s8 v1;
	v2 =	vunpack.c.l.s4.s8 v2  }
0x6: {  	s4 =	rddreg [dreg:$0x0];
	v3 =	vunpack.c.l.s4.s8 v3;
	v4 =	vunpack.c.l.s4.s8 v4;
	v5 =	vunpack.c.l.s4.s8 v5  }
0x7: {  	s0 =	rddreg [dreg:$0x1];
	v6 =	vunpack.c.l.s4.s8 v6;
	v0 =	vunpack.c.0.s8.s32 v0;
	v1 =	vunpack.c.0.s8.s32 v1  }
0x8: {  	s5 =	rddreg [dreg:$0x2];
	v7 =	vunpack.c.l.s4.s8 v7;
	v2 =	vunpack.c.0.s8.s32 v2;
	v3 =	vunpack.c.0.s8.s32 v3  }
0x9: {  	s1 =	rddreg [dreg:$0x3];
	s6 =	srdreg.scid;
	v4 =	vunpack.c.0.s8.s32 v4;
	v5 =	vunpack.c.0.s8.s32 v5;
	v0 =	vcombine.low v1, v0  }
0xa: {  	s2 =	stileid.u32;
	s3 =	simm.s32 $0x0;
	vm3 =	vmmov $0xf;
	s10 =	simm.s32 $0x10000;
	v58 =	vunpack.c.0.s8.s32 v6;
	v2 =	vcombine.low v3, v2  }
0xb: {  	s11 =	simm.s32 $0x0;
	s6 =	sand.u32 $0x1, s6;
	s7 =	sshll.u32 s2, $0x1;
	v60 =	vunpack.c.0.s8.s32 v7;
	v59 =	vcombine.low v5, v4;
	v0 =	vand.u32 $0xF, v0  }
0xc: {  	vm4 =	vmmov $0x1f;
	[smem:$0x7FF] =	sst s3;
	s7 =	sor.u32 s6, s7;
	s6 =	ssub.s32 $0x2, s6;
	v61 =	vand.u32 $0xF, v58;
	v62 =	vand.u32 $0xF, v2;
	[tilespmem:$0x1FFC0] =	vst v0  }
0xd: {  	vm5 =	vmmov $0x3f;
	s8 =	sshll.u32 s7, $0xB;
	s9 =	sshrl.u32 s6, $0x1;
	s7 =	sshll.u32 s7, $0x3;
	v63 =	vand.u32 $0xF, v59;
	[tilespmem:$0x1FFD0] =	vst v62;
	v0 =	vcombine.low v61, v60  }
0xe: {  	vm6 =	vmmov $0x7f;
	vm7 =	vmmov $0xff;
	vm8 =	vmmov $0x1ff;
	s4 =	sadd.s32 s8, s4;
	s6 =	ssub.s32 s6, s9;
	s5 =	sadd.s32 s5, s7;
	[tilespmem:$0x1FFE0] =	vst v63  }
0xf: {  	vm9 =	vmmov $0x3ff;
	vm10 =	vmmov $0x7ff;
	vm11 =	vmmov $0xfff;
	s7 =	simm.s32 $0x4;
	s8 =	simm.s32 $0x4000;
	s9 =	simm.s32 $0x1;
	[tilespmem:$0x1FFF0] =	vst v0  }
0x10: {  	vm12 =	vmmov $0x1fff;
	vm13 =	vmmov $0x3fff;
	vm14 =	vmmov $0x7fff;
	s4 =	sadd.s32 $0x1F0000, s4;
	s6 =	smax.u32 s6, $0x1;
	_ =	strace $0x80000047  }
.LBB2_1:
0x11: {  	[tilespmem:s3], [sflag:$0x4] =	stream.linear.gather [hbm4b:s0+s3], $0x4000, $0x38;
	[tilespmem:$0x10080] =	vst v63  }
0x12: {  	_ =	swait.ge [sflag:s7], $0x4000  }
0x13: {  	[sflag:s7] =	ssyncset.done $0x0  }
0x14: {  	[sflag:s7] =	ssyncadd.s32 $0xFFFFC000  }
0x15: {  	[tilespmem:s8], [sflag:$0x1] =	stream.linear.gather [hbm4b:s4+s3], $0x4000, $0x38;
	[tilespmem:$0x10080] =	vst v63  }
0x16: {  	_ =	swait.ge [sflag:s9], $0x4000  }
0x17: {  	s12 =	sand.u32 $0x60, s3;
	s13 =	sand.u32 $0x3C00, s3;
	[sflag:s9] =	ssyncset.done $0x0  }
0x18: {  	s14 =	sand.u32 $0x3, s3;
	s12 =	sor.u32 s12, s13;
	[sflag:s9] =	ssyncadd.s32 $0xFFFFC000  }
0x19: {  	s29 =	sshll.u32 s14, $0x5;
	v16 =	vld [tilespmem:s12+$0x100]  }
0x1a: {  	s13 =	sadd.s32 $0x0, s29;
	v7 =	vld [tilespmem:s12+$0x290]  }
0x1b: {  	s30 =	sadd.s32 $0x10, s13;
	v20 =	vld [tilespmem:s12+$0x4090]  }
0x1c: {  	s15 =	sor.u32 $0x300, s30;
	v4 =	vld [tilespmem:s12+$0x280]  }
0x1d: {  	v2 =	vld [tilespmem:s15+$0x0]  }
0x1e: {  	s14 =	sor.u32 $0x380, s30;
	v17 =	vld [tilespmem:s12+$0x200]  }
0x1f: {  	v11 =	vld [tilespmem:s14+$0x0]  }
0x20: {  	v6 =	vld [tilespmem:s12+$0x210]  }
0x21: {  	v8 =	vld [tilespmem:s12+$0x10]  }
0x22: {  	v10 =	vld [tilespmem:s12+$0x4010]  }
0x23: {  	v9 =	vld [tilespmem:s12+$0x4190]  }
0x24: {  	v50 =	vld [tilespmem:s12+$0x110]  }
0x25: {  	v12 =	vld [tilespmem:s12+$0x80]  }
0x26: {  	v13 =	vld [tilespmem:s12+$0x4100]  }
0x27: {  	v30 =	vld [tilespmem:s12+$0x190]  }
0x28: {  	v27 =	vld [tilespmem:s12+$0x4080]  }
0x29: {  	v32 =	vld [tilespmem:s12+$0x4180];
	v0 =	vmul.f32 v7, v20;
	v31 =	vmul.f32 v2, v20  }
0x2a: {  	v43 =	vld [tilespmem:s12+$0x4000];
	v29 =	vmul.f32 v6, v20;
	v36 =	vmul.f32 v8, v20  }
0x2b: {  	v24 =	vld [tilespmem:s12+$0x4110];
	v54 =	vmul.f32 v2, v10;
	v26 =	vmul.f32 v8, v10  }
0x2c: {  	v19 =	vld [tilespmem:s12+$0x0];
	v37 =	vmul.f32 v6, v10;
	v28 =	vmul.f32 v50, v9  }
0x2d: {  	s31 =	sor.u32 $0x300, s13;
	s13 =	sor.u32 $0x380, s13;
	v14 =	vmul.f32 v8, v9;
	v1 =	vmul.f32 v6, v9  }
0x2e: {  	v22 =	vld [tilespmem:s13+$0x0];
	v48 =	vmul.f32 v30, v10;
	v3 =	vmul.f32 v12, v13  }
0x2f: {  	v58 =	vld [tilespmem:s31+$0x0];
	v5 =	vmul.f32 v4, v27;
	v15 =	vmul.f32 v17, v13  }
0x30: {  	v45 =	vld [tilespmem:s12+$0x90];
	v18 =	vmul.f32 v16, v27;
	v21 =	vmul.f32 v4, v43  }
0x31: {  	v42 =	vimm.f32 $0.0e+00;
	v23 =	vmul.f32 v19, v32;
	v53 =	vmul.f32 v11, v24  }
0x32: {  	v51 =	vimm.f32 $0.0e+00;
	v35 =	vmul.f32 v2, v24;
	v38 =	vmul.f32 v50, v24  }
0x33: {  	v49 =	vimm.f32 $0.0e+00;
	v39 =	vmul.f32 v22, v13;
	v40 =	vmul.f32 v50, v10  }
0x34: {  	v47 =	vimm.f32 $0.0e+00;
	v41 =	vmul.f32 v19, v13;
	v25 =	vmul.f32 v58, v43  }
0x35: {  	v44 =	vimm.f32 $0.0e+00;
	v62 =	vmul.f32 v45, v10;
	v60 =	vmul.f32 v58, v27  }
0x36: {  	v56 =	vimm.f32 $0.0e+00;
	v6 =	vmul.f32 v6, v24;
	v59 =	vmul.f32 v8, v24;
	[tilespmem:$0x1FEE0] =	vst v0  }
0x37: {  	v46 =	vimm.f32 $0.0e+00;
	v61 =	vld [tilespmem:s12+$0x180];
	v8 =	vmul.f32 v4, v32;
	v0 =	vmul.f32 v11, v10;
	[tilespmem:$0x1FF10] =	vst v1  }
0x38: {  	v52 =	vimm.f32 $0.0e+00;
	v63 =	vmul.f32 v22, v43;
	v1 =	vmul.f32 v2, v9;
	[tilespmem:$0x1FF30] =	vst v5  }
0x39: {  	v5 =	vmul.f32 v12, v27;
	v21 =	vadd.f32 v21, v42;
	v2 =	vadd.f32 v23, v42;
	[tilespmem:$0x1FEF0] =	vst v0  }
0x3a: {  	v55 =	vimm.f32 $0.0e+00;
	v23 =	vmul.f32 v58, v13;
	[tilespmem:$0x1FF20] =	vst v1;
	v1 =	vmul.f32 v4, v13  }
0x3b: {  	v0 =	vmul.f32 v11, v20;
	[tilespmem:$0x1FF60] =	vst v21;
	v21 =	vmul.f32 v16, v13;
	v2 =	vadd.f32 v14, v2  }
0x3c: {  	v13 =	vmul.f32 v61, v13;
	v14 =	vadd.f32 v15, v42;
	v1 =	vadd.f32 v1, v42  }
0x3d: {  	v4 =	vadd.f32 v25, v42;
	v25 =	vimm.f32 $0.0e+00;
	[tilespmem:$0x1FF00] =	vst v0;
	v0 =	vmul.f32 v7, v9  }
0x3e: {  	[tilespmem:$0x1FF40] =	vst v1;
	v1 =	vadd.f32 v3, v42;
	v3 =	vadd.f32 v5, v42;
	v5 =	vmul.f32 v12, v32  }
0x3f: {  	[tilespmem:$0x1FF70] =	vst v2;
	v2 =	vmul.f32 v16, v43;
	v15 =	vadd.f32 v21, v42;
	v34 =	vadd.f32 v6, v14  }
0x40: {  	v14 =	vmul.f32 v45, v20;
	v13 =	vadd.f32 v13, v42;
	v57 =	vadd.f32 v5, v42  }
0x41: {  	v12 =	vmul.f32 v12, v43;
	v5 =	vadd.f32 v18, v42;
	v18 =	vadd.f32 v23, v42  }
0x42: {  	v21 =	vadd.f32 v2, v42;
	v2 =	vadd.f32 v38, v15;
	v15 =	vmul.f32 v61, v27  }
0x43: {  	v38 =	vimm.f32 $0.0e+00;
	[tilespmem:$0x1FF50] =	vst v1;
	v1 =	vmul.f32 v30, v24;
	v6 =	vadd.f32 v35, v18  }
0x44: {  	[tilespmem:$0x1FF80] =	vst v2;
	v2 =	vmul.f32 v22, v27;
	v23 =	vmul.f32 v22, v32;
	v22 =	vadd.f32 v39, v42  }
0x45: {  	v39 =	vimm.f32 $0.0e+00;
	v18 =	vmul.f32 v17, v32;
	[tilespmem:$0x1FF90] =	vst v6;
	v6 =	vadd.f32 v40, v21  }
0x46: {  	s12 =	simm.s32 $0x0;
	[tilespmem:$0x1FFB0] =	vst v25;
	v35 =	vimm.f32 $0.0e+00;
	v21 =	vadd.f32 v8, v42;
	v8 =	vimm.f32 $0.0e+00  }
0x47: {  	s13 =	simm.s32 $0x1;
	s14 =	simm.s32 $0x20;
	s15 =	simm.s32 $0x0;
	v40 =	vimm.f32 $0.0e+00;
	[tilespmem:$0x1FFA0] =	vst v6;
	v6 =	vadd.f32 v41, v42;
	v41 =	vimm.f32 $0.0e+00  }
.LBB2_2:
0x48: {  	v0 =	vadd.f32 v0, v21  }
0x49: {  	v6 =	vadd.f32 v59, v6  }
0x4a: {  	v4 =	vadd.f32 v54, v4;
	[tilespmem:$0x1FEC0] =	vst v0  }
0x4b: {  	v0 =	vadd.f32 v53, v22;
	[tilespmem:$0x1FEA0] =	vst v6;
	v6 =	vld [tilespmem:$0x1FF10]  }
0x4c: {  	v33 =	vmul.f32 v19, v43;
	[tilespmem:$0x1FE80] =	vst v4  }
0x4d: {  	v18 =	vadd.f32 v18, v42;
	v4 =	vadd.f32 v15, v51;
	[tilespmem:$0x1FED0] =	vst v0;
	v0 =	vmul.f32 v30, v20  }
0x4e: {  	v3 =	vadd.f32 v14, v3;
	v1 =	vadd.f32 v1, v13;
	v15 =	vmul.f32 v61, v43  }
0x4f: {  	v13 =	vmul.f32 v61, v32;
	v14 =	vadd.f32 v33, v49;
	v51 =	vadd.f32 v0, v4  }
0x50: {  	v22 =	vmul.f32 v19, v27;
	v0 =	vadd.f32 v15, v44;
	v42 =	vadd.f32 v6, v18;
	v6 =	vld [tilespmem:$0x1FF20]  }
0x51: {  	v49 =	vadd.f32 v26, v14;
	v14 =	vmul.f32 v17, v43;
	v15 =	vmul.f32 v58, v32  }
0x52: {  	s16 =	sand.u32 $0x3, s13;
	s15 =	sadd.s32 $0x100, s15;
	v13 =	vadd.f32 v13, v40;
	v44 =	vadd.f32 v48, v0;
	v0 =	vmul.f32 v30, v9  }
0x53: {  	s30 =	sand.u32 $0x60, s14;
	v25 =	vld [tilespmem:$0x1FF30];
	s16 =	sshll.u32 s16, $0x5;
	s17 =	sand.u32 $0x3C00, s15;
	v14 =	vadd.f32 v14, v39;
	v15 =	vadd.f32 v15, v46  }
0x54: {  	s18 =	sadd.s32 s16, s15;
	s16 =	sor.u32 s30, s17;
	v22 =	vadd.f32 v22, v38;
	v40 =	vadd.f32 v0, v13;
	v0 =	vld [tilespmem:$0x1FF50]  }
0x55: {  	[tilespmem:$0x1FE60] =	vst v1;
	v1 =	vld [tilespmem:s16+$0x290];
	v46 =	vadd.f32 v6, v15;
	v6 =	vadd.f32 v37, v14  }
0x56: {  	v8 =	vadd.f32 v23, v8;
	v23 =	vmul.f32 v50, v20;
	v26 =	vld [tilespmem:$0x1FFB0]  }
0x57: {  	v20 =	vld [tilespmem:s16+$0x4090];
	[tilespmem:$0x1FEB0] =	vst v6;
	v6 =	vadd.f32 v36, v22;
	v22 =	vmul.f32 v7, v24;
	v24 =	vmul.f32 v45, v24;
	_ =	sdelay $0x1  }
0x58: {  	v13 =	vadd.f32 v24, v0;
	v0 =	vld [tilespmem:$0x1FEE0];
	_ =	sdelay $0x2  }
0x59: {  	v25 =	vadd.f32 v25, v26;
	v30 =	vmul.f32 v1, v20;
	_ =	sdelay $0x1  }
0x5a: {  	v24 =	vadd.f32 v0, v25;
	v0 =	vmov v30  }
0x5b: {  	[tilespmem:$0x1FEE0] =	vst v0;
	v0 =	vld [tilespmem:$0x1FF40]  }
0x5c: {  	v12 =	vadd.f32 v12, v47;
	s19 =	sadd.s32 $0x10, s18  }
0x5d: {  	v59 =	vld [tilespmem:s16+$0x4100];
	s20 =	sor.u32 $0x300, s19  }
0x5e: {  	v47 =	vadd.f32 v62, v12;
	s19 =	sor.u32 $0x380, s19;
	v17 =	vmul.f32 v17, v27;
	v12 =	vld [tilespmem:s20+$0x0]  }
0x5f: {  	v61 =	vld [tilespmem:s19+$0x0]  }
0x60: {  	v27 =	vadd.f32 v17, v35;
	v22 =	vadd.f32 v22, v0;
	v0 =	vld [tilespmem:$0x1FF60]  }
0x61: {  	v4 =	vld [tilespmem:s16+$0x280]  }
0x62: {  	v21 =	vmul.f32 v16, v32;
	v26 =	vmul.f32 v7, v10;
	v10 =	vld [tilespmem:s16+$0x4010];
	v7 =	vmovc v1;
	v1 =	vadd.f32 v29, v27  }
0x63: {  	v5 =	vadd.f32 v23, v5;
	v14 =	vld [tilespmem:s16+$0x210]  }
0x64: {  	v23 =	vmul.f32 v45, v9;
	v21 =	vadd.f32 v21, v52;
	[tilespmem:$0x1FE70] =	vst v1;
	v1 =	vmul.f32 v11, v9;
	v9 =	vld [tilespmem:s16+$0x4190]  }
0x65: {  	v29 =	vadd.f32 v26, v0;
	v0 =	vld [tilespmem:$0x1FEF0]  }
0x66: {  	v52 =	vadd.f32 v28, v21;
	v21 =	vadd.f32 v63, v41;
	v32 =	vld [tilespmem:s16+$0x4180]  }
0x67: {  	v15 =	vld [tilespmem:s16+$0x80];
	v11 =	vmov v61  }
0x68: {  	v18 =	vld [tilespmem:s16+$0x200];
	v8 =	vadd.f32 v1, v8;
	v1 =	vmul.f32 v11, v10  }
0x69: {  	[tilespmem:$0x1FFB0] =	vst v24;
	v24 =	vld [tilespmem:s16+$0x4110]  }
0x6a: {  	[tilespmem:$0x1FE90] =	vst v6;
	v6 =	vld [tilespmem:$0x1FF00];
	v41 =	vadd.f32 v0, v21;
	v21 =	vmov v1;
	v1 =	vmul.f32 v14, v9;
	_ =	sdelay $0x1  }
0x6b: {  	v19 =	vld [tilespmem:s16+$0x0];
	v23 =	vadd.f32 v23, v57;
	v57 =	vmul.f32 v15, v32;
	[tilespmem:$0x1FF10] =	vst v1;
	v1 =	vmul.f32 v12, v9  }
0x6c: {  	v2 =	vadd.f32 v2, v56;
	v43 =	vld [tilespmem:s16+$0x4000];
	v17 =	vmovc v18;
	v18 =	vmul.f32 v12, v20;
	v54 =	vmul.f32 v12, v10  }
0x6d: {  	v57 =	vadd.f32 v57, v23;
	v23 =	vmul.f32 v12, v24;
	v12 =	vld [tilespmem:$0x1FF70];
	[tilespmem:$0x1FF20] =	vst v1;
	v1 =	vmul.f32 v4, v59  }
0x6e: {  	v56 =	vadd.f32 v6, v2;
	v2 =	vld [tilespmem:s16+$0x10]  }
0x6f: {  	s31 =	sor.u32 $0x380, s18;
	v16 =	vld [tilespmem:s16+$0x100];
	s18 =	sor.u32 $0x300, s18;
	[tilespmem:$0x1FEF0] =	vst v21;
	v21 =	vmul.f32 v15, v59;
	v1 =	vadd.f32 v1, v22  }
0x70: {  	v62 =	vadd.f32 v60, v55;
	v58 =	vld [tilespmem:s18+$0x0];
	v60 =	vmul.f32 v17, v59;
	v6 =	vmovc v34;
	v34 =	vmul.f32 v19, v32  }
0x71: {  	v27 =	vld [tilespmem:s16+$0x4080];
	[tilespmem:$0x1FF40] =	vst v1;
	v1 =	vadd.f32 v21, v13;
	v21 =	vmul.f32 v4, v43  }
0x72: {  	v12 =	vadd.f32 v34, v12;
	v34 =	vadd.f32 v60, v6;
	v6 =	vld [tilespmem:$0x1FF80]  }
0x73: {  	v35 =	vmov v18;
	v61 =	vld [tilespmem:s16+$0x180];
	v18 =	vmul.f32 v2, v9;
	v21 =	vadd.f32 v21, v29  }
0x74: {  	v28 =	vmul.f32 v19, v59  }
0x75: {  	v50 =	vld [tilespmem:s16+$0x110];
	v63 =	vmul.f32 v58, v59;
	v12 =	vadd.f32 v18, v12;
	[tilespmem:$0x1FF60] =	vst v21;
	v21 =	vmul.f32 v16, v59  }
0x76: {  	v38 =	vmul.f32 v14, v20;
	v39 =	vmul.f32 v14, v10;
	v22 =	vld [tilespmem:s31+$0x0]  }
0x77: {  	v53 =	vmul.f32 v15, v27;
	[tilespmem:$0x1FF70] =	vst v12;
	v12 =	vmul.f32 v15, v43;
	v15 =	vadd.f32 v21, v6;
	v21 =	vld [tilespmem:$0x1FF90]  }
0x78: {  	v55 =	vadd.f32 v31, v62;
	v25 =	vmul.f32 v4, v27;
	v31 =	vmul.f32 v61, v59;
	v6 =	vld [tilespmem:$0x1FFA0]  }
0x79: {  	v36 =	vmul.f32 v2, v20;
	v13 =	vmul.f32 v16, v27  }
0x7a: {  	[tilespmem:$0x1FF30] =	vst v25;
	v33 =	vmul.f32 v2, v10;
	v25 =	vmul.f32 v50, v24  }
0x7b: {  	v14 =	vmul.f32 v14, v24;
	v18 =	vmul.f32 v16, v43;
	v5 =	vadd.f32 v13, v5  }
0x7c: {  	v26 =	vmul.f32 v22, v59;
	v59 =	vmul.f32 v2, v24;
	v2 =	vadd.f32 v25, v15  }
0x7d: {  	v13 =	vmul.f32 v50, v10;
	v21 =	vadd.f32 v63, v21;
	v63 =	vadd.f32 v18, v6;
	_ =	sdelay $0x1  }
0x7e: {  	v45 =	vld [tilespmem:s16+$0x90];
	v34 =	vadd.f32 v14, v34;
	[tilespmem:$0x1FF80] =	vst v2;
	v2 =	vmul.f32 v22, v27;
	v6 =	vadd.f32 v13, v63  }
0x7f: {  	v14 =	vadd.f32 v23, v21;
	v63 =	vmul.f32 v22, v43;
	v23 =	vmul.f32 v22, v32;
	v22 =	vld [tilespmem:$0x1FEC0]  }
0x80: {  	[tilespmem:$0x1FFA0] =	vst v6;
	v6 =	vld [tilespmem:$0x1FE60]  }
0x81: {  	v30 =	vld [tilespmem:s16+$0x190]  }
0x82: {  	v21 =	vmul.f32 v4, v32  }
0x83: {  	v4 =	vld [tilespmem:$0x1FE80]  }
0x84: {  	s12 =	sadd.s32 $0x2, s12;
	v0 =	vmul.f32 v11, v20;
	v29 =	vmul.f32 v58, v43;
	v21 =	vadd.f32 v21, v22;
	v22 =	vld [tilespmem:$0x1FED0]  }
0x85: {  	p0 =	slt.u32 s12, $0x7E;
	v62 =	vmul.f32 v45, v10;
	v37 =	vmul.f32 v50, v9;
	v13 =	vadd.f32 v31, v6;
	v6 =	vld [tilespmem:$0x1FEA0]  }
.Ltmp0:
0x86: {  	v3 =	vadd.f32 v53, v3;
	v48 =	vmul.f32 v30, v10;
	v53 =	vmul.f32 v11, v24;
	[tilespmem:$0x1FF00] =	vst v0;
	(pc) =	sbr.rel @p0 .LBB2_2-.Ltmp0, $4  }
0x87: {  	v0 =	vmul.f32 v7, v9;
	v60 =	vmul.f32 v58, v27;
	[tilespmem:$0x1FF50] =	vst v1  }
0x88: {  	v1 =	vmul.f32 v30, v24;
	v15 =	vmul.f32 v61, v27;
	v4 =	vadd.f32 v29, v4;
	v29 =	vmovc v38;
	v38 =	vld [tilespmem:$0x1FE90]  }
0x89: {  	v18 =	vmul.f32 v17, v32;
	[tilespmem:$0x1FF90] =	vst v14;
	v14 =	vmul.f32 v45, v20;
	v31 =	vmov v35;
	v35 =	vld [tilespmem:$0x1FE70]  }
0x8a: {  	s13 =	sadd.s32 $0x1, s13;
	s14 =	sadd.s32 $0x20, s14;
	v22 =	vadd.f32 v26, v22;
	v26 =	vmovc v33;
	v6 =	vadd.f32 v28, v6;
	v28 =	vmovc v37;
	v37 =	vmov v39;
	v39 =	vld [tilespmem:$0x1FEB0]  }
0x8b: {  	v23 =	vadd.f32 v23, v8;
	v25 =	vmul.f32 v50, v20;
	v8 =	vadd.f32 v0, v21  }
0x8c: {  	v50 =	vadd.f32 v54, v4;
	v0 =	vmul.f32 v19, v43;
	v4 =	vadd.f32 v15, v51  }
0x8d: {  	v14 =	vadd.f32 v14, v3;
	v3 =	vmul.f32 v30, v20;
	v15 =	vmul.f32 v61, v43  }
0x8e: {  	v0 =	vadd.f32 v0, v49  }
0x8f: {  	v54 =	vadd.f32 v3, v4;
	v3 =	vadd.f32 v15, v44  }
0x90: {  	v33 =	vadd.f32 v53, v22;
	v53 =	vadd.f32 v1, v13;
	v13 =	vmul.f32 v17, v43  }
0x91: {  	v0 =	vadd.f32 v26, v0;
	v26 =	vadd.f32 v48, v3;
	v3 =	vmul.f32 v19, v27;
	_ =	sdelay $0x1  }
0x92: {  	v15 =	vld [tilespmem:$0x1FF10];
	v13 =	vadd.f32 v13, v39;
	v3 =	vadd.f32 v3, v38  }
0x93: {  	v1 =	vadd.f32 v12, v47;
	v12 =	vmul.f32 v16, v32;
	v16 =	vld [tilespmem:$0x1FF20];
	v5 =	vadd.f32 v25, v5  }
0x94: {  	v4 =	vmul.f32 v58, v32;
	v25 =	vadd.f32 v37, v13;
	v13 =	vadd.f32 v36, v3;
	v3 =	vld [tilespmem:$0x1FF00]  }
0x95: {  	v18 =	vadd.f32 v18, v42  }
0x96: {  	v4 =	vadd.f32 v4, v46  }
0x97: {  	v2 =	vadd.f32 v2, v56;
	v51 =	vld [tilespmem:$0x1FFC0];
	v20 =	vadd.f32 v15, v18;
	v18 =	vmul.f32 v61, v32  }
0x98: {  	v21 =	vmul.f32 v7, v24;
	v22 =	vld [tilespmem:$0x1FF30];
	v19 =	vadd.f32 v16, v4  }
0x99: {  	v16 =	vadd.f32 v3, v2;
	v3 =	vadd.f32 v18, v40;
	v18 =	vmul.f32 v45, v24;
	v24 =	vld [tilespmem:$0x1FFB0]  }
0x9a: {  	v4 =	vmul.f32 v17, v27;
	_ =	sdelay $0x1  }
0x9b: {  	v2 =	vadd.f32 v4, v35;
	v4 =	vperm.xlane v0, v51  }
0x9c: {  	v17 =	vmul.f32 v30, v9;
	v38 =	vld [tilespmem:$0x1FFD0]  }
0x9d: {  	v0 =	vadd.f32 v4, v0;
	v4 =	vld [tilespmem:$0x1FF40];
	v24 =	vadd.f32 v22, v24  }
0x9e: {  	v22 =	vadd.f32 v29, v2;
	v29 =	vadd.f32 v17, v3;
	v17 =	vld [tilespmem:$0x1FF60]  }
0x9f: {  	v12 =	vadd.f32 v12, v52  }
0xa0: {  	v39 =	vld [tilespmem:$0x1FFE0];
	v2 =	vmul.f32 v11, v9  }
0xa1: {  	v10 =	vmul.f32 v7, v10;
	v28 =	vadd.f32 v28, v12;
	v12 =	vperm.xlane v0, v38;
	v3 =	vld [tilespmem:$0x1FF50]  }
0xa2: {  	v4 =	vadd.f32 v21, v4;
	v7 =	vadd.f32 v2, v23;
	v23 =	vld [tilespmem:$0x1FF70]  }
0xa3: {  	v21 =	vadd.f32 v10, v17;
	v10 =	vadd.f32 v12, v0;
	v12 =	vld [tilespmem:$0x1FEF0]  }
0xa4: {  	v6 =	vadd.f32 v59, v6;
	v2 =	vperm.xlane v13, v51  }
0xa5: {  	v1 =	vadd.f32 v62, v1;
	v15 =	vmul.f32 v45, v9  }
0xa6: {  	v9 =	vadd.f32 v63, v41;
	v2 =	vadd.f32 v2, v13;
	v0 =	vperm.xlane v6, v51  }
0xa7: {  	v11 =	vadd.f32 v18, v3;
	v3 =	vld [tilespmem:$0x1FEE0];
	v17 =	vperm.xlane v1, v51;
	v13 =	vperm.xlane v23, v51  }
0xa8: {  	v52 =	vld [tilespmem:$0x1FFF0];
	v6 =	vadd.f32 v0, v6;
	v12 =	vadd.f32 v12, v9;
	v9 =	vperm.xlane v10, v39  }
0xa9: {  	v18 =	vperm.xlane v2, v38;
	v1 =	vadd.f32 v17, v1;
	v13 =	vadd.f32 v13, v23  }
0xaa: {  	v9 =	vadd.f32 v9, v10;
	v10 =	vperm.xlane v6, v38  }
0xab: {  	v2 =	vadd.f32 v18, v2;
	v18 =	vperm.xlane v1, v38;
	v17 =	vperm.xlane v13, v38  }
0xac: {  	v3 =	vadd.f32 v3, v24;
	v6 =	vadd.f32 v10, v6;
	v10 =	vperm.xlane v14, v51  }
0xad: {  	v24 =	vperm.xlane v2, v39;
	v13 =	vadd.f32 v17, v13;
	v23 =	vperm.xlane v9, v52  }
0xae: {  	v1 =	vadd.f32 v18, v1;
	v17 =	vperm.xlane v6, v39;
	v10 =	vadd.f32 v10, v14  }
0xaf: {  	v2 =	vadd.f32 v24, v2;
	v9 =	vadd.f32 v23, v9;
	v14 =	vperm.xlane v13, v39  }
0xb0: {  	v23 =	vperm.xlane v11, v51;
	v6 =	vadd.f32 v17, v6;
	v17 =	vperm.xlane v10, v38  }
0xb1: {  	v27 =	vadd.f32 v60, v55;
	v18 =	vperm.xlane v1, v39;
	v13 =	vadd.f32 v14, v13  }
0xb2: {  	v24 =	vperm.xlane v2, v52;
	v10 =	vadd.f32 v17, v10;
	v17 =	vadd.f32 v23, v11  }
0xb3: {  	v0 =	vadd.f32 v31, v27;
	v1 =	vadd.f32 v18, v1;
	v14 =	vperm.xlane v6, v52  }
0xb4: {  	v18 =	vadd.f32 v24, v2;
	v2 =	vperm.xlane v13, v52;
	v27 =	vperm.xlane v17, v38  }
0xb5: {  	v11 =	vadd.f32 v14, v6  }
0xb6: {  	v6 =	vadd.f32 v2, v13;
	v13 =	vadd.f32 v27, v17;
	v27 =	vld [tilespmem:$0x1FFA0]  }
0xb7: {  	v31 =	vld [tilespmem:$0x1FF80]  }
0xb8: {  	v15 =	vadd.f32 v15, v57;
	v23 =	vperm.xlane v1, v52  }
0xb9: {  	v24 =	vperm.xlane v10, v39  }
0xba: {  	v14 =	vadd.f32 v23, v1;
	v1 =	vperm.xlane v15, v51  }
0xbb: {  	v57 =	vperm.xlane v50, v51;
	v2 =	vadd.f32 v24, v10;
	v10 =	vperm.xlane v27, v51  }
0xbc: {  	v1 =	vadd.f32 v1, v15;
	v15 =	vperm.xlane v5, v51;
	v17 =	vperm.xlane v31, v51  }
0xbd: {  	v23 =	vperm.xlane v2, v52;
	v24 =	vperm.xlane v13, v39;
	v27 =	vadd.f32 v10, v27  }
0xbe: {  	v30 =	vperm.xlane v1, v38;
	v5 =	vadd.f32 v15, v5;
	v15 =	vadd.f32 v17, v31  }
0xbf: {  	v10 =	vadd.f32 v23, v2;
	v2 =	vadd.f32 v24, v13;
	v13 =	vperm.xlane v27, v38  }
0xc0: {  	v46 =	vperm.xlane v16, v51;
	v1 =	vadd.f32 v30, v1;
	v17 =	vperm.xlane v5, v38  }
0xc1: {  	v23 =	vperm.xlane v15, v38;
	v24 =	vperm.xlane v2, v52;
	v13 =	vadd.f32 v13, v27  }
0xc2: {  	v30 =	vperm.xlane v1, v39;
	v5 =	vadd.f32 v17, v5;
	v27 =	vperm.xlane v28, v51  }
0xc3: {  	v17 =	vadd.f32 v23, v15;
	v15 =	vadd.f32 v24, v2;
	v2 =	vperm.xlane v13, v39  }
0xc4: {  	v1 =	vadd.f32 v30, v1;
	v24 =	vperm.xlane v5, v39;
	v23 =	vadd.f32 v27, v28  }
0xc5: {  	v27 =	vperm.xlane v17, v39;
	v28 =	vperm.xlane v26, v51;
	v2 =	vadd.f32 v2, v13  }
0xc6: {  	v30 =	vperm.xlane v1, v52;
	v24 =	vadd.f32 v24, v5;
	v13 =	vperm.xlane v23, v38  }
0xc7: {  	v17 =	vadd.f32 v27, v17;
	v26 =	vadd.f32 v28, v26;
	v5 =	vperm.xlane v2, v52  }
0xc8: {  	v23 =	vadd.f32 v13, v23;
	v13 =	vadd.f32 v30, v1;
	v1 =	vperm.xlane v24, v52  }
0xc9: {  	v27 =	vperm.xlane v17, v52;
	v28 =	vperm.xlane v26, v38  }
0xca: {  	v5 =	vadd.f32 v5, v2;
	v2 =	vperm.xlane v23, v39;
	v1 =	vadd.f32 v1, v24  }
0xcb: {  	v17 =	vadd.f32 v27, v17;
	v24 =	vperm.xlane v54, v51;
	v27 =	vperm.xlane v29, v51  }
0xcc: {  	v2 =	vadd.f32 v2, v23;
	v23 =	vadd.f32 v28, v26;
	v26 =	vperm.xlane v53, v51  }
0xcd: {  	v61 =	vperm.xlane v12, v51;
	v24 =	vadd.f32 v24, v54;
	v28 =	vperm.xlane v25, v51  }
0xce: {  	v27 =	vadd.f32 v27, v29;
	v31 =	vperm.xlane v23, v39;
	v26 =	vadd.f32 v26, v53  }
0xcf: {  	v30 =	vperm.xlane v2, v52;
	v53 =	vperm.xlane v24, v38;
	v25 =	vadd.f32 v28, v25  }
0xd0: {  	v29 =	vperm.xlane v27, v38;
	v23 =	vadd.f32 v31, v23;
	v28 =	vperm.xlane v26, v38  }
0xd1: {  	v2 =	vadd.f32 v30, v2;
	v24 =	vadd.f32 v53, v24;
	v30 =	vperm.xlane v25, v38  }
0xd2: {  	v31 =	vperm.xlane v23, v52;
	v26 =	vadd.f32 v28, v26;
	v28 =	vperm.xlane v22, v51  }
0xd3: {  	v27 =	vadd.f32 v29, v27;
	v32 =	vperm.xlane v24, v39;
	v25 =	vadd.f32 v30, v25  }
0xd4: {  	v29 =	vadd.f32 v31, v23;
	v23 =	vperm.xlane v26, v39;
	v22 =	vadd.f32 v28, v22  }
0xd5: {  	v24 =	vadd.f32 v32, v24;
	v28 =	vperm.xlane v27, v39;
	v30 =	vperm.xlane v25, v39  }
0xd6: {  	v31 =	vperm.xlane v34, v51;
	v23 =	vadd.f32 v23, v26;
	v26 =	vperm.xlane v22, v38  }
0xd7: {  	v32 =	vperm.xlane v24, v52;
	v27 =	vadd.f32 v28, v27;
	v25 =	vadd.f32 v30, v25  }
0xd8: {  	v30 =	vadd.f32 v31, v34;
	v28 =	vperm.xlane v23, v52;
	v26 =	vadd.f32 v26, v22  }
0xd9: {  	v22 =	vadd.f32 v32, v24;
	v24 =	vperm.xlane v27, v52;
	v31 =	vperm.xlane v25, v52  }
0xda: {  	v34 =	vperm.xlane v30, v38;
	v28 =	vadd.f32 v28, v23;
	v54 =	vperm.xlane v26, v39  }
0xdb: {  	v23 =	vadd.f32 v24, v27;
	v24 =	vadd.f32 v31, v25;
	v25 =	vperm.xlane v20, v51  }
0xdc: {  	v27 =	vadd.f32 v34, v30;
	v30 =	vperm.xlane v21, v51;
	v26 =	vadd.f32 v54, v26  }
0xdd: {  	v12 =	vadd.f32 v61, v12;
	v20 =	vadd.f32 v25, v20;
	v25 =	vperm.xlane v3, v51  }
0xde: {  	v34 =	vperm.xlane v27, v39;
	v21 =	vadd.f32 v30, v21;
	v32 =	vperm.xlane v26, v52  }
0xdf: {  	v31 =	vperm.xlane v4, v51;
	v30 =	vperm.xlane v20, v38;
	v3 =	vadd.f32 v25, v3  }
0xe0: {  	v25 =	vadd.f32 v32, v26;
	v26 =	vadd.f32 v34, v27;
	v27 =	vperm.xlane v21, v38  }
0xe1: {  	v4 =	vadd.f32 v31, v4;
	v20 =	vadd.f32 v30, v20;
	v30 =	vperm.xlane v3, v38  }
0xe2: {  	v43 =	vperm.xlane v12, v38;
	v21 =	vadd.f32 v27, v21;
	v27 =	vperm.xlane v8, v51  }
0xe3: {  	v16 =	vadd.f32 v46, v16;
	v31 =	vperm.xlane v4, v38;
	v3 =	vadd.f32 v30, v3  }
0xe4: {  	v12 =	vadd.f32 v43, v12;
	v30 =	vperm.xlane v21, v39;
	v8 =	vadd.f32 v27, v8  }
0xe5: {  	v9 =	vsel vm0, v9, v14;
	v4 =	vadd.f32 v31, v4;
	v27 =	vperm.xlane v3, v39  }
0xe6: {  	v5 =	vsel vm1, v9, v5;
	v21 =	vadd.f32 v30, v21;
	v30 =	vperm.xlane v8, v38  }
0xe7: {  	v60 =	vld [tilespmem:$0x1FF90];
	v9 =	vsel vm0, v11, v15;
	v31 =	vperm.xlane v4, v39;
	v3 =	vadd.f32 v27, v3  }
0xe8: {  	v27 =	vperm.xlane v21, v52;
	v8 =	vadd.f32 v30, v8;
	v30 =	vadd.f32 v57, v50  }
0xe9: {  	v9 =	vsel vm1, v9, v17;
	v4 =	vadd.f32 v31, v4;
	v31 =	vperm.xlane v3, v52  }
0xea: {  	v21 =	vadd.f32 v27, v21;
	v27 =	vperm.xlane v8, v39;
	v59 =	vperm.xlane v30, v38  }
0xeb: {  	v56 =	vperm.xlane v20, v39;
	v3 =	vadd.f32 v31, v3;
	v31 =	vperm.xlane v0, v51  }
0xec: {  	v8 =	vadd.f32 v27, v8;
	v27 =	vadd.f32 v59, v30;
	v30 =	vperm.xlane v60, v51  }
0xed: {  	v5 =	vsel vm2, v5, v29;
	v55 =	vperm.xlane v26, v52;
	v20 =	vadd.f32 v56, v20  }
0xee: {  	v0 =	vadd.f32 v31, v0;
	v31 =	vperm.xlane v19, v51;
	v30 =	vadd.f32 v30, v60  }
0xef: {  	v5 =	vsel vm3, v5, v24;
	v9 =	vsel vm2, v9, v28;
	v34 =	vperm.xlane v20, v52  }
0xf0: {  	v26 =	vadd.f32 v55, v26;
	v19 =	vadd.f32 v31, v19;
	v31 =	vperm.xlane v30, v38  }
0xf1: {  	v58 =	vperm.xlane v4, v52;
	v20 =	vadd.f32 v34, v20;
	v34 =	vperm.xlane v12, v39  }
0xf2: {  	v50 =	vperm.xlane v16, v38;
	v30 =	vadd.f32 v31, v30;
	v31 =	vperm.xlane v33, v51  }
0xf3: {  	v9 =	vsel vm3, v9, v26;
	v4 =	vadd.f32 v58, v4;
	v12 =	vadd.f32 v34, v12  }
0xf4: {  	v16 =	vadd.f32 v50, v16;
	v63 =	vperm.xlane v27, v39;
	v31 =	vadd.f32 v31, v33  }
0xf5: {  	v4 =	vsel vm4, v9, v4;
	v34 =	vperm.xlane v12, v52;
	v41 =	vperm.xlane v0, v38  }
0xf6: {  	v5 =	vsel vm4, v5, v21;
	v27 =	vadd.f32 v63, v27;
	v47 =	vperm.xlane v31, v38  }
0xf7: {  	v9 =	vperm.xlane v16, v39;
	v0 =	vadd.f32 v41, v0;
	v42 =	vperm.xlane v19, v38  }
0xf8: {  	v12 =	vadd.f32 v34, v12;
	v35 =	vperm.xlane v27, v52;
	v31 =	vadd.f32 v47, v31  }
0xf9: {  	v36 =	vperm.xlane v0, v39;
	v19 =	vadd.f32 v42, v19;
	v44 =	vperm.xlane v30, v39  }
0xfa: {  	v51 =	vperm.xlane v7, v51;
	v27 =	vadd.f32 v35, v27;
	v35 =	vperm.xlane v31, v39  }
0xfb: {  	v62 =	vperm.xlane v8, v52;
	v0 =	vadd.f32 v36, v0;
	v30 =	vadd.f32 v44, v30  }
0xfc: {  	v45 =	vperm.xlane v19, v39;
	v7 =	vadd.f32 v51, v7;
	v31 =	vadd.f32 v35, v31  }
0xfd: {  	v9 =	vadd.f32 v9, v16;
	v36 =	vperm.xlane v0, v52;
	v48 =	vperm.xlane v30, v52  }
0xfe: {  	v8 =	vadd.f32 v62, v8;
	v14 =	vperm.xlane v7, v38;
	v11 =	vperm.xlane v31, v52  }
0xff: {  	v19 =	vadd.f32 v45, v19;
	v5 =	vsel vm5, v5, v27;
	v30 =	vadd.f32 v48, v30  }
0x100: {  	v5 =	vsel vm6, v5, v12;
	v7 =	vadd.f32 v14, v7;
	v11 =	vadd.f32 v11, v31  }
0x101: {  	v0 =	vadd.f32 v36, v0;
	v49 =	vperm.xlane v19, v52;
	v4 =	vsel vm5, v4, v30  }
0x102: {  	v5 =	vsel vm7, v5, v18;
	v12 =	vperm.xlane v7, v39;
	v4 =	vsel vm6, v4, v11  }
0x103: {  	v5 =	vsel vm8, v5, v10;
	v19 =	vadd.f32 v49, v19;
	v4 =	vsel vm7, v4, v6  }
0x104: {  	v1 =	vsel vm9, v5, v1;
	v6 =	vadd.f32 v12, v7;
	v4 =	vsel vm8, v4, v13  }
0x105: {  	v5 =	vperm.xlane v9, v52;
	v1 =	vsel vm10, v1, v22;
	v2 =	vsel vm9, v4, v2  }
0x106: {  	v1 =	vsel vm11, v1, v25;
	v4 =	vperm.xlane v6, v52;
	v2 =	vsel vm10, v2, v23  }
0x107: {  	v5 =	vadd.f32 v5, v9;
	v1 =	vsel vm12, v1, v3;
	v2 =	vsel vm11, v2, v20  }
0x108: {  	v0 =	vsel vm13, v1, v0;
	v3 =	vadd.f32 v4, v6;
	v1 =	vsel vm12, v2, v8  }
0x109: {  	v0 =	vsel vm14, v0, v5;
	v1 =	vsel vm13, v1, v19  }
0x10a: {  	s12 =	simm.s32 $0x0;
	v0 =	vmul.f32 $1.428571460e+00, v0;
	v1 =	vsel vm14, v1, v3  }
0x10b: {  	s13 =	sand.u32 $0x3, s12;
	v1 =	vmul.f32 $1.428571460e+00, v1  }
0x10c: {  	s14 =	sand.u32 $0x60, s12;
	s15 =	sand.u32 $0x3C00, s12;
	s13 =	sshll.u32 s13, $0x5;
	[tilespmem:$0x10000] =	vst v0  }
0x10d: {  	s26 =	sor.u32 s14, s15;
	s17 =	sadd.s32 $0x0, s13;
	[tilespmem:$0x10010] =	vst v1  }
0x10e: {  	s28 =	sadd.s32 $0x10, s17;
	v0 =	vld [tilespmem:s26+$0x210]  }
0x10f: {  	s29 =	sor.u32 $0x300, s28;
	v15 =	vld [tilespmem:s26+$0x100]  }
0x110: {  	v16 =	vld [tilespmem:s29+$0x4000]  }
0x111: {  	v8 =	vld [tilespmem:s26+$0x90]  }
0x112: {  	v12 =	vld [tilespmem:s29+$0x0]  }
0x113: {  	v3 =	vld [tilespmem:s26+$0x290]  }
0x114: {  	s16 =	sor.u32 $0x380, s28;
	v13 =	vld [tilespmem:s26+$0x110]  }
0x115: {  	v10 =	vld [tilespmem:s16+$0x4000]  }
0x116: {  	v29 =	vld [tilespmem:s26+$0x80]  }
0x117: {  	v11 =	vld [tilespmem:s26+$0x4290]  }
0x118: {  	v35 =	vld [tilespmem:s26+$0x10]  }
0x119: {  	s30 =	sor.u32 $0x380, s17;
	v6 =	vld [tilespmem:s26+$0x190]  }
0x11a: {  	v21 =	vld [tilespmem:s30+$0x4000]  }
0x11b: {  	v7 =	vld [tilespmem:s26+$0x0]  }
0x11c: {  	v14 =	vld [tilespmem:s26+$0x180];
	v4 =	vmul.f32 v8, v10;
	v34 =	vmul.f32 v3, v10  }
0x11d: {  	v49 =	vld [tilespmem:s26+$0x4200];
	v33 =	vmul.f32 v12, v10;
	v27 =	vmul.f32 v0, v10  }
0x11e: {  	v32 =	vld [tilespmem:s26+$0x4280];
	v1 =	vmul.f32 v35, v10;
	v36 =	vmul.f32 v13, v10  }
0x11f: {  	s31 =	sor.u32 $0x300, s17;
	v2 =	vmul.f32 v13, v11;
	v5 =	vmul.f32 v6, v10  }
0x120: {  	v18 =	vld [tilespmem:s31+$0x4000];
	v60 =	vmul.f32 v6, v11;
	v9 =	vmul.f32 v7, v21  }
0x121: {  	v37 =	vimm.f32 $0.0e+00;
	v46 =	vld [tilespmem:s30+$0x0];
	v17 =	vmul.f32 v0, v11;
	v20 =	vmul.f32 v15, v21  }
0x122: {  	v43 =	vimm.f32 $0.0e+00;
	v63 =	vmul.f32 v7, v49;
	v23 =	vmul.f32 v13, v16  }
0x123: {  	v24 =	vimm.f32 $0.0e+00;
	v28 =	vmul.f32 v14, v32;
	v30 =	vmul.f32 v29, v32  }
0x124: {  	v41 =	vimm.f32 $0.0e+00;
	v52 =	vmul.f32 v8, v16;
	v38 =	vmul.f32 v12, v16  }
0x125: {  	v45 =	vimm.f32 $0.0e+00;
	v59 =	vmul.f32 v15, v49;
	[tilespmem:$0x1FDB0] =	vst v2;
	v2 =	vmul.f32 v29, v21  }
0x126: {  	v44 =	vimm.f32 $0.0e+00;
	v19 =	vld [tilespmem:s26+$0x4210];
	v48 =	vmul.f32 v46, v49;
	v54 =	vmul.f32 v29, v18  }
0x127: {  	[tilespmem:$0x1FDC0] =	vst v17;
	v9 =	vadd.f32 v9, v24;
	v17 =	vadd.f32 v2, v24;
	v2 =	vmul.f32 v14, v21  }
0x128: {  	v47 =	vimm.f32 $0.0e+00;
	v42 =	vmul.f32 v35, v11;
	v61 =	vmul.f32 v14, v49  }
0x129: {  	v22 =	vld [tilespmem:s26+$0x280];
	v57 =	vmul.f32 v8, v11;
	[tilespmem:$0x1FDD0] =	vst v23;
	v1 =	vadd.f32 v1, v9;
	v23 =	vadd.f32 v2, v24  }
0x12a: {  	v39 =	vimm.f32 $0.0e+00;
	v51 =	vmul.f32 v35, v16;
	v2 =	vmul.f32 v3, v11  }
0x12b: {  	v56 =	vadd.f32 v20, v24;
	v20 =	vmul.f32 v3, v19;
	[tilespmem:$0x1FDF0] =	vst v1;
	v1 =	vadd.f32 v5, v23  }
0x12c: {  	v62 =	vadd.f32 v28, v24;
	v28 =	vmul.f32 v7, v18;
	v40 =	vadd.f32 v54, v24;
	[tilespmem:$0x1FDE0] =	vst v2;
	v2 =	vld [tilespmem:s31+$0x0]  }
0x12d: {  	v30 =	vadd.f32 v30, v24;
	v54 =	vimm.f32 $0.0e+00;
	[tilespmem:$0x1FE00] =	vst v1;
	v1 =	vmul.f32 v0, v19  }
0x12e: {  	v9 =	vmul.f32 v22, v18;
	v31 =	vadd.f32 v52, v40;
	v28 =	vadd.f32 v28, v24  }
0x12f: {  	v52 =	vimm.f32 $0.0e+00;
	[tilespmem:$0x1FE10] =	vst v1;
	v1 =	vmul.f32 v0, v16;
	v0 =	vadd.f32 v4, v17  }
0x130: {  	v40 =	vimm.f32 $0.0e+00;
	v9 =	vadd.f32 v9, v24;
	v5 =	vmul.f32 v6, v16  }
0x131: {  	v28 =	vadd.f32 v51, v28;
	v4 =	vld [tilespmem:s26+$0x200];
	v17 =	vmul.f32 v2, v32;
	[tilespmem:$0x1FE20] =	vst v0;
	v0 =	vmul.f32 v3, v16  }
0x132: {  	v23 =	vadd.f32 v57, v30;
	v30 =	vmul.f32 v12, v11;
	v3 =	vmul.f32 v22, v49  }
0x133: {  	v57 =	vmul.f32 v6, v19;
	v55 =	vadd.f32 v17, v24;
	v0 =	vadd.f32 v0, v9  }
0x134: {  	v17 =	vmul.f32 v46, v18;
	v53 =	vadd.f32 v3, v24;
	v3 =	vmul.f32 v2, v49  }
0x135: {  	v51 =	vimm.f32 $0.0e+00;
	v9 =	vmul.f32 v15, v18;
	[tilespmem:$0x1FE30] =	vst v0;
	v0 =	vmul.f32 v7, v32  }
0x136: {  	v50 =	vmul.f32 v4, v49;
	v7 =	vadd.f32 v17, v24;
	v17 =	vmul.f32 v4, v18  }
0x137: {  	v26 =	vadd.f32 v20, v53;
	v20 =	vmul.f32 v22, v21;
	v58 =	vadd.f32 v0, v24  }
0x138: {  	v0 =	vmul.f32 v2, v18;
	v18 =	vmul.f32 v14, v18;
	v14 =	vadd.f32 v30, v55  }
0x139: {  	v53 =	vimm.f32 $0.0e+00;
	v55 =	vadd.f32 v50, v24;
	v50 =	vimm.f32 $0.0e+00  }
0x13a: {  	v0 =	vadd.f32 v0, v24;
	[tilespmem:$0x1FE50] =	vst v14;
	v14 =	vmul.f32 v4, v21;
	v18 =	vadd.f32 v18, v24  }
0x13b: {  	s14 =	simm.s32 $0x1;
	s15 =	simm.s32 $0x20;
	s13 =	simm.s32 $0x0;
	v6 =	vld [tilespmem:s16+$0x0];
	[tilespmem:$0x1FE40] =	vst v23;
	v30 =	vadd.f32 v42, v58;
	v58 =	vimm.f32 $0.0e+00;
	v42 =	vimm.f32 $0.0e+00  }
.LBB2_4:
0x13c: {  	s12 =	sadd.s32 $0x100, s12;
	v5 =	vadd.f32 v5, v18  }
0x13d: {  	s17 =	sand.u32 $0x60, s15;
	s18 =	sand.u32 $0x3C00, s12  }
0x13e: {  	v3 =	vadd.f32 v3, v44;
	s17 =	sor.u32 s17, s18;
	[tilespmem:$0x1FD80] =	vst v5;
	v5 =	vmul.f32 v22, v32;
	v22 =	vmul.f32 v12, v19  }
0x13f: {  	v18 =	vld [tilespmem:s17+$0x100]  }
0x140: {  	v2 =	vmul.f32 v2, v21;
	v44 =	vadd.f32 v22, v3;
	v3 =	vld [tilespmem:$0x1FDD0]  }
0x141: {  	v63 =	vadd.f32 v63, v52;
	v35 =	vmul.f32 v35, v19;
	v14 =	vadd.f32 v14, v45  }
0x142: {  	v9 =	vadd.f32 v9, v54;
	v2 =	vadd.f32 v2, v51  }
0x143: {  	v29 =	vmul.f32 v29, v49;
	v52 =	vadd.f32 v35, v63;
	v45 =	vadd.f32 v27, v14  }
0x144: {  	s16 =	sand.u32 $0x3, s14;
	v14 =	vld [tilespmem:s17+$0x290];
	v17 =	vadd.f32 v17, v24;
	v51 =	vadd.f32 v33, v2;
	v2 =	vmul.f32 v15, v32  }
0x145: {  	s16 =	sshll.u32 s16, $0x5;
	v35 =	vld [tilespmem:s17+$0x10];
	v15 =	vmovc v18;
	v18 =	vmul.f32 v8, v19;
	v54 =	vadd.f32 v3, v9;
	v3 =	vadd.f32 v29, v41  }
0x146: {  	s16 =	sadd.s32 s16, s12;
	v1 =	vadd.f32 v1, v17;
	v17 =	vmul.f32 v6, v16;
	v8 =	vld [tilespmem:$0x1FDB0]  }
0x147: {  	s19 =	sor.u32 $0x300, s16;
	s31 =	sor.u32 $0x380, s16;
	s16 =	sadd.s32 $0x10, s16;
	v33 =	vmovc v31;
	v31 =	vmul.f32 v13, v19;
	v3 =	vadd.f32 v18, v3;
	v18 =	vmul.f32 v6, v19;
	v19 =	vld [tilespmem:$0x1FDE0]  }
0x148: {  	s20 =	sor.u32 $0x300, s16;
	s16 =	sor.u32 $0x380, s16;
	v7 =	vadd.f32 v17, v7;
	v17 =	vld [tilespmem:s17+$0x90]  }
0x149: {  	v9 =	vld [tilespmem:s16+$0x4000]  }
0x14a: {  	v49 =	vld [tilespmem:s17+$0x4200];
	v5 =	vadd.f32 v5, v37;
	v2 =	vadd.f32 v2, v40  }
0x14b: {  	v21 =	vmul.f32 v46, v21;
	v13 =	vld [tilespmem:s17+$0x110]  }
0x14c: {  	v24 =	vld [tilespmem:s17+$0x4290];
	[tilespmem:$0x1FDA0] =	vst v1;
	v2 =	vadd.f32 v8, v2;
	v5 =	vadd.f32 v19, v5  }
0x14d: {  	v1 =	vld [tilespmem:s17+$0x210];
	v8 =	vmov v17;
	v17 =	vadd.f32 v21, v42;
	[tilespmem:$0x1FD50] =	vst v3;
	v3 =	vmul.f32 v6, v10  }
0x14e: {  	v21 =	vld [tilespmem:s31+$0x4000];
	[tilespmem:$0x1FD70] =	vst v5;
	v5 =	vmul.f32 v6, v11;
	v6 =	vmul.f32 v14, v9  }
0x14f: {  	v10 =	vmov v9;
	v42 =	vadd.f32 v3, v17;
	v3 =	vmul.f32 v8, v9;
	v9 =	vld [tilespmem:$0x1FDC0]  }
0x150: {  	[tilespmem:$0x1FD90] =	vst v6;
	v6 =	vld [tilespmem:s17+$0x0]  }
0x151: {  	v4 =	vmul.f32 v4, v32;
	v16 =	vld [tilespmem:s20+$0x4000];
	[tilespmem:$0x1FD60] =	vst v2;
	v2 =	vadd.f32 v61, v47  }
0x152: {  	v20 =	vadd.f32 v20, v53;
	v11 =	vmov v24;
	v24 =	vld [tilespmem:$0x1FDF0]  }
0x153: {  	v4 =	vadd.f32 v4, v50;
	v47 =	vadd.f32 v57, v2;
	v2 =	vld [tilespmem:$0x1FE10]  }
0x154: {  	v25 =	vadd.f32 v48, v39;
	v53 =	vadd.f32 v34, v20;
	v20 =	vmul.f32 v46, v32;
	v32 =	vld [tilespmem:s17+$0x4280]  }
0x155: {  	v29 =	vld [tilespmem:s17+$0x80];
	v17 =	vmul.f32 v1, v11;
	v50 =	vadd.f32 v9, v4;
	v9 =	vmul.f32 v6, v21  }
0x156: {  	v20 =	vadd.f32 v20, v58;
	v41 =	vadd.f32 v18, v25;
	v18 =	vld [tilespmem:s17+$0x180]  }
0x157: {  	[tilespmem:$0x1FDC0] =	vst v17;
	v17 =	vld [tilespmem:$0x1FE20];
	v9 =	vadd.f32 v9, v24;
	v24 =	vmul.f32 v13, v16  }
0x158: {  	v19 =	vld [tilespmem:s17+$0x4210];
	v58 =	vadd.f32 v5, v20;
	v20 =	vadd.f32 v2, v55;
	v2 =	vmul.f32 v13, v11  }
0x159: {  	[tilespmem:$0x1FDD0] =	vst v24;
	v24 =	vld [tilespmem:$0x1FE00]  }
0x15a: {  	v12 =	vld [tilespmem:s20+$0x0];
	[tilespmem:$0x1FDB0] =	vst v2;
	v2 =	vmul.f32 v29, v21  }
0x15b: {  	v22 =	vld [tilespmem:s17+$0x280];
	v4 =	vmul.f32 v35, v10  }
0x15c: {  	v55 =	vld [tilespmem:s19+$0x4000];
	v17 =	vadd.f32 v2, v17;
	v2 =	vmul.f32 v18, v21  }
0x15d: {  	v23 =	vld [tilespmem:s17+$0x190];
	v57 =	vmul.f32 v14, v19;
	v4 =	vadd.f32 v4, v9  }
0x15e: {  	v9 =	vmul.f32 v14, v16;
	v37 =	vadd.f32 v2, v24;
	v2 =	vmul.f32 v14, v11;
	v14 =	vld [tilespmem:$0x1FE30]  }
0x15f: {  	v62 =	vadd.f32 v60, v62;
	v27 =	vadd.f32 v59, v43;
	v59 =	vmul.f32 v15, v49  }
0x160: {  	v56 =	vadd.f32 v36, v56;
	v61 =	vmul.f32 v29, v32;
	v39 =	vmul.f32 v12, v10  }
0x161: {  	v0 =	vadd.f32 v38, v0;
	v34 =	vmul.f32 v1, v10;
	[tilespmem:$0x1FDF0] =	vst v4;
	v4 =	vmul.f32 v22, v55  }
0x162: {  	v43 =	vadd.f32 v31, v27;
	v40 =	vmul.f32 v13, v10;
	v38 =	vmul.f32 v15, v21  }
0x163: {  	v46 =	vld [tilespmem:s31+$0x0];
	v48 =	vmul.f32 v18, v32;
	v60 =	vmul.f32 v23, v11;
	v14 =	vadd.f32 v4, v14  }
0x164: {  	v56 =	vadd.f32 v38, v56;
	v38 =	vmul.f32 v12, v16;
	v3 =	vadd.f32 v3, v17;
	[tilespmem:$0x1FDE0] =	vst v2;
	v2 =	vld [tilespmem:s19+$0x0]  }
0x165: {  	v31 =	vmul.f32 v8, v11;
	v5 =	vmul.f32 v23, v10;
	v9 =	vadd.f32 v9, v14  }
0x166: {  	v63 =	vmul.f32 v6, v49;
	[tilespmem:$0x1FE20] =	vst v3;
	v3 =	vmul.f32 v22, v49  }
0x167: {  	v62 =	vadd.f32 v48, v62;
	v25 =	vmul.f32 v6, v55;
	v6 =	vmul.f32 v6, v32;
	[tilespmem:$0x1FE30] =	vst v9;
	v9 =	vld [tilespmem:$0x1FE40]  }
0x168: {  	v48 =	vmul.f32 v46, v49;
	v27 =	vmul.f32 v29, v55;
	v26 =	vadd.f32 v3, v26  }
0x169: {  	v6 =	vadd.f32 v6, v30;
	v3 =	vld [tilespmem:$0x1FE50];
	v5 =	vadd.f32 v5, v37;
	v30 =	vmul.f32 v2, v55  }
0x16a: {  	v24 =	vmul.f32 v8, v16;
	v26 =	vadd.f32 v57, v26;
	v37 =	vmul.f32 v35, v11  }
0x16b: {  	v57 =	vmul.f32 v23, v19;
	[tilespmem:$0x1FE00] =	vst v5;
	v5 =	vmul.f32 v1, v19;
	v4 =	vld [tilespmem:s17+$0x200];
	v0 =	vadd.f32 v30, v0  }
0x16c: {  	v17 =	vmul.f32 v2, v32;
	v30 =	vadd.f32 v37, v6;
	v6 =	vld [tilespmem:$0x1FD80];
	v14 =	vadd.f32 v61, v9  }
0x16d: {  	v27 =	vadd.f32 v27, v33;
	v1 =	vmul.f32 v1, v16;
	[tilespmem:$0x1FE10] =	vst v5;
	v5 =	vmul.f32 v23, v16  }
0x16e: {  	s13 =	sadd.s32 $0x2, s13;
	v33 =	vmovc v39;
	v36 =	vadd.f32 v17, v3;
	v17 =	vmul.f32 v46, v55;
	v14 =	vadd.f32 v31, v14  }
0x16f: {  	p0 =	slt.u32 s13, $0x7E;
	v39 =	vmovc v41;
	v41 =	vld [tilespmem:$0x1FD50];
	v61 =	vmul.f32 v18, v49;
	v18 =	vmul.f32 v18, v55;
	v31 =	vadd.f32 v24, v27  }
.Ltmp1:
0x170: {  	v37 =	vld [tilespmem:$0x1FD70];
	v24 =	vadd.f32 v25, v28;
	v27 =	vmul.f32 v35, v16;
	[tilespmem:$0x1FE40] =	vst v14;
	v14 =	vmul.f32 v12, v11;
	(pc) =	sbr.rel @p0 .LBB2_4-.Ltmp1, $4  }
0x171: {  	v7 =	vadd.f32 v17, v7;
	v25 =	vmul.f32 v4, v49;
	v18 =	vadd.f32 v18, v6;
	v6 =	vld [tilespmem:s16+$0x0]  }
0x172: {  	v3 =	vmul.f32 v2, v49;
	v28 =	vadd.f32 v27, v24;
	v24 =	vld [tilespmem:$0x1FDA0];
	v14 =	vadd.f32 v14, v36  }
0x173: {  	v17 =	vmul.f32 v4, v55;
	v9 =	vmul.f32 v15, v55;
	v55 =	vadd.f32 v25, v20;
	v36 =	vmovc v40;
	v40 =	vld [tilespmem:$0x1FD60]  }
0x174: {  	s14 =	sadd.s32 $0x1, s14;
	s15 =	sadd.s32 $0x20, s15;
	v20 =	vmul.f32 v22, v21;
	v27 =	vmov v34;
	v34 =	vld [tilespmem:$0x1FD90];
	[tilespmem:$0x1FE50] =	vst v14;
	v14 =	vmul.f32 v4, v21  }
0x175: {  	v60 =	vadd.f32 v60, v62;
	v63 =	vadd.f32 v63, v52  }
0x176: {  	v23 =	vmul.f32 v2, v21;
	v2 =	vadd.f32 v5, v18;
	v9 =	vadd.f32 v9, v54  }
0x177: {  	v62 =	vmul.f32 v46, v32;
	v3 =	vadd.f32 v3, v44;
	v20 =	vadd.f32 v20, v53  }
0x178: {  	v12 =	vmul.f32 v12, v19;
	v54 =	vadd.f32 v14, v45;
	v45 =	vadd.f32 v61, v47  }
0x179: {  	v16 =	vmul.f32 v6, v16;
	v17 =	vadd.f32 v17, v24;
	v23 =	vadd.f32 v23, v51  }
0x17a: {  	v14 =	vadd.f32 v62, v58;
	v24 =	vmul.f32 v15, v32;
	v15 =	vadd.f32 v12, v3  }
0x17b: {  	v25 =	vmul.f32 v35, v19;
	v16 =	vadd.f32 v16, v7;
	v7 =	vadd.f32 v36, v56  }
0x17c: {  	v27 =	vadd.f32 v27, v54;
	v36 =	vld [tilespmem:$0x1FDD0];
	v35 =	vadd.f32 v1, v17  }
0x17d: {  	v44 =	vmul.f32 v8, v19;
	v1 =	vadd.f32 v25, v63;
	v34 =	vadd.f32 v34, v20  }
0x17e: {  	v51 =	vmovc v26;
	v26 =	vadd.f32 v33, v23;
	v63 =	vmul.f32 v29, v49;
	v23 =	vadd.f32 v59, v43  }
0x17f: {  	v56 =	vld [tilespmem:$0x1FDC0];
	v25 =	vmul.f32 v4, v32;
	v29 =	vmul.f32 v13, v19;
	v33 =	vadd.f32 v24, v40  }
0x180: {  	v61 =	vld [tilespmem:$0x1FDF0];
	v40 =	vmul.f32 v46, v21;
	v49 =	vadd.f32 v48, v39;
	v21 =	vadd.f32 v38, v0  }
0x181: {  	v32 =	vmul.f32 v22, v32;
	v17 =	vadd.f32 v63, v41;
	v9 =	vadd.f32 v36, v9;
	v36 =	vld [tilespmem:$0x1FFC0]  }
0x182: {  	v52 =	vmul.f32 v6, v19;
	v43 =	vld [tilespmem:$0x1FDB0];
	v4 =	vadd.f32 v29, v23;
	v41 =	vadd.f32 v25, v50  }
0x183: {  	v10 =	vmul.f32 v6, v10;
	v46 =	vadd.f32 v40, v42;
	v12 =	vadd.f32 v32, v37;
	v50 =	vld [tilespmem:$0x1FDE0]  }
0x184: {  	v53 =	vmul.f32 v6, v11;
	v19 =	vadd.f32 v52, v49;
	v22 =	vadd.f32 v56, v41;
	v41 =	vld [tilespmem:$0x1FE40]  }
0x185: {  	v23 =	vadd.f32 v57, v45;
	v17 =	vadd.f32 v44, v17;
	v56 =	vld [tilespmem:$0x1FE20]  }
0x186: {  	v8 =	vadd.f32 v10, v46;
	v10 =	vadd.f32 v53, v14;
	v47 =	vperm.xlane v1, v36  }
0x187: {  	v37 =	vld [tilespmem:$0x1FFD0];
	v20 =	vadd.f32 v43, v33;
	v58 =	vperm.xlane v30, v36;
	v59 =	vperm.xlane v28, v36  }
0x188: {  	v3 =	vadd.f32 v50, v12;
	v62 =	vperm.xlane v61, v36;
	v63 =	vperm.xlane v17, v36  }
0x189: {  	v29 =	vld [tilespmem:$0x1FE10];
	v42 =	vperm.xlane v41, v36;
	v48 =	vperm.xlane v31, v36;
	v1 =	vadd.f32 v47, v1  }
0x18a: {  	v57 =	vperm.xlane v56, v36;
	v0 =	vadd.f32 v58, v30;
	v5 =	vadd.f32 v59, v28  }
0x18b: {  	v6 =	vadd.f32 v62, v61;
	v59 =	vperm.xlane v4, v36;
	v61 =	vperm.xlane v20, v36  }
0x18c: {  	v11 =	vadd.f32 v63, v17;
	v62 =	vperm.xlane v9, v36;
	v54 =	vperm.xlane v1, v37  }
0x18d: {  	v12 =	vadd.f32 v42, v41;
	v28 =	vperm.xlane v0, v37;
	v30 =	vperm.xlane v5, v37  }
0x18e: {  	v38 =	vld [tilespmem:$0x1FFE0];
	v24 =	vadd.f32 v29, v55;
	v32 =	vperm.xlane v6, v37;
	v33 =	vperm.xlane v11, v37  }
0x18f: {  	v47 =	vperm.xlane v12, v37;
	v4 =	vadd.f32 v59, v4;
	v25 =	vadd.f32 v62, v9  }
0x190: {  	v59 =	vperm.xlane v2, v36;
	v1 =	vadd.f32 v54, v1;
	v0 =	vadd.f32 v28, v0  }
0x191: {  	v62 =	vperm.xlane v24, v36;
	v5 =	vadd.f32 v30, v5;
	v6 =	vadd.f32 v32, v6  }
0x192: {  	v39 =	vld [tilespmem:$0x1FFF0];
	v11 =	vadd.f32 v33, v11;
	v33 =	vperm.xlane v4, v37;
	v41 =	vperm.xlane v25, v37  }
0x193: {  	v24 =	vadd.f32 v62, v24;
	v18 =	vperm.xlane v1, v38;
	v43 =	vperm.xlane v0, v38  }
0x194: {  	v44 =	vperm.xlane v5, v38;
	v45 =	vperm.xlane v6, v38;
	v4 =	vadd.f32 v33, v4  }
0x195: {  	v46 =	vperm.xlane v11, v38;
	v1 =	vadd.f32 v18, v1;
	v0 =	vadd.f32 v43, v0  }
0x196: {  	v6 =	vadd.f32 v45, v6;
	v18 =	vadd.f32 v48, v31;
	v48 =	vperm.xlane v23, v36  }
0x197: {  	v17 =	vadd.f32 v46, v11;
	v43 =	vperm.xlane v7, v36;
	v40 =	vperm.xlane v1, v39  }
0x198: {  	v49 =	vperm.xlane v0, v39;
	v52 =	vperm.xlane v6, v39;
	v23 =	vadd.f32 v48, v23  }
0x199: {  	v53 =	vperm.xlane v17, v39;
	v13 =	vadd.f32 v40, v1;
	v1 =	vadd.f32 v44, v5  }
0x19a: {  	v55 =	vperm.xlane v18, v37;
	v5 =	vadd.f32 v47, v12;
	v11 =	vadd.f32 v49, v0  }
0x19b: {  	v45 =	vperm.xlane v4, v38;
	v12 =	vadd.f32 v52, v6;
	v17 =	vadd.f32 v53, v17  }
0x19c: {  	v58 =	vadd.f32 v55, v18;
	v0 =	vadd.f32 v57, v56;
	v28 =	vperm.xlane v23, v37  }
0x19d: {  	v18 =	vadd.f32 v61, v20;
	v56 =	vperm.xlane v60, v36;
	v50 =	vperm.xlane v1, v39  }
0x19e: {  	v20 =	vadd.f32 v41, v25;
	v54 =	vperm.xlane v5, v38;
	v30 =	vperm.xlane v58, v38  }
0x19f: {  	v31 =	vperm.xlane v0, v37;
	v40 =	vperm.xlane v18, v37;
	v14 =	vadd.f32 v50, v1  }
0x1a0: {  	v25 =	vperm.xlane v20, v38;
	v1 =	vadd.f32 v54, v5;
	v32 =	vadd.f32 v30, v58  }
0x1a1: {  	v13 =	vsel vm0, v13, v17;
	v0 =	vadd.f32 v31, v0;
	v6 =	vadd.f32 v40, v18  }
0x1a2: {  	v5 =	vadd.f32 v43, v7;
	v58 =	vadd.f32 v28, v23;
	v43 =	vperm.xlane v24, v37  }
0x1a3: {  	v23 =	vadd.f32 v59, v2;
	v59 =	vperm.xlane v27, v36;
	v63 =	vperm.xlane v1, v39  }
0x1a4: {  	v20 =	vadd.f32 v25, v20;
	v42 =	vperm.xlane v32, v39;
	v44 =	vperm.xlane v0, v38  }
0x1a5: {  	v46 =	vperm.xlane v6, v38;
	v47 =	vperm.xlane v5, v37;
	v24 =	vadd.f32 v43, v24  }
0x1a6: {  	v54 =	vperm.xlane v20, v39;
	v9 =	vadd.f32 v63, v1;
	v0 =	vadd.f32 v44, v0  }
0x1a7: {  	v41 =	vperm.xlane v23, v37;
	v1 =	vadd.f32 v45, v4;
	v6 =	vadd.f32 v46, v6  }
0x1a8: {  	v62 =	vld [tilespmem:$0x1FE30];
	v52 =	vadd.f32 v47, v5;
	v63 =	vperm.xlane v58, v38;
	v44 =	vperm.xlane v22, v36  }
0x1a9: {  	v5 =	vadd.f32 v54, v20;
	v48 =	vperm.xlane v24, v38;
	v49 =	vperm.xlane v0, v39  }
0x1aa: {  	v20 =	vadd.f32 v41, v23;
	v50 =	vperm.xlane v1, v39;
	v53 =	vperm.xlane v6, v39  }
0x1ab: {  	v55 =	vperm.xlane v52, v38;
	v40 =	vadd.f32 v63, v58;
	v22 =	vadd.f32 v44, v22  }
0x1ac: {  	v46 =	vperm.xlane v20, v38;
	v24 =	vadd.f32 v48, v24;
	v0 =	vadd.f32 v49, v0  }
0x1ad: {  	v63 =	vperm.xlane v62, v36;
	v4 =	vadd.f32 v50, v1;
	v1 =	vadd.f32 v53, v6  }
0x1ae: {  	v57 =	vadd.f32 v55, v52;
	v6 =	vadd.f32 v56, v60;
	v30 =	vperm.xlane v40, v39  }
0x1af: {  	v7 =	vadd.f32 v46, v20;
	v49 =	vperm.xlane v22, v37;
	v50 =	vperm.xlane v35, v36  }
0x1b0: {  	v18 =	vadd.f32 v42, v32;
	v60 =	vld [tilespmem:$0x1FE00];
	v56 =	vperm.xlane v24, v39;
	v29 =	vperm.xlane v57, v39  }
0x1b1: {  	v43 =	vld [tilespmem:$0x1FE50];
	v33 =	vperm.xlane v6, v37;
	v53 =	vperm.xlane v7, v39;
	v20 =	vadd.f32 v49, v22  }
0x1b2: {  	v54 =	vadd.f32 v50, v35;
	v4 =	vsel vm1, v13, v4;
	v2 =	vadd.f32 v29, v57  }
0x1b3: {  	v6 =	vadd.f32 v33, v6;
	v29 =	vadd.f32 v30, v40;
	v57 =	vperm.xlane v20, v38  }
0x1b4: {  	v28 =	vadd.f32 v53, v7;
	v58 =	vperm.xlane v54, v37;
	v30 =	vadd.f32 v63, v62  }
0x1b5: {  	v61 =	vperm.xlane v60, v36;
	v45 =	vperm.xlane v6, v38;
	v20 =	vadd.f32 v57, v20  }
0x1b6: {  	v22 =	vadd.f32 v58, v54;
	v57 =	vperm.xlane v43, v36;
	v58 =	vperm.xlane v21, v36  }
0x1b7: {  	v4 =	vsel vm2, v4, v29;
	v25 =	vadd.f32 v61, v60;
	v61 =	vperm.xlane v3, v36  }
0x1b8: {  	v60 =	vperm.xlane v51, v36;
	v6 =	vadd.f32 v45, v6;
	v31 =	vperm.xlane v20, v39  }
0x1b9: {  	v32 =	vperm.xlane v22, v38;
	v42 =	vperm.xlane v25, v37;
	v3 =	vadd.f32 v61, v3  }
0x1ba: {  	v45 =	vperm.xlane v34, v36;
	v21 =	vadd.f32 v58, v21;
	v52 =	vperm.xlane v6, v39  }
0x1bb: {  	v22 =	vadd.f32 v32, v22;
	v25 =	vadd.f32 v42, v25;
	v41 =	vperm.xlane v3, v37  }
0x1bc: {  	v20 =	vadd.f32 v31, v20;
	v31 =	vadd.f32 v45, v34;
	v42 =	vperm.xlane v30, v37  }
0x1bd: {  	v44 =	vperm.xlane v22, v39;
	v47 =	vperm.xlane v25, v38;
	v3 =	vadd.f32 v41, v3  }
0x1be: {  	v6 =	vadd.f32 v52, v6;
	v50 =	vperm.xlane v31, v37;
	v30 =	vadd.f32 v42, v30  }
0x1bf: {  	v22 =	vadd.f32 v44, v22;
	v23 =	vadd.f32 v47, v25;
	v48 =	vperm.xlane v3, v38  }
0x1c0: {  	v25 =	vadd.f32 v60, v51;
	v49 =	vperm.xlane v30, v38;
	v51 =	vperm.xlane v15, v36  }
0x1c1: {  	v31 =	vadd.f32 v50, v31;
	v60 =	vperm.xlane v19, v36;
	v55 =	vperm.xlane v23, v39  }
0x1c2: {  	v40 =	vperm.xlane v25, v37;
	v3 =	vadd.f32 v48, v3;
	v30 =	vadd.f32 v49, v30  }
0x1c3: {  	v15 =	vadd.f32 v51, v15;
	v19 =	vadd.f32 v60, v19;
	v48 =	vperm.xlane v10, v36  }
0x1c4: {  	v7 =	vadd.f32 v55, v23;
	v23 =	vadd.f32 v56, v24;
	v54 =	vperm.xlane v3, v39  }
0x1c5: {  	v24 =	vadd.f32 v59, v27;
	v55 =	vperm.xlane v30, v39;
	v56 =	vperm.xlane v31, v38  }
0x1c6: {  	v25 =	vadd.f32 v40, v25;
	v34 =	vperm.xlane v15, v37;
	v59 =	vperm.xlane v26, v36  }
0x1c7: {  	v40 =	vperm.xlane v21, v37;
	v10 =	vadd.f32 v48, v10;
	v3 =	vadd.f32 v54, v3  }
0x1c8: {  	v33 =	vperm.xlane v24, v37;
	v27 =	vadd.f32 v55, v30;
	v31 =	vadd.f32 v56, v31  }
0x1c9: {  	v47 =	vperm.xlane v25, v38;
	v15 =	vadd.f32 v34, v15;
	v30 =	vadd.f32 v57, v43  }
0x1ca: {  	v26 =	vadd.f32 v59, v26;
	v34 =	vperm.xlane v19, v37;
	v21 =	vadd.f32 v40, v21  }
0x1cb: {  	v43 =	vperm.xlane v16, v36;
	v54 =	vperm.xlane v10, v37;
	v56 =	vsel vm0, v14, v18  }
0x1cc: {  	v55 =	vperm.xlane v8, v36;
	v4 =	vsel vm3, v4, v23;
	v5 =	vsel vm1, v56, v5  }
0x1cd: {  	v24 =	vadd.f32 v33, v24;
	v61 =	vperm.xlane v31, v39;
	v62 =	vperm.xlane v15, v38  }
0x1ce: {  	v25 =	vadd.f32 v47, v25;
	v63 =	vperm.xlane v30, v37;
	v41 =	vperm.xlane v26, v37  }
0x1cf: {  	v19 =	vadd.f32 v34, v19;
	v45 =	vperm.xlane v21, v38;
	v16 =	vadd.f32 v43, v16  }
0x1d0: {  	v10 =	vadd.f32 v54, v10;
	v8 =	vadd.f32 v55, v8;
	v5 =	vsel vm2, v5, v28  }
0x1d1: {  	v5 =	vsel vm3, v5, v22;
	v46 =	vperm.xlane v24, v38;
	v31 =	vadd.f32 v61, v31  }
0x1d2: {  	v53 =	vperm.xlane v25, v39;
	v15 =	vadd.f32 v62, v15;
	v30 =	vadd.f32 v63, v30  }
0x1d3: {  	v26 =	vadd.f32 v41, v26;
	v47 =	vperm.xlane v19, v38;
	v49 =	vperm.xlane v16, v37  }
0x1d4: {  	v21 =	vadd.f32 v45, v21;
	v58 =	vperm.xlane v8, v37;
	v5 =	vsel vm4, v5, v27  }
0x1d5: {  	v59 =	vperm.xlane v10, v38;
	v24 =	vadd.f32 v46, v24;
	v16 =	vadd.f32 v49, v16  }
0x1d6: {  	v25 =	vadd.f32 v53, v25;
	v42 =	vperm.xlane v15, v39;
	v44 =	vperm.xlane v30, v38  }
0x1d7: {  	v46 =	vperm.xlane v26, v38;
	v19 =	vadd.f32 v47, v19;
	v35 =	vperm.xlane v16, v38  }
0x1d8: {  	v51 =	vperm.xlane v21, v39;
	v8 =	vadd.f32 v58, v8;
	v10 =	vadd.f32 v59, v10  }
0x1d9: {  	v52 =	vperm.xlane v24, v39;
	v15 =	vadd.f32 v42, v15;
	v16 =	vadd.f32 v35, v16  }
0x1da: {  	v30 =	vadd.f32 v44, v30;
	v26 =	vadd.f32 v46, v26;
	v53 =	vperm.xlane v19, v39  }
0x1db: {  	v21 =	vadd.f32 v51, v21;
	v4 =	vsel vm4, v4, v25;
	v57 =	vperm.xlane v16, v39  }
0x1dc: {  	v60 =	vperm.xlane v8, v38;
	v61 =	vperm.xlane v10, v39;
	v19 =	vadd.f32 v53, v19  }
0x1dd: {  	v24 =	vadd.f32 v52, v24;
	v4 =	vsel vm5, v4, v15;
	v13 =	vadd.f32 v57, v16  }
0x1de: {  	v50 =	vperm.xlane v30, v39;
	v5 =	vsel vm5, v5, v21;
	v4 =	vsel vm6, v4, v19  }
0x1df: {  	v52 =	vperm.xlane v26, v39;
	v4 =	vsel vm7, v4, v11;
	v5 =	vsel vm6, v5, v13  }
0x1e0: {  	v8 =	vadd.f32 v60, v8;
	v4 =	vsel vm8, v4, v9;
	v5 =	vsel vm7, v5, v12  }
0x1e1: {  	v30 =	vadd.f32 v50, v30;
	v1 =	vsel vm9, v4, v1;
	v0 =	vsel vm8, v5, v0  }
0x1e2: {  	v26 =	vadd.f32 v52, v26;
	v1 =	vsel vm10, v1, v6;
	v0 =	vsel vm9, v0, v2  }
0x1e3: {  	v62 =	vperm.xlane v8, v39;
	v1 =	vsel vm11, v1, v20;
	v0 =	vsel vm10, v0, v7  }
0x1e4: {  	v1 =	vsel vm12, v1, v3;
	v2 =	vadd.f32 v61, v10;
	v0 =	vsel vm11, v0, v24  }
0x1e5: {  	v63 =	vadd.f32 v62, v8;
	v1 =	vsel vm13, v1, v30;
	v0 =	vsel vm12, v0, v31  }
0x1e6: {  	v1 =	vsel vm14, v1, v2;
	v0 =	vsel vm13, v0, v26  }
0x1e7: {  	v1 =	vmul.f32 $1.428571460e+00, v1;
	v0 =	vsel vm14, v0, v63  }
0x1e8: {  	s11 =	sadd.s32 $0x1, s11;
	v0 =	vmul.f32 $1.428571460e+00, v0  }
0x1e9: {  	p0 =	sne.s32 s11, s6;
	[tilespmem:$0x10020] =	vst v1  }
.Ltmp2:
0x1ea: {  	[tilespmem:$0x10030] =	vst v0;
	(pc) =	sbr.rel @p0 .LBB2_1-.Ltmp2, $4  }
0x1eb: {  	[hbm4b:s5+s3] =	stream.linear.scatter [tilespmem:s10], [sflag:$0x4], $0x40, $0x38;
	[tilespmem:$0x10080] =	vst v63  }
0x1ec: {  	_ =	swait.ge [sflag:s7], $0x40  }
0x1ed: {  	[sflag:s7] =	ssyncset.done $0x0  }
0x1ee: {  	[sflag:s7] =	ssyncadd.s32 $0xFFFFFFC0  }
0x1ef: {  	_ =	sfence.sel $0x180000  }
0x1f0: {  	[bflag:$0x0] =	sbarrier.arrive $0xFFFF  }
0x1f1: {  	p0 =	sne.s32 s2, $0x0;
	_ =	strace $0x90000047  }
0x1f2: {  	s0 =	sadd.s32 @!p0 $0x100000, s1;
	[bflag:$0x2] =	sbarrier.arrive $0xFFFF  }
0x1f3: {  	[sflag:s0] =	ssyncadd.tile.s32 @!p0 $0x1;
	_ =	shalt  }
.Lfunc_end2:
_tile_overlayer_lowered:
.L_overlay_start_2:
0x1f4: {  	(tag) =	ssettag $0x2  }
0x1f5: {  	s0 =	rddreg [dreg:$0x0];
	s2 =	stileid.u32  }
0x1f6: {  	s1 =	rddreg [dreg:$0x1];
	p0 =	sne.s32 s2, $0x0  }
0x1f7: {  	s3 =	rddreg [dreg:$0x2];
	[bflag:$0x3] =	sbarrier.arrive $0xFFFF;
	s2 =	simm.s32 @!p0 $0x1C04  }
0x1f8: {  	[timem:s3], [sflag:s2] =	dma.local @!p0 [hbm:s0], s1  }
0x1f9: {  	s0 =	simm.s32 @!p0 $0x4  }
0x1fa: {  	_ =	swait.ge @!p0 [sflag:s0], s1  }
0x1fb: {  	s1 =	ssub.s32 @!p0 $0x0, s1;
	[sflag:s0] =	ssyncset.done @!p0 $0x0  }
0x1fc: {  	[sflag:s0] =	ssyncadd.s32 @!p0 s1  }
0x1fd: {  	[bflag:$0x3] =	sbarrier.arrive $0xFFFF  }
0x1fe: {  	_ =	shalt  }

</sc_bundles>
